<compile_context>
chip_gen: v7x
topology: tpu7x:2x2x1
jax: 0.10.2.dev20260603
libtpu: 0.0.44.dev20260713+nightly
codegen_flags: <defaults>
</compile_context>

<pallas_src>
import functools

import jax
import jax.numpy as jnp
from jax import lax
from jax.experimental import pallas as pl
from jax.experimental.pallas import tpu as pltpu
from jax.experimental.pallas import tpu_sc as plsc

NC, NS, L = 2, 16, 16
K = 128
KD = 80
N_PAD = 10240
RP = N_PAD // NS
ZR = 64
DEGW = 16

_f32 = jnp.float32


def _mesh():
    return plsc.VectorSubcoreMesh(core_axis_name="c", subcore_axis_name="s")


def _sc_degree(C, K):

    @functools.partial(
        pl.kernel,
        out_type=jax.ShapeDtypeStruct((NC, N_PAD, DEGW), _f32),
        mesh=_mesh(),
        scratch_types=[
            pltpu.VMEM((C, K), jnp.int32),
            pltpu.VMEM((K, DEGW), _f32),
            pltpu.VMEM((ZR, DEGW), _f32),
            pltpu.VMEM_SHARED((N_PAD, DEGW), _f32),
            pltpu.SemaphoreType.DMA,
        ],
        compiler_params=pltpu.CompilerParams(use_tc_tiling_on_sc=False),
    )
    def deg_kernel(edges_hbm, out_hbm, dst_v, ones_v, zb_v, acc_sh, ssem):
        c = lax.axis_index("c")
        s = lax.axis_index("s")
        pltpu.sync_copy(edges_hbm.at[1, c, s], dst_v)

        def fill_ones(i, _):
            ones_v[i, :] = jnp.ones((L,), _f32)
            return 0

        lax.fori_loop(0, K, fill_ones, 0)

        def fill_zero(i, _):
            zb_v[i, :] = jnp.zeros((L,), _f32)
            return 0

        lax.fori_loop(0, ZR, fill_zero, 0)
        for t in range(RP // ZR):
            pltpu.sync_copy(zb_v, acc_sh.at[pl.ds(s * RP + t * ZR, ZR)])
        plsc.subcore_barrier()

        def body(i, _):
            pltpu.async_copy(ones_v, acc_sh.at[dst_v.at[i]], ssem, add=True)
            return 0

        lax.fori_loop(0, C, body, 0)

        def drain(i, _):
            pltpu.make_async_copy(ones_v, acc_sh.at[dst_v.at[i]], ssem).wait()
            return 0

        lax.fori_loop(0, C, drain, 0)
        plsc.subcore_barrier()
        pltpu.sync_copy(acc_sh.at[pl.ds(s * RP, RP)],
                        out_hbm.at[c, pl.ds(s * RP, RP)])

    return deg_kernel


def _sc_aggregate(C, F, NROWS):
    _bf = jnp.bfloat16

    @functools.partial(
        pl.kernel,
        out_type=jax.ShapeDtypeStruct((NC, N_PAD, F), _bf),
        mesh=_mesh(),
        scratch_types=[
            pltpu.VMEM((C, K), jnp.int32),
            pltpu.VMEM((C, K), jnp.int32),
            pltpu.VMEM((K, F), _bf),
            pltpu.VMEM((ZR, F), _bf),
            pltpu.VMEM_SHARED((N_PAD, F), _bf),
            pltpu.VMEM_SHARED((NROWS, F), _bf),
            pltpu.SemaphoreType.DMA,
        ],
        compiler_params=pltpu.CompilerParams(use_tc_tiling_on_sc=False),
    )
    def agg_kernel(g_hbm, src_hbm, dst_hbm, out_hbm,
                   src_v, dst_v, rows_v, zb_v, acc_sh, g_sh, sem):
        c = lax.axis_index("c")
        s = lax.axis_index("s")
        pltpu.sync_copy(src_hbm.at[c, s], src_v)
        pltpu.sync_copy(dst_hbm.at[c, s], dst_v)
        gr = NROWS // NS
        pltpu.sync_copy(g_hbm.at[pl.ds(s * gr, gr)], g_sh.at[pl.ds(s * gr, gr)])

        def fill_zero(i, _):
            for j in range(F // (2 * L)):
                zb_v[i, pl.ds(j * 2 * L, 2 * L)] = jnp.zeros((2 * L,), _bf)
            return 0

        lax.fori_loop(0, ZR, fill_zero, 0)
        for t in range(RP // ZR):
            pltpu.sync_copy(zb_v, acc_sh.at[pl.ds(s * RP + t * ZR, ZR)])
        plsc.subcore_barrier()

        def body(i, _):
            pltpu.async_copy(g_sh.at[src_v.at[i]], rows_v, sem).wait()
            pltpu.sync_copy(rows_v, acc_sh.at[dst_v.at[i]], add=True)
            return 0

        lax.fori_loop(0, C, body, 0)
        plsc.subcore_barrier()
        pltpu.sync_copy(acc_sh.at[pl.ds(s * RP, RP)],
                        out_hbm.at[c, pl.ds(s * RP, RP)])

    return agg_kernel


def _tc0(x, W1, z_ref):
    z_ref[...] = jnp.dot(x[...], W1[...], preferred_element_type=_f32)


def _tc1(N):
    def body(dp, z, dinv_ref, g1_ref, g1b_ref):
        deg = dp[0, :N, 0:1] + dp[1, :N, 0:1] + 1.0
        dv = lax.rsqrt(deg)
        G = dv * z[...]
        dinv_ref[...] = dv[:, 0]
        g1_ref[...] = G
        g1b_ref[...] = G.astype(jnp.bfloat16)
    return body


def _tc2(N):
    def body(a, g1, dinv, W2, b1, g2_ref, g2b_ref):
        dv = dinv[...].reshape(-1, 1)
        agg = a[0, :N].astype(_f32) + a[1, :N].astype(_f32)
        H1 = jnp.maximum(dv * (agg + g1[...]) + b1[...][None, :], 0.0)
        G = dv * jnp.dot(H1, W2[...], preferred_element_type=_f32)
        g2_ref[...] = G
        g2b_ref[...] = G.astype(jnp.bfloat16)
    return body


def _tc3(N):
    def body(a, g2, dinv, b2, g3_ref, g3b_ref):
        dv = dinv[...].reshape(-1, 1)
        agg = a[0, :N].astype(_f32) + a[1, :N].astype(_f32)
        H2 = jnp.maximum(dv * (agg + g2[...]) + b2[...][None, :], 0.0)
        G = dv * H2
        g3_ref[...] = G
        g3b_ref[...] = G.astype(jnp.bfloat16)
    return body


def _tc4(N):
    def body(a, g3, dinv, W3, b3, out_ref):
        dv = dinv[...].reshape(-1, 1)
        agg = a[0, :N].astype(_f32) + a[1, :N].astype(_f32)
        M = dv * (agg + g3[...])
        O = jnp.dot(M, W3[...], preferred_element_type=_f32) + b3[...][None, :]
        m = jnp.max(O, axis=1, keepdims=True)
        out_ref[...] = O - m - jnp.log(jnp.sum(jnp.exp(O - m), axis=1, keepdims=True))
    return body


def _tc_call(body, shapes_dtypes, *args):
    out_shape = tuple(jax.ShapeDtypeStruct(sh, dt) for sh, dt in shapes_dtypes)
    if len(out_shape) == 1:
        out_shape = out_shape[0]
    return pl.pallas_call(body, out_shape=out_shape)(*args)


def kernel(x, edge_index, W1, b1, W2, b2, W3, b3):
    N = x.shape[0]
    E = edge_index.shape[1]
    H1, H2 = W1.shape[1], W2.shape[1]

    src = edge_index[0].astype(jnp.int32)
    dst = edge_index[1].astype(jnp.int32)
    SL = NC * NS
    C = -(-E // (SL * K))
    pad = SL * C * K - E
    srcp = jnp.concatenate([src, jnp.zeros((pad,), jnp.int32)]).reshape(NC, NS, C, K)
    dstp = jnp.concatenate([dst, jnp.full((pad,), N, jnp.int32)]).reshape(NC, NS, C, K)
    if E % (SL * KD) == 0:
        CD = E // (SL * KD)
        edges5 = edge_index.astype(jnp.int32).reshape(2, NC, NS, CD, KD)
    else:
        CD = C
        edges5 = jnp.stack([srcp, dstp], axis=0)

    bf = jnp.bfloat16
    degp = _sc_degree(CD, edges5.shape[4])(edges5)

    Z1 = _tc_call(_tc0, [((N, H1), _f32)], x, W1)
    dinv, G1, G1b = _tc_call(
        _tc1(N), [((N,), _f32), ((N, H1), _f32), ((N, H1), bf)], degp, Z1)

    a1 = _sc_aggregate(C, H1, N)(G1b, srcp, dstp)
    G2, G2b = _tc_call(
        _tc2(N), [((N, H2), _f32), ((N, H2), bf)], a1, G1, dinv, W2, b1)

    a2 = _sc_aggregate(C, H2, N)(G2b, srcp, dstp)
    G3, G3b = _tc_call(
        _tc3(N), [((N, H2), _f32), ((N, H2), bf)], a2, G2, dinv, b2)

    a3 = _sc_aggregate(C, H2, N)(G3b, srcp, dstp)
    out = _tc_call(
        _tc4(N), [((N, W3.shape[1]), _f32)], a3, G3, dinv, W3, b3)
    return out

# --- scband reference (transcript-rebuilt; emitter-appended) ---
"""Pipeline reference for scband-simple-gcn-13752485281891 (READ-ONLY COPY).

The authoritative reference and input builder live on the scoring server;
editing this copy changes nothing except your own understanding.
"""

import jax, jax.numpy as jnp
import numpy as np


def setup_inputs(seed: int = 0) -> dict:
    key = jax.random.key(seed)
    k1, k2, k3, k4, k5, k6, k7, k8 = jax.random.split(key, 8)
    N, E, D_IN, H1, H2, D_OUT = 10000, 320000, 128, 64, 32, 40
    x = jax.random.normal(k1, (N, D_IN), dtype=jnp.float32)
    edge_index = jax.random.randint(k2, (2, E), 0, N, dtype=jnp.int64)
    W1 = jax.random.normal(k3, (D_IN, H1), dtype=jnp.float32) * (1.0 / np.sqrt(D_IN))
    b1 = jnp.zeros((H1,), dtype=jnp.float32)
    W2 = jax.random.normal(k4, (H1, H2), dtype=jnp.float32) * (1.0 / np.sqrt(H1))
    b2 = jnp.zeros((H2,), dtype=jnp.float32)
    W3 = jax.random.normal(k5, (H2, D_OUT), dtype=jnp.float32) * (1.0 / np.sqrt(H2))
    b3 = jnp.zeros((D_OUT,), dtype=jnp.float32)
    return {"x": x, "edge_index": edge_index, "W1": W1, "b1": b1, "W2": W2, "b2": b2, "W3": W3, "b3": b3}


def reference(x, edge_index, W1, b1, W2, b2, W3, b3):
    N = x.shape[0]
    # GCNConv semantics: add self-loops, symmetric normalization D^-1/2 A_hat D^-1/2
    loops = jnp.arange(N, dtype=edge_index.dtype)
    src = jnp.concatenate([edge_index[0], loops])
    dst = jnp.concatenate([edge_index[1], loops])
    ones = jnp.ones(src.shape[0], dtype=x.dtype)
    deg = jax.ops.segment_sum(ones, dst, num_segments=N)
    dinv = jnp.where(deg > 0, deg ** -0.5, 0.0)
    norm = dinv[src] * dinv[dst]

    def conv(h, W, b):
        h = h @ W
        msgs = jnp.take(h, src, axis=0) * norm[:, None]
        return jax.ops.segment_sum(msgs, dst, num_segments=N) + b

    h = jax.nn.relu(conv(x, W1, b1))
    # F.dropout with training=False is identity (inference mode)
    h = jax.nn.relu(conv(h, W2, b2))
    h = conv(h, W3, b3)
    return jax.nn.log_softmax(h, axis=1)

if __name__ == "__main__":
    import jax
    _d = setup_inputs()
    print(jax.jit(kernel)(*tuple(_d.values())))

</pallas_src>

<mosaic_0001>
#map = affine_map<(d0, d1) -> (0, 0)>
#map1 = affine_map<(d0, d1) -> (0, 0, 0, 0)>
#map2 = affine_map<(d0, d1) -> (0, 0, 0)>
module attributes {stable_mosaic.version = 14 : i64} {
  func.func @agg_kernel(%arg0: i32, %arg1: i32, %arg2: memref<10000x64xbf16, #tpu.memory_space<hbm>>, %arg3: memref<2x16x79x128xi32, #tpu.memory_space<hbm>>, %arg4: memref<2x16x79x128xi32, #tpu.memory_space<hbm>>, %arg5: memref<2x10240x64xbf16, #tpu.memory_space<hbm>>, %arg6: memref<79x128xi32, #tpu.memory_space<vmem>>, %arg7: memref<79x128xi32, #tpu.memory_space<vmem>>, %arg8: memref<128x64xbf16, #tpu.memory_space<vmem>>, %arg9: memref<64x64xbf16, #tpu.memory_space<vmem>>, %arg10: memref<10240x64xbf16, #tpu.memory_space<vmem_shared>>, %arg11: memref<10000x64xbf16, #tpu.memory_space<vmem_shared>>, %arg12: memref<!tpu.dma_semaphore, #tpu.memory_space<semaphore_mem>>) attributes {dimension_semantics = [#tpu.dimension_semantics<core_parallel>, #tpu.dimension_semantics<subcore_parallel>], iteration_bounds = array<i64: 2, 16>, scalar_prefetch = 0 : i64, scratch_operands = 7 : i64, tpu.core_type = #tpu.core_type<sc_vector_subcore>, window_params = [{transform_indices = #map}, {transform_indices = #map1}, {transform_indices = #map1}, {transform_indices = #map2}]} {
    "tpu.region"() ({
      %run_scoped3A = tpu.sem_alloc : memref<!tpu.dma_semaphore, #tpu.memory_space<semaphore_mem>>
      %dma_start3A = arith.constant 0 : i32
      %dma_start3A_60 = arith.constant 0 : i32
      %dma_start3A_61 = tpu.memref_slice %arg3[%arg0, %arg1, %dma_start3A, %dma_start3A_60] : memref<2x16x79x128xi32, #tpu.memory_space<hbm>> -> memref<1x1x79x128xi32, #tpu.memory_space<hbm>>
      %dma_start3A_62 = tpu.memref_squeeze %dma_start3A_61 : memref<1x1x79x128xi32, #tpu.memory_space<hbm>> -> memref<79x128xi32, #tpu.memory_space<hbm>>
      %dma_start3A_63 = arith.constant 0 : i32
      %dma_start3A_64 = arith.constant 0 : i32
      %dma_start3A_65 = tpu.memref_slice %arg3[%arg0, %arg1, %dma_start3A_63, %dma_start3A_64] : memref<2x16x79x128xi32, #tpu.memory_space<hbm>> -> memref<1x1x79x128xi32, #tpu.memory_space<hbm>>
      %dma_start3A_66 = tpu.memref_squeeze %dma_start3A_65 : memref<1x1x79x128xi32, #tpu.memory_space<hbm>> -> memref<79x128xi32, #tpu.memory_space<hbm>>
      tpu.enqueue_dma source(%dma_start3A_66 : memref<79x128xi32, #tpu.memory_space<hbm>>) target(%arg6 : memref<79x128xi32, #tpu.memory_space<vmem>>) target_semaphore(%run_scoped3A : memref<!tpu.dma_semaphore, #tpu.memory_space<semaphore_mem>>)
      %dma_wait3A = arith.constant 0 : i32
      %dma_wait3A_67 = arith.constant 0 : i32
      %dma_wait3A_68 = tpu.memref_slice %arg3[%arg0, %arg1, %dma_wait3A, %dma_wait3A_67] : memref<2x16x79x128xi32, #tpu.memory_space<hbm>> -> memref<1x1x79x128xi32, #tpu.memory_space<hbm>>
      %dma_wait3A_69 = tpu.memref_squeeze %dma_wait3A_68 : memref<1x1x79x128xi32, #tpu.memory_space<hbm>> -> memref<79x128xi32, #tpu.memory_space<hbm>>
      %dma_wait3A_70 = arith.constant 0 : i32
      %dma_wait3A_71 = arith.constant 0 : i32
      %dma_wait3A_72 = tpu.memref_slice %arg3[%arg0, %arg1, %dma_wait3A_70, %dma_wait3A_71] : memref<2x16x79x128xi32, #tpu.memory_space<hbm>> -> memref<1x1x79x128xi32, #tpu.memory_space<hbm>>
      %dma_wait3A_73 = tpu.memref_squeeze %dma_wait3A_72 : memref<1x1x79x128xi32, #tpu.memory_space<hbm>> -> memref<79x128xi32, #tpu.memory_space<hbm>>
      tpu.wait_dma2 semaphore(%run_scoped3A : memref<!tpu.dma_semaphore, #tpu.memory_space<semaphore_mem>>) src(%dma_wait3A_73 : memref<79x128xi32, #tpu.memory_space<hbm>>) dst(%arg6 : memref<79x128xi32, #tpu.memory_space<vmem>>)
      tpu.yield
    }) : () -> ()
    "tpu.region"() ({
      %run_scoped3A = tpu.sem_alloc : memref<!tpu.dma_semaphore, #tpu.memory_space<semaphore_mem>>
      %dma_start3A = arith.constant 0 : i32
      %dma_start3A_60 = arith.constant 0 : i32
      %dma_start3A_61 = tpu.memref_slice %arg4[%arg0, %arg1, %dma_start3A, %dma_start3A_60] : memref<2x16x79x128xi32, #tpu.memory_space<hbm>> -> memref<1x1x79x128xi32, #tpu.memory_space<hbm>>
      %dma_start3A_62 = tpu.memref_squeeze %dma_start3A_61 : memref<1x1x79x128xi32, #tpu.memory_space<hbm>> -> memref<79x128xi32, #tpu.memory_space<hbm>>
      %dma_start3A_63 = arith.constant 0 : i32
      %dma_start3A_64 = arith.constant 0 : i32
      %dma_start3A_65 = tpu.memref_slice %arg4[%arg0, %arg1, %dma_start3A_63, %dma_start3A_64] : memref<2x16x79x128xi32, #tpu.memory_space<hbm>> -> memref<1x1x79x128xi32, #tpu.memory_space<hbm>>
      %dma_start3A_66 = tpu.memref_squeeze %dma_start3A_65 : memref<1x1x79x128xi32, #tpu.memory_space<hbm>> -> memref<79x128xi32, #tpu.memory_space<hbm>>
      tpu.enqueue_dma source(%dma_start3A_66 : memref<79x128xi32, #tpu.memory_space<hbm>>) target(%arg7 : memref<79x128xi32, #tpu.memory_space<vmem>>) target_semaphore(%run_scoped3A : memref<!tpu.dma_semaphore, #tpu.memory_space<semaphore_mem>>)
      %dma_wait3A = arith.constant 0 : i32
      %dma_wait3A_67 = arith.constant 0 : i32
      %dma_wait3A_68 = tpu.memref_slice %arg4[%arg0, %arg1, %dma_wait3A, %dma_wait3A_67] : memref<2x16x79x128xi32, #tpu.memory_space<hbm>> -> memref<1x1x79x128xi32, #tpu.memory_space<hbm>>
      %dma_wait3A_69 = tpu.memref_squeeze %dma_wait3A_68 : memref<1x1x79x128xi32, #tpu.memory_space<hbm>> -> memref<79x128xi32, #tpu.memory_space<hbm>>
      %dma_wait3A_70 = arith.constant 0 : i32
      %dma_wait3A_71 = arith.constant 0 : i32
      %dma_wait3A_72 = tpu.memref_slice %arg4[%arg0, %arg1, %dma_wait3A_70, %dma_wait3A_71] : memref<2x16x79x128xi32, #tpu.memory_space<hbm>> -> memref<1x1x79x128xi32, #tpu.memory_space<hbm>>
      %dma_wait3A_73 = tpu.memref_squeeze %dma_wait3A_72 : memref<1x1x79x128xi32, #tpu.memory_space<hbm>> -> memref<79x128xi32, #tpu.memory_space<hbm>>
      tpu.wait_dma2 semaphore(%run_scoped3A : memref<!tpu.dma_semaphore, #tpu.memory_space<semaphore_mem>>) src(%dma_wait3A_73 : memref<79x128xi32, #tpu.memory_space<hbm>>) dst(%arg7 : memref<79x128xi32, #tpu.memory_space<vmem>>)
      tpu.yield
    }) : () -> ()
    %mul3A = arith.constant 625 : i32
    %mul3A_0 = arith.muli %arg1, %mul3A : i32
    %mul3A_1 = arith.constant 625 : i32
    %mul3A_2 = arith.muli %arg1, %mul3A_1 : i32
    "tpu.region"() ({
      %run_scoped3A = tpu.sem_alloc : memref<!tpu.dma_semaphore, #tpu.memory_space<semaphore_mem>>
      %dma_start3A = arith.constant 0 : i32
      %dma_start3A_60 = tpu.memref_slice %arg11[%mul3A_2, %dma_start3A] : memref<10000x64xbf16, #tpu.memory_space<vmem_shared>> -> memref<625x64xbf16, #tpu.memory_space<vmem_shared>>
      %dma_start3A_61 = arith.constant 0 : i32
      %dma_start3A_62 = tpu.memref_slice %arg2[%mul3A_0, %dma_start3A_61] : memref<10000x64xbf16, #tpu.memory_space<hbm>> -> memref<625x64xbf16, #tpu.memory_space<hbm>>
      tpu.enqueue_dma source(%dma_start3A_62 : memref<625x64xbf16, #tpu.memory_space<hbm>>) target(%dma_start3A_60 : memref<625x64xbf16, #tpu.memory_space<vmem_shared>>) target_semaphore(%run_scoped3A : memref<!tpu.dma_semaphore, #tpu.memory_space<semaphore_mem>>)
      %dma_wait3A = arith.constant 0 : i32
      %dma_wait3A_63 = tpu.memref_slice %arg11[%mul3A_2, %dma_wait3A] : memref<10000x64xbf16, #tpu.memory_space<vmem_shared>> -> memref<625x64xbf16, #tpu.memory_space<vmem_shared>>
      %dma_wait3A_64 = arith.constant 0 : i32
      %dma_wait3A_65 = tpu.memref_slice %arg2[%mul3A_0, %dma_wait3A_64] : memref<10000x64xbf16, #tpu.memory_space<hbm>> -> memref<625x64xbf16, #tpu.memory_space<hbm>>
      tpu.wait_dma2 semaphore(%run_scoped3A : memref<!tpu.dma_semaphore, #tpu.memory_space<semaphore_mem>>) src(%dma_wait3A_65 : memref<625x64xbf16, #tpu.memory_space<hbm>>) dst(%dma_wait3A_63 : memref<625x64xbf16, #tpu.memory_space<vmem_shared>>)
      tpu.yield
    }) : () -> ()
    %scan3A = arith.constant 0 : i32
    %scan3A_3 = arith.constant 0 : i32
    %scan3A_4 = arith.constant 64 : i32
    %scan3A_5 = arith.addi %scan3A_3, %scan3A_4 : i32
    %scan3A_6 = arith.constant 1 : i32
    %scan3A_7 = scf.for %scan3A_60 = %scan3A_3 to %scan3A_5 step %scan3A_6 iter_args(%scan3A_61 = %scan3A) -> (i32)  : i32 {
      %broadcast_in_dim3A = arith.constant 0.000000e+00 : bf16
      %broadcast_in_dim3A_62 = vector.broadcast %broadcast_in_dim3A : bf16 to vector<32xbf16>
      %swap3A = arith.index_cast %scan3A_60 : i32 to index
      %swap3A_63 = arith.constant 0 : index
      %swap3A_64 = tpu.vector_load %arg9[%swap3A, %swap3A_63] {strides = array<i32>} : memref<64x64xbf16, #tpu.memory_space<vmem>>, vector<1x32xbf16>,
      %swap3A_65 = vector.shape_cast %swap3A_64 : vector<1x32xbf16> to vector<32xbf16>
      %swap3A_66 = vector.shape_cast %broadcast_in_dim3A_62 : vector<32xbf16> to vector<1x32xbf16>
      tpu.vector_store %arg9[%swap3A, %swap3A_63], %swap3A_66 {strides = array<i32>} : memref<64x64xbf16, #tpu.memory_space<vmem>>, vector<1x32xbf16>,
      %broadcast_in_dim3A_67 = arith.constant 0.000000e+00 : bf16
      %broadcast_in_dim3A_68 = vector.broadcast %broadcast_in_dim3A_67 : bf16 to vector<32xbf16>
      %swap3A_69 = arith.index_cast %scan3A_60 : i32 to index
      %swap3A_70 = arith.constant 32 : index
      %swap3A_71 = tpu.vector_load %arg9[%swap3A_69, %swap3A_70] {strides = array<i32>} : memref<64x64xbf16, #tpu.memory_space<vmem>>, vector<1x32xbf16>,
      %swap3A_72 = vector.shape_cast %swap3A_71 : vector<1x32xbf16> to vector<32xbf16>
      %swap3A_73 = vector.shape_cast %broadcast_in_dim3A_68 : vector<32xbf16> to vector<1x32xbf16>
      tpu.vector_store %arg9[%swap3A_69, %swap3A_70], %swap3A_73 {strides = array<i32>} : memref<64x64xbf16, #tpu.memory_space<vmem>>, vector<1x32xbf16>,
      %scan3A_74 = arith.constant 0 : i32
      scf.yield %scan3A_74 : i32
    }
    %scan3A_8 = arith.constant 64 : i32
    %mul3A_9 = arith.constant 640 : i32
    %mul3A_10 = arith.muli %arg1, %mul3A_9 : i32
    %add3A = arith.constant 0 : i32
    %add3A_11 = arith.addi %mul3A_10, %add3A : i32
    "tpu.region"() ({
      %run_scoped3A = tpu.sem_alloc : memref<!tpu.dma_semaphore, #tpu.memory_space<semaphore_mem>>
      %dma_start3A = arith.constant 0 : i32
      %dma_start3A_60 = tpu.memref_slice %arg10[%add3A_11, %dma_start3A] : memref<10240x64xbf16, #tpu.memory_space<vmem_shared>> -> memref<64x64xbf16, #tpu.memory_space<vmem_shared>>
      %dma_start3A_61 = arith.constant 0 : i32
      %dma_start3A_62 = tpu.memref_slice %arg10[%add3A_11, %dma_start3A_61] : memref<10240x64xbf16, #tpu.memory_space<vmem_shared>> -> memref<64x64xbf16, #tpu.memory_space<vmem_shared>>
      tpu.enqueue_dma source(%arg9 : memref<64x64xbf16, #tpu.memory_space<vmem>>) target(%dma_start3A_62 : memref<64x64xbf16, #tpu.memory_space<vmem_shared>>) target_semaphore(%run_scoped3A : memref<!tpu.dma_semaphore, #tpu.memory_space<semaphore_mem>>)
      %dma_wait3A = arith.constant 0 : i32
      %dma_wait3A_63 = tpu.memref_slice %arg10[%add3A_11, %dma_wait3A] : memref<10240x64xbf16, #tpu.memory_space<vmem_shared>> -> memref<64x64xbf16, #tpu.memory_space<vmem_shared>>
      %dma_wait3A_64 = arith.constant 0 : i32
      %dma_wait3A_65 = tpu.memref_slice %arg10[%add3A_11, %dma_wait3A_64] : memref<10240x64xbf16, #tpu.memory_space<vmem_shared>> -> memref<64x64xbf16, #tpu.memory_space<vmem_shared>>
      tpu.wait_dma2 semaphore(%run_scoped3A : memref<!tpu.dma_semaphore, #tpu.memory_space<semaphore_mem>>) src(%arg9 : memref<64x64xbf16, #tpu.memory_space<vmem>>) dst(%dma_wait3A_65 : memref<64x64xbf16, #tpu.memory_space<vmem_shared>>)
      tpu.yield
    }) : () -> ()
    %mul3A_12 = arith.constant 640 : i32
    %mul3A_13 = arith.muli %arg1, %mul3A_12 : i32
    %add3A_14 = arith.constant 64 : i32
    %add3A_15 = arith.addi %mul3A_13, %add3A_14 : i32
    "tpu.region"() ({
      %run_scoped3A = tpu.sem_alloc : memref<!tpu.dma_semaphore, #tpu.memory_space<semaphore_mem>>
      %dma_start3A = arith.constant 0 : i32
      %dma_start3A_60 = tpu.memref_slice %arg10[%add3A_15, %dma_start3A] : memref<10240x64xbf16, #tpu.memory_space<vmem_shared>> -> memref<64x64xbf16, #tpu.memory_space<vmem_shared>>
      %dma_start3A_61 = arith.constant 0 : i32
      %dma_start3A_62 = tpu.memref_slice %arg10[%add3A_15, %dma_start3A_61] : memref<10240x64xbf16, #tpu.memory_space<vmem_shared>> -> memref<64x64xbf16, #tpu.memory_space<vmem_shared>>
      tpu.enqueue_dma source(%arg9 : memref<64x64xbf16, #tpu.memory_space<vmem>>) target(%dma_start3A_62 : memref<64x64xbf16, #tpu.memory_space<vmem_shared>>) target_semaphore(%run_scoped3A : memref<!tpu.dma_semaphore, #tpu.memory_space<semaphore_mem>>)
      %dma_wait3A = arith.constant 0 : i32
      %dma_wait3A_63 = tpu.memref_slice %arg10[%add3A_15, %dma_wait3A] : memref<10240x64xbf16, #tpu.memory_space<vmem_shared>> -> memref<64x64xbf16, #tpu.memory_space<vmem_shared>>
      %dma_wait3A_64 = arith.constant 0 : i32
      %dma_wait3A_65 = tpu.memref_slice %arg10[%add3A_15, %dma_wait3A_64] : memref<10240x64xbf16, #tpu.memory_space<vmem_shared>> -> memref<64x64xbf16, #tpu.memory_space<vmem_shared>>
      tpu.wait_dma2 semaphore(%run_scoped3A : memref<!tpu.dma_semaphore, #tpu.memory_space<semaphore_mem>>) src(%arg9 : memref<64x64xbf16, #tpu.memory_space<vmem>>) dst(%dma_wait3A_65 : memref<64x64xbf16, #tpu.memory_space<vmem_shared>>)
      tpu.yield
    }) : () -> ()
    %mul3A_16 = arith.constant 640 : i32
    %mul3A_17 = arith.muli %arg1, %mul3A_16 : i32
    %add3A_18 = arith.constant 128 : i32
    %add3A_19 = arith.addi %mul3A_17, %add3A_18 : i32
    "tpu.region"() ({
      %run_scoped3A = tpu.sem_alloc : memref<!tpu.dma_semaphore, #tpu.memory_space<semaphore_mem>>
      %dma_start3A = arith.constant 0 : i32
      %dma_start3A_60 = tpu.memref_slice %arg10[%add3A_19, %dma_start3A] : memref<10240x64xbf16, #tpu.memory_space<vmem_shared>> -> memref<64x64xbf16, #tpu.memory_space<vmem_shared>>
      %dma_start3A_61 = arith.constant 0 : i32
      %dma_start3A_62 = tpu.memref_slice %arg10[%add3A_19, %dma_start3A_61] : memref<10240x64xbf16, #tpu.memory_space<vmem_shared>> -> memref<64x64xbf16, #tpu.memory_space<vmem_shared>>
      tpu.enqueue_dma source(%arg9 : memref<64x64xbf16, #tpu.memory_space<vmem>>) target(%dma_start3A_62 : memref<64x64xbf16, #tpu.memory_space<vmem_shared>>) target_semaphore(%run_scoped3A : memref<!tpu.dma_semaphore, #tpu.memory_space<semaphore_mem>>)
      %dma_wait3A = arith.constant 0 : i32
      %dma_wait3A_63 = tpu.memref_slice %arg10[%add3A_19, %dma_wait3A] : memref<10240x64xbf16, #tpu.memory_space<vmem_shared>> -> memref<64x64xbf16, #tpu.memory_space<vmem_shared>>
      %dma_wait3A_64 = arith.constant 0 : i32
      %dma_wait3A_65 = tpu.memref_slice %arg10[%add3A_19, %dma_wait3A_64] : memref<10240x64xbf16, #tpu.memory_space<vmem_shared>> -> memref<64x64xbf16, #tpu.memory_space<vmem_shared>>
      tpu.wait_dma2 semaphore(%run_scoped3A : memref<!tpu.dma_semaphore, #tpu.memory_space<semaphore_mem>>) src(%arg9 : memref<64x64xbf16, #tpu.memory_space<vmem>>) dst(%dma_wait3A_65 : memref<64x64xbf16, #tpu.memory_space<vmem_shared>>)
      tpu.yield
    }) : () -> ()
    %mul3A_20 = arith.constant 640 : i32
    %mul3A_21 = arith.muli %arg1, %mul3A_20 : i32
    %add3A_22 = arith.constant 192 : i32
    %add3A_23 = arith.addi %mul3A_21, %add3A_22 : i32
    "tpu.region"() ({
      %run_scoped3A = tpu.sem_alloc : memref<!tpu.dma_semaphore, #tpu.memory_space<semaphore_mem>>
      %dma_start3A = arith.constant 0 : i32
      %dma_start3A_60 = tpu.memref_slice %arg10[%add3A_23, %dma_start3A] : memref<10240x64xbf16, #tpu.memory_space<vmem_shared>> -> memref<64x64xbf16, #tpu.memory_space<vmem_shared>>
      %dma_start3A_61 = arith.constant 0 : i32
      %dma_start3A_62 = tpu.memref_slice %arg10[%add3A_23, %dma_start3A_61] : memref<10240x64xbf16, #tpu.memory_space<vmem_shared>> -> memref<64x64xbf16, #tpu.memory_space<vmem_shared>>
      tpu.enqueue_dma source(%arg9 : memref<64x64xbf16, #tpu.memory_space<vmem>>) target(%dma_start3A_62 : memref<64x64xbf16, #tpu.memory_space<vmem_shared>>) target_semaphore(%run_scoped3A : memref<!tpu.dma_semaphore, #tpu.memory_space<semaphore_mem>>)
      %dma_wait3A = arith.constant 0 : i32
      %dma_wait3A_63 = tpu.memref_slice %arg10[%add3A_23, %dma_wait3A] : memref<10240x64xbf16, #tpu.memory_space<vmem_shared>> -> memref<64x64xbf16, #tpu.memory_space<vmem_shared>>
      %dma_wait3A_64 = arith.constant 0 : i32
      %dma_wait3A_65 = tpu.memref_slice %arg10[%add3A_23, %dma_wait3A_64] : memref<10240x64xbf16, #tpu.memory_space<vmem_shared>> -> memref<64x64xbf16, #tpu.memory_space<vmem_shared>>
      tpu.wait_dma2 semaphore(%run_scoped3A : memref<!tpu.dma_semaphore, #tpu.memory_space<semaphore_mem>>) src(%arg9 : memref<64x64xbf16, #tpu.memory_space<vmem>>) dst(%dma_wait3A_65 : memref<64x64xbf16, #tpu.memory_space<vmem_shared>>)
      tpu.yield
    }) : () -> ()
    %mul3A_24 = arith.constant 640 : i32
    %mul3A_25 = arith.muli %arg1, %mul3A_24 : i32
    %add3A_26 = arith.constant 256 : i32
    %add3A_27 = arith.addi %mul3A_25, %add3A_26 : i32
    "tpu.region"() ({
      %run_scoped3A = tpu.sem_alloc : memref<!tpu.dma_semaphore, #tpu.memory_space<semaphore_mem>>
      %dma_start3A = arith.constant 0 : i32
      %dma_start3A_60 = tpu.memref_slice %arg10[%add3A_27, %dma_start3A] : memref<10240x64xbf16, #tpu.memory_space<vmem_shared>> -> memref<64x64xbf16, #tpu.memory_space<vmem_shared>>
      %dma_start3A_61 = arith.constant 0 : i32
      %dma_start3A_62 = tpu.memref_slice %arg10[%add3A_27, %dma_start3A_61] : memref<10240x64xbf16, #tpu.memory_space<vmem_shared>> -> memref<64x64xbf16, #tpu.memory_space<vmem_shared>>
      tpu.enqueue_dma source(%arg9 : memref<64x64xbf16, #tpu.memory_space<vmem>>) target(%dma_start3A_62 : memref<64x64xbf16, #tpu.memory_space<vmem_shared>>) target_semaphore(%run_scoped3A : memref<!tpu.dma_semaphore, #tpu.memory_space<semaphore_mem>>)
      %dma_wait3A = arith.constant 0 : i32
      %dma_wait3A_63 = tpu.memref_slice %arg10[%add3A_27, %dma_wait3A] : memref<10240x64xbf16, #tpu.memory_space<vmem_shared>> -> memref<64x64xbf16, #tpu.memory_space<vmem_shared>>
      %dma_wait3A_64 = arith.constant 0 : i32
      %dma_wait3A_65 = tpu.memref_slice %arg10[%add3A_27, %dma_wait3A_64] : memref<10240x64xbf16, #tpu.memory_space<vmem_shared>> -> memref<64x64xbf16, #tpu.memory_space<vmem_shared>>
      tpu.wait_dma2 semaphore(%run_scoped3A : memref<!tpu.dma_semaphore, #tpu.memory_space<semaphore_mem>>) src(%arg9 : memref<64x64xbf16, #tpu.memory_space<vmem>>) dst(%dma_wait3A_65 : memref<64x64xbf16, #tpu.memory_space<vmem_shared>>)
      tpu.yield
    }) : () -> ()
    %mul3A_28 = arith.constant 640 : i32
    %mul3A_29 = arith.muli %arg1, %mul3A_28 : i32
    %add3A_30 = arith.constant 320 : i32
    %add3A_31 = arith.addi %mul3A_29, %add3A_30 : i32
    "tpu.region"() ({
      %run_scoped3A = tpu.sem_alloc : memref<!tpu.dma_semaphore, #tpu.memory_space<semaphore_mem>>
      %dma_start3A = arith.constant 0 : i32
      %dma_start3A_60 = tpu.memref_slice %arg10[%add3A_31, %dma_start3A] : memref<10240x64xbf16, #tpu.memory_space<vmem_shared>> -> memref<64x64xbf16, #tpu.memory_space<vmem_shared>>
      %dma_start3A_61 = arith.constant 0 : i32
      %dma_start3A_62 = tpu.memref_slice %arg10[%add3A_31, %dma_start3A_61] : memref<10240x64xbf16, #tpu.memory_space<vmem_shared>> -> memref<64x64xbf16, #tpu.memory_space<vmem_shared>>
      tpu.enqueue_dma source(%arg9 : memref<64x64xbf16, #tpu.memory_space<vmem>>) target(%dma_start3A_62 : memref<64x64xbf16, #tpu.memory_space<vmem_shared>>) target_semaphore(%run_scoped3A : memref<!tpu.dma_semaphore, #tpu.memory_space<semaphore_mem>>)
      %dma_wait3A = arith.constant 0 : i32
      %dma_wait3A_63 = tpu.memref_slice %arg10[%add3A_31, %dma_wait3A] : memref<10240x64xbf16, #tpu.memory_space<vmem_shared>> -> memref<64x64xbf16, #tpu.memory_space<vmem_shared>>
      %dma_wait3A_64 = arith.constant 0 : i32
      %dma_wait3A_65 = tpu.memref_slice %arg10[%add3A_31, %dma_wait3A_64] : memref<10240x64xbf16, #tpu.memory_space<vmem_shared>> -> memref<64x64xbf16, #tpu.memory_space<vmem_shared>>
      tpu.wait_dma2 semaphore(%run_scoped3A : memref<!tpu.dma_semaphore, #tpu.memory_space<semaphore_mem>>) src(%arg9 : memref<64x64xbf16, #tpu.memory_space<vmem>>) dst(%dma_wait3A_65 : memref<64x64xbf16, #tpu.memory_space<vmem_shared>>)
      tpu.yield
    }) : () -> ()
    %mul3A_32 = arith.constant 640 : i32
    %mul3A_33 = arith.muli %arg1, %mul3A_32 : i32
    %add3A_34 = arith.constant 384 : i32
    %add3A_35 = arith.addi %mul3A_33, %add3A_34 : i32
    "tpu.region"() ({
      %run_scoped3A = tpu.sem_alloc : memref<!tpu.dma_semaphore, #tpu.memory_space<semaphore_mem>>
      %dma_start3A = arith.constant 0 : i32
      %dma_start3A_60 = tpu.memref_slice %arg10[%add3A_35, %dma_start3A] : memref<10240x64xbf16, #tpu.memory_space<vmem_shared>> -> memref<64x64xbf16, #tpu.memory_space<vmem_shared>>
      %dma_start3A_61 = arith.constant 0 : i32
      %dma_start3A_62 = tpu.memref_slice %arg10[%add3A_35, %dma_start3A_61] : memref<10240x64xbf16, #tpu.memory_space<vmem_shared>> -> memref<64x64xbf16, #tpu.memory_space<vmem_shared>>
      tpu.enqueue_dma source(%arg9 : memref<64x64xbf16, #tpu.memory_space<vmem>>) target(%dma_start3A_62 : memref<64x64xbf16, #tpu.memory_space<vmem_shared>>) target_semaphore(%run_scoped3A : memref<!tpu.dma_semaphore, #tpu.memory_space<semaphore_mem>>)
      %dma_wait3A = arith.constant 0 : i32
      %dma_wait3A_63 = tpu.memref_slice %arg10[%add3A_35, %dma_wait3A] : memref<10240x64xbf16, #tpu.memory_space<vmem_shared>> -> memref<64x64xbf16, #tpu.memory_space<vmem_shared>>
      %dma_wait3A_64 = arith.constant 0 : i32
      %dma_wait3A_65 = tpu.memref_slice %arg10[%add3A_35, %dma_wait3A_64] : memref<10240x64xbf16, #tpu.memory_space<vmem_shared>> -> memref<64x64xbf16, #tpu.memory_space<vmem_shared>>
      tpu.wait_dma2 semaphore(%run_scoped3A : memref<!tpu.dma_semaphore, #tpu.memory_space<semaphore_mem>>) src(%arg9 : memref<64x64xbf16, #tpu.memory_space<vmem>>) dst(%dma_wait3A_65 : memref<64x64xbf16, #tpu.memory_space<vmem_shared>>)
      tpu.yield
    }) : () -> ()
    %mul3A_36 = arith.constant 640 : i32
    %mul3A_37 = arith.muli %arg1, %mul3A_36 : i32
    %add3A_38 = arith.constant 448 : i32
    %add3A_39 = arith.addi %mul3A_37, %add3A_38 : i32
    "tpu.region"() ({
      %run_scoped3A = tpu.sem_alloc : memref<!tpu.dma_semaphore, #tpu.memory_space<semaphore_mem>>
      %dma_start3A = arith.constant 0 : i32
      %dma_start3A_60 = tpu.memref_slice %arg10[%add3A_39, %dma_start3A] : memref<10240x64xbf16, #tpu.memory_space<vmem_shared>> -> memref<64x64xbf16, #tpu.memory_space<vmem_shared>>
      %dma_start3A_61 = arith.constant 0 : i32
      %dma_start3A_62 = tpu.memref_slice %arg10[%add3A_39, %dma_start3A_61] : memref<10240x64xbf16, #tpu.memory_space<vmem_shared>> -> memref<64x64xbf16, #tpu.memory_space<vmem_shared>>
      tpu.enqueue_dma source(%arg9 : memref<64x64xbf16, #tpu.memory_space<vmem>>) target(%dma_start3A_62 : memref<64x64xbf16, #tpu.memory_space<vmem_shared>>) target_semaphore(%run_scoped3A : memref<!tpu.dma_semaphore, #tpu.memory_space<semaphore_mem>>)
      %dma_wait3A = arith.constant 0 : i32
      %dma_wait3A_63 = tpu.memref_slice %arg10[%add3A_39, %dma_wait3A] : memref<10240x64xbf16, #tpu.memory_space<vmem_shared>> -> memref<64x64xbf16, #tpu.memory_space<vmem_shared>>
      %dma_wait3A_64 = arith.constant 0 : i32
      %dma_wait3A_65 = tpu.memref_slice %arg10[%add3A_39, %dma_wait3A_64] : memref<10240x64xbf16, #tpu.memory_space<vmem_shared>> -> memref<64x64xbf16, #tpu.memory_space<vmem_shared>>
      tpu.wait_dma2 semaphore(%run_scoped3A : memref<!tpu.dma_semaphore, #tpu.memory_space<semaphore_mem>>) src(%arg9 : memref<64x64xbf16, #tpu.memory_space<vmem>>) dst(%dma_wait3A_65 : memref<64x64xbf16, #tpu.memory_space<vmem_shared>>)
      tpu.yield
    }) : () -> ()
    %mul3A_40 = arith.constant 640 : i32
    %mul3A_41 = arith.muli %arg1, %mul3A_40 : i32
    %add3A_42 = arith.constant 512 : i32
    %add3A_43 = arith.addi %mul3A_41, %add3A_42 : i32
    "tpu.region"() ({
      %run_scoped3A = tpu.sem_alloc : memref<!tpu.dma_semaphore, #tpu.memory_space<semaphore_mem>>
      %dma_start3A = arith.constant 0 : i32
      %dma_start3A_60 = tpu.memref_slice %arg10[%add3A_43, %dma_start3A] : memref<10240x64xbf16, #tpu.memory_space<vmem_shared>> -> memref<64x64xbf16, #tpu.memory_space<vmem_shared>>
      %dma_start3A_61 = arith.constant 0 : i32
      %dma_start3A_62 = tpu.memref_slice %arg10[%add3A_43, %dma_start3A_61] : memref<10240x64xbf16, #tpu.memory_space<vmem_shared>> -> memref<64x64xbf16, #tpu.memory_space<vmem_shared>>
      tpu.enqueue_dma source(%arg9 : memref<64x64xbf16, #tpu.memory_space<vmem>>) target(%dma_start3A_62 : memref<64x64xbf16, #tpu.memory_space<vmem_shared>>) target_semaphore(%run_scoped3A : memref<!tpu.dma_semaphore, #tpu.memory_space<semaphore_mem>>)
      %dma_wait3A = arith.constant 0 : i32
      %dma_wait3A_63 = tpu.memref_slice %arg10[%add3A_43, %dma_wait3A] : memref<10240x64xbf16, #tpu.memory_space<vmem_shared>> -> memref<64x64xbf16, #tpu.memory_space<vmem_shared>>
      %dma_wait3A_64 = arith.constant 0 : i32
      %dma_wait3A_65 = tpu.memref_slice %arg10[%add3A_43, %dma_wait3A_64] : memref<10240x64xbf16, #tpu.memory_space<vmem_shared>> -> memref<64x64xbf16, #tpu.memory_space<vmem_shared>>
      tpu.wait_dma2 semaphore(%run_scoped3A : memref<!tpu.dma_semaphore, #tpu.memory_space<semaphore_mem>>) src(%arg9 : memref<64x64xbf16, #tpu.memory_space<vmem>>) dst(%dma_wait3A_65 : memref<64x64xbf16, #tpu.memory_space<vmem_shared>>)
      tpu.yield
    }) : () -> ()
    %mul3A_44 = arith.constant 640 : i32
    %mul3A_45 = arith.muli %arg1, %mul3A_44 : i32
    %add3A_46 = arith.constant 576 : i32
    %add3A_47 = arith.addi %mul3A_45, %add3A_46 : i32
    "tpu.region"() ({
      %run_scoped3A = tpu.sem_alloc : memref<!tpu.dma_semaphore, #tpu.memory_space<semaphore_mem>>
      %dma_start3A = arith.constant 0 : i32
      %dma_start3A_60 = tpu.memref_slice %arg10[%add3A_47, %dma_start3A] : memref<10240x64xbf16, #tpu.memory_space<vmem_shared>> -> memref<64x64xbf16, #tpu.memory_space<vmem_shared>>
      %dma_start3A_61 = arith.constant 0 : i32
      %dma_start3A_62 = tpu.memref_slice %arg10[%add3A_47, %dma_start3A_61] : memref<10240x64xbf16, #tpu.memory_space<vmem_shared>> -> memref<64x64xbf16, #tpu.memory_space<vmem_shared>>
      tpu.enqueue_dma source(%arg9 : memref<64x64xbf16, #tpu.memory_space<vmem>>) target(%dma_start3A_62 : memref<64x64xbf16, #tpu.memory_space<vmem_shared>>) target_semaphore(%run_scoped3A : memref<!tpu.dma_semaphore, #tpu.memory_space<semaphore_mem>>)
      %dma_wait3A = arith.constant 0 : i32
      %dma_wait3A_63 = tpu.memref_slice %arg10[%add3A_47, %dma_wait3A] : memref<10240x64xbf16, #tpu.memory_space<vmem_shared>> -> memref<64x64xbf16, #tpu.memory_space<vmem_shared>>
      %dma_wait3A_64 = arith.constant 0 : i32
      %dma_wait3A_65 = tpu.memref_slice %arg10[%add3A_47, %dma_wait3A_64] : memref<10240x64xbf16, #tpu.memory_space<vmem_shared>> -> memref<64x64xbf16, #tpu.memory_space<vmem_shared>>
      tpu.wait_dma2 semaphore(%run_scoped3A : memref<!tpu.dma_semaphore, #tpu.memory_space<semaphore_mem>>) src(%arg9 : memref<64x64xbf16, #tpu.memory_space<vmem>>) dst(%dma_wait3A_65 : memref<64x64xbf16, #tpu.memory_space<vmem_shared>>)
      tpu.yield
    }) : () -> ()
    %barrier3A = arith.constant 0 : index
    tpu.barrier barrier_id(%barrier3A)
    %scan3A_48 = arith.constant 0 : i32
    %scan3A_49 = arith.constant 0 : i32
    %scan3A_50 = arith.constant 79 : i32
    %scan3A_51 = arith.addi %scan3A_49, %scan3A_50 : i32
    %scan3A_52 = arith.constant 1 : i32
    %scan3A_53 = scf.for %scan3A_60 = %scan3A_49 to %scan3A_51 step %scan3A_52 iter_args(%scan3A_61 = %scan3A_48) -> (i32)  : i32 {
      %dma_start3A = arith.constant 0 : i32
      %dma_start3A_62 = tpu.memref_slice %arg6[%scan3A_60, %dma_start3A] : memref<79x128xi32, #tpu.memory_space<vmem>> -> memref<1x128xi32, #tpu.memory_space<vmem>>
      %dma_start3A_63 = tpu.memref_squeeze %dma_start3A_62 : memref<1x128xi32, #tpu.memory_space<vmem>> -> memref<128xi32, #tpu.memory_space<vmem>>
      %dma_start3A_64 = arith.constant 0 : i32
      %dma_start3A_65 = arith.constant 0 : i32
      %dma_start3A_66 = tpu.memref_slice %arg11[%dma_start3A_64, %dma_start3A_65] : memref<10000x64xbf16, #tpu.memory_space<vmem_shared>> -> memref<10000x64xbf16, #tpu.memory_space<vmem_shared>>
      tpu.enqueue_indirect_dma source(%dma_start3A_66 : memref<10000x64xbf16, #tpu.memory_space<vmem_shared>>) target(%arg8 : memref<128x64xbf16, #tpu.memory_space<vmem>>) offsets(%dma_start3A_63 : memref<128xi32, #tpu.memory_space<vmem>>) semaphore(%arg12 : memref<!tpu.dma_semaphore, #tpu.memory_space<semaphore_mem>>)
      %dma_wait3A = arith.constant 0 : i32
      %dma_wait3A_67 = tpu.memref_slice %arg6[%scan3A_60, %dma_wait3A] : memref<79x128xi32, #tpu.memory_space<vmem>> -> memref<1x128xi32, #tpu.memory_space<vmem>>
      %dma_wait3A_68 = tpu.memref_squeeze %dma_wait3A_67 : memref<1x128xi32, #tpu.memory_space<vmem>> -> memref<128xi32, #tpu.memory_space<vmem>>
      %dma_wait3A_69 = arith.constant 0 : i32
      %dma_wait3A_70 = arith.constant 0 : i32
      %dma_wait3A_71 = tpu.memref_slice %arg11[%dma_wait3A_69, %dma_wait3A_70] : memref<10000x64xbf16, #tpu.memory_space<vmem_shared>> -> memref<10000x64xbf16, #tpu.memory_space<vmem_shared>>
      tpu.wait_indirect_dma semaphore(%arg12 : memref<!tpu.dma_semaphore, #tpu.memory_space<semaphore_mem>>) src(%dma_wait3A_71 : memref<10000x64xbf16, #tpu.memory_space<vmem_shared>>) dst(%arg8 : memref<128x64xbf16, #tpu.memory_space<vmem>>)
      "tpu.region"() ({
        %run_scoped3A = tpu.sem_alloc : memref<!tpu.dma_semaphore, #tpu.memory_space<semaphore_mem>>
        %dma_start3A_73 = arith.constant 0 : i32
        %dma_start3A_74 = tpu.memref_slice %arg7[%scan3A_60, %dma_start3A_73] : memref<79x128xi32, #tpu.memory_space<vmem>> -> memref<1x128xi32, #tpu.memory_space<vmem>>
        %dma_start3A_75 = tpu.memref_squeeze %dma_start3A_74 : memref<1x128xi32, #tpu.memory_space<vmem>> -> memref<128xi32, #tpu.memory_space<vmem>>
        %dma_start3A_76 = arith.constant 0 : i32
        %dma_start3A_77 = arith.constant 0 : i32
        %dma_start3A_78 = tpu.memref_slice %arg10[%dma_start3A_76, %dma_start3A_77] : memref<10240x64xbf16, #tpu.memory_space<vmem_shared>> -> memref<10240x64xbf16, #tpu.memory_space<vmem_shared>>
        tpu.enqueue_indirect_dma source(%arg8 : memref<128x64xbf16, #tpu.memory_space<vmem>>) target(%dma_start3A_78 : memref<10240x64xbf16, #tpu.memory_space<vmem_shared>>) offsets(%dma_start3A_75 : memref<128xi32, #tpu.memory_space<vmem>>) semaphore(%run_scoped3A : memref<!tpu.dma_semaphore, #tpu.memory_space<semaphore_mem>>) {add = true}
        %dma_wait3A_79 = arith.constant 0 : i32
        %dma_wait3A_80 = tpu.memref_slice %arg7[%scan3A_60, %dma_wait3A_79] : memref<79x128xi32, #tpu.memory_space<vmem>> -> memref<1x128xi32, #tpu.memory_space<vmem>>
        %dma_wait3A_81 = tpu.memref_squeeze %dma_wait3A_80 : memref<1x128xi32, #tpu.memory_space<vmem>> -> memref<128xi32, #tpu.memory_space<vmem>>
        %dma_wait3A_82 = arith.constant 0 : i32
        %dma_wait3A_83 = arith.constant 0 : i32
        %dma_wait3A_84 = tpu.memref_slice %arg10[%dma_wait3A_82, %dma_wait3A_83] : memref<10240x64xbf16, #tpu.memory_space<vmem_shared>> -> memref<10240x64xbf16, #tpu.memory_space<vmem_shared>>
        tpu.wait_indirect_dma semaphore(%run_scoped3A : memref<!tpu.dma_semaphore, #tpu.memory_space<semaphore_mem>>) src(%arg8 : memref<128x64xbf16, #tpu.memory_space<vmem>>) dst(%dma_wait3A_84 : memref<10240x64xbf16, #tpu.memory_space<vmem_shared>>)
        tpu.yield
      }) : () -> ()
      %scan3A_72 = arith.constant 0 : i32
      scf.yield %scan3A_72 : i32
    }
    %scan3A_54 = arith.constant 79 : i32
    %barrier3A_55 = arith.constant 0 : index
    tpu.barrier barrier_id(%barrier3A_55)
    %mul3A_56 = arith.constant 640 : i32
    %mul3A_57 = arith.muli %arg1, %mul3A_56 : i32
    %mul3A_58 = arith.constant 640 : i32
    %mul3A_59 = arith.muli %arg1, %mul3A_58 : i32
    "tpu.region"() ({
      %run_scoped3A = tpu.sem_alloc : memref<!tpu.dma_semaphore, #tpu.memory_space<semaphore_mem>>
      %dma_start3A = arith.constant 0 : i32
      %dma_start3A_60 = tpu.memref_slice %arg5[%arg0, %mul3A_59, %dma_start3A] : memref<2x10240x64xbf16, #tpu.memory_space<hbm>> -> memref<1x640x64xbf16, #tpu.memory_space<hbm>>
      %dma_start3A_61 = tpu.memref_squeeze %dma_start3A_60 : memref<1x640x64xbf16, #tpu.memory_space<hbm>> -> memref<640x64xbf16, #tpu.memory_space<hbm>>
      %dma_start3A_62 = arith.constant 0 : i32
      %dma_start3A_63 = tpu.memref_slice %arg10[%mul3A_57, %dma_start3A_62] : memref<10240x64xbf16, #tpu.memory_space<vmem_shared>> -> memref<640x64xbf16, #tpu.memory_space<vmem_shared>>
      tpu.enqueue_dma source(%dma_start3A_63 : memref<640x64xbf16, #tpu.memory_space<vmem_shared>>) target(%dma_start3A_61 : memref<640x64xbf16, #tpu.memory_space<hbm>>) target_semaphore(%run_scoped3A : memref<!tpu.dma_semaphore, #tpu.memory_space<semaphore_mem>>)
      %dma_wait3A = arith.constant 0 : i32
      %dma_wait3A_64 = tpu.memref_slice %arg5[%arg0, %mul3A_59, %dma_wait3A] : memref<2x10240x64xbf16, #tpu.memory_space<hbm>> -> memref<1x640x64xbf16, #tpu.memory_space<hbm>>
      %dma_wait3A_65 = tpu.memref_squeeze %dma_wait3A_64 : memref<1x640x64xbf16, #tpu.memory_space<hbm>> -> memref<640x64xbf16, #tpu.memory_space<hbm>>
      %dma_wait3A_66 = arith.constant 0 : i32
      %dma_wait3A_67 = tpu.memref_slice %arg10[%mul3A_57, %dma_wait3A_66] : memref<10240x64xbf16, #tpu.memory_space<vmem_shared>> -> memref<640x64xbf16, #tpu.memory_space<vmem_shared>>
      tpu.wait_dma2 semaphore(%run_scoped3A : memref<!tpu.dma_semaphore, #tpu.memory_space<semaphore_mem>>) src(%dma_wait3A_67 : memref<640x64xbf16, #tpu.memory_space<vmem_shared>>) dst(%dma_wait3A_65 : memref<640x64xbf16, #tpu.memory_space<hbm>>)
      tpu.yield
    }) : () -> ()
    return
  }
}

#map = affine_map<(d0, d1) -> (0, 0, 0, 0, 0)>
#map1 = affine_map<(d0, d1) -> (0, 0, 0)>
module attributes {stable_mosaic.version = 14 : i64} {
  func.func @deg_kernel(%arg0: i32, %arg1: i32, %arg2: memref<2x2x16x125x80xi32, #tpu.memory_space<hbm>>, %arg3: memref<2x10240x16xf32, #tpu.memory_space<hbm>>, %arg4: memref<125x80xi32, #tpu.memory_space<vmem>>, %arg5: memref<80x16xf32, #tpu.memory_space<vmem>>, %arg6: memref<64x16xf32, #tpu.memory_space<vmem>>, %arg7: memref<10240x16xf32, #tpu.memory_space<vmem_shared>>, %arg8: memref<!tpu.dma_semaphore, #tpu.memory_space<semaphore_mem>>) attributes {dimension_semantics = [#tpu.dimension_semantics<core_parallel>, #tpu.dimension_semantics<subcore_parallel>], iteration_bounds = array<i64: 2, 16>, scalar_prefetch = 0 : i64, scratch_operands = 5 : i64, tpu.core_type = #tpu.core_type<sc_vector_subcore>, window_params = [{transform_indices = #map}, {transform_indices = #map1}]} {
    %run_scoped3A = arith.constant 1 : i32
    "tpu.region"() ({
      %run_scoped3A_70 = tpu.sem_alloc : memref<!tpu.dma_semaphore, #tpu.memory_space<semaphore_mem>>
      %dma_start3A = arith.constant 0 : i32
      %dma_start3A_71 = arith.constant 0 : i32
      %dma_start3A_72 = tpu.memref_slice %arg2[%run_scoped3A, %arg0, %arg1, %dma_start3A, %dma_start3A_71] : memref<2x2x16x125x80xi32, #tpu.memory_space<hbm>> -> memref<1x1x1x125x80xi32, #tpu.memory_space<hbm>>
      %dma_start3A_73 = tpu.memref_squeeze %dma_start3A_72 : memref<1x1x1x125x80xi32, #tpu.memory_space<hbm>> -> memref<125x80xi32, #tpu.memory_space<hbm>>
      %dma_start3A_74 = arith.constant 0 : i32
      %dma_start3A_75 = arith.constant 0 : i32
      %dma_start3A_76 = tpu.memref_slice %arg2[%run_scoped3A, %arg0, %arg1, %dma_start3A_74, %dma_start3A_75] : memref<2x2x16x125x80xi32, #tpu.memory_space<hbm>> -> memref<1x1x1x125x80xi32, #tpu.memory_space<hbm>>
      %dma_start3A_77 = tpu.memref_squeeze %dma_start3A_76 : memref<1x1x1x125x80xi32, #tpu.memory_space<hbm>> -> memref<125x80xi32, #tpu.memory_space<hbm>>
      tpu.enqueue_dma source(%dma_start3A_77 : memref<125x80xi32, #tpu.memory_space<hbm>>) target(%arg4 : memref<125x80xi32, #tpu.memory_space<vmem>>) target_semaphore(%run_scoped3A_70 : memref<!tpu.dma_semaphore, #tpu.memory_space<semaphore_mem>>)
      %dma_wait3A = arith.constant 0 : i32
      %dma_wait3A_78 = arith.constant 0 : i32
      %dma_wait3A_79 = tpu.memref_slice %arg2[%run_scoped3A, %arg0, %arg1, %dma_wait3A, %dma_wait3A_78] : memref<2x2x16x125x80xi32, #tpu.memory_space<hbm>> -> memref<1x1x1x125x80xi32, #tpu.memory_space<hbm>>
      %dma_wait3A_80 = tpu.memref_squeeze %dma_wait3A_79 : memref<1x1x1x125x80xi32, #tpu.memory_space<hbm>> -> memref<125x80xi32, #tpu.memory_space<hbm>>
      %dma_wait3A_81 = arith.constant 0 : i32
      %dma_wait3A_82 = arith.constant 0 : i32
      %dma_wait3A_83 = tpu.memref_slice %arg2[%run_scoped3A, %arg0, %arg1, %dma_wait3A_81, %dma_wait3A_82] : memref<2x2x16x125x80xi32, #tpu.memory_space<hbm>> -> memref<1x1x1x125x80xi32, #tpu.memory_space<hbm>>
      %dma_wait3A_84 = tpu.memref_squeeze %dma_wait3A_83 : memref<1x1x1x125x80xi32, #tpu.memory_space<hbm>> -> memref<125x80xi32, #tpu.memory_space<hbm>>
      tpu.wait_dma2 semaphore(%run_scoped3A_70 : memref<!tpu.dma_semaphore, #tpu.memory_space<semaphore_mem>>) src(%dma_wait3A_84 : memref<125x80xi32, #tpu.memory_space<hbm>>) dst(%arg4 : memref<125x80xi32, #tpu.memory_space<vmem>>)
      tpu.yield
    }) : () -> ()
    %scan3A = arith.constant 0 : i32
    %scan3A_0 = arith.constant 0 : i32
    %scan3A_1 = arith.constant 80 : i32
    %scan3A_2 = arith.addi %scan3A_0, %scan3A_1 : i32
    %scan3A_3 = arith.constant 1 : i32
    %scan3A_4 = scf.for %scan3A_70 = %scan3A_0 to %scan3A_2 step %scan3A_3 iter_args(%scan3A_71 = %scan3A) -> (i32)  : i32 {
      %broadcast_in_dim3A = arith.constant 1.000000e+00 : f32
      %broadcast_in_dim3A_72 = vector.broadcast %broadcast_in_dim3A : f32 to vector<16xf32>
      %swap3A = arith.index_cast %scan3A_70 : i32 to index
      %swap3A_73 = arith.constant 0 : index
      %swap3A_74 = tpu.vector_load %arg5[%swap3A, %swap3A_73] {strides = array<i32>} : memref<80x16xf32, #tpu.memory_space<vmem>>, vector<1x16xf32>,
      %swap3A_75 = vector.shape_cast %swap3A_74 : vector<1x16xf32> to vector<16xf32>
      %swap3A_76 = vector.shape_cast %broadcast_in_dim3A_72 : vector<16xf32> to vector<1x16xf32>
      tpu.vector_store %arg5[%swap3A, %swap3A_73], %swap3A_76 {strides = array<i32>} : memref<80x16xf32, #tpu.memory_space<vmem>>, vector<1x16xf32>,
      %scan3A_77 = arith.constant 0 : i32
      scf.yield %scan3A_77 : i32
    }
    %scan3A_5 = arith.constant 80 : i32
    %scan3A_6 = arith.constant 0 : i32
    %scan3A_7 = arith.constant 0 : i32
    %scan3A_8 = arith.constant 64 : i32
    %scan3A_9 = arith.addi %scan3A_7, %scan3A_8 : i32
    %scan3A_10 = arith.constant 1 : i32
    %scan3A_11 = scf.for %scan3A_70 = %scan3A_7 to %scan3A_9 step %scan3A_10 iter_args(%scan3A_71 = %scan3A_6) -> (i32)  : i32 {
      %broadcast_in_dim3A = arith.constant 0.000000e+00 : f32
      %broadcast_in_dim3A_72 = vector.broadcast %broadcast_in_dim3A : f32 to vector<16xf32>
      %swap3A = arith.index_cast %scan3A_70 : i32 to index
      %swap3A_73 = arith.constant 0 : index
      %swap3A_74 = tpu.vector_load %arg6[%swap3A, %swap3A_73] {strides = array<i32>} : memref<64x16xf32, #tpu.memory_space<vmem>>, vector<1x16xf32>,
      %swap3A_75 = vector.shape_cast %swap3A_74 : vector<1x16xf32> to vector<16xf32>
      %swap3A_76 = vector.shape_cast %broadcast_in_dim3A_72 : vector<16xf32> to vector<1x16xf32>
      tpu.vector_store %arg6[%swap3A, %swap3A_73], %swap3A_76 {strides = array<i32>} : memref<64x16xf32, #tpu.memory_space<vmem>>, vector<1x16xf32>,
      %scan3A_77 = arith.constant 0 : i32
      scf.yield %scan3A_77 : i32
    }
    %scan3A_12 = arith.constant 64 : i32
    %mul3A = arith.constant 640 : i32
    %mul3A_13 = arith.muli %arg1, %mul3A : i32
    %add3A = arith.constant 0 : i32
    %add3A_14 = arith.addi %mul3A_13, %add3A : i32
    "tpu.region"() ({
      %run_scoped3A_70 = tpu.sem_alloc : memref<!tpu.dma_semaphore, #tpu.memory_space<semaphore_mem>>
      %dma_start3A = arith.constant 0 : i32
      %dma_start3A_71 = tpu.memref_slice %arg7[%add3A_14, %dma_start3A] : memref<10240x16xf32, #tpu.memory_space<vmem_shared>> -> memref<64x16xf32, #tpu.memory_space<vmem_shared>>
      %dma_start3A_72 = arith.constant 0 : i32
      %dma_start3A_73 = tpu.memref_slice %arg7[%add3A_14, %dma_start3A_72] : memref<10240x16xf32, #tpu.memory_space<vmem_shared>> -> memref<64x16xf32, #tpu.memory_space<vmem_shared>>
      tpu.enqueue_dma source(%arg6 : memref<64x16xf32, #tpu.memory_space<vmem>>) target(%dma_start3A_73 : memref<64x16xf32, #tpu.memory_space<vmem_shared>>) target_semaphore(%run_scoped3A_70 : memref<!tpu.dma_semaphore, #tpu.memory_space<semaphore_mem>>)
      %dma_wait3A = arith.constant 0 : i32
      %dma_wait3A_74 = tpu.memref_slice %arg7[%add3A_14, %dma_wait3A] : memref<10240x16xf32, #tpu.memory_space<vmem_shared>> -> memref<64x16xf32, #tpu.memory_space<vmem_shared>>
      %dma_wait3A_75 = arith.constant 0 : i32
      %dma_wait3A_76 = tpu.memref_slice %arg7[%add3A_14, %dma_wait3A_75] : memref<10240x16xf32, #tpu.memory_space<vmem_shared>> -> memref<64x16xf32, #tpu.memory_space<vmem_shared>>
      tpu.wait_dma2 semaphore(%run_scoped3A_70 : memref<!tpu.dma_semaphore, #tpu.memory_space<semaphore_mem>>) src(%arg6 : memref<64x16xf32, #tpu.memory_space<vmem>>) dst(%dma_wait3A_76 : memref<64x16xf32, #tpu.memory_space<vmem_shared>>)
      tpu.yield
    }) : () -> ()
    %mul3A_15 = arith.constant 640 : i32
    %mul3A_16 = arith.muli %arg1, %mul3A_15 : i32
    %add3A_17 = arith.constant 64 : i32
    %add3A_18 = arith.addi %mul3A_16, %add3A_17 : i32
    "tpu.region"() ({
      %run_scoped3A_70 = tpu.sem_alloc : memref<!tpu.dma_semaphore, #tpu.memory_space<semaphore_mem>>
      %dma_start3A = arith.constant 0 : i32
      %dma_start3A_71 = tpu.memref_slice %arg7[%add3A_18, %dma_start3A] : memref<10240x16xf32, #tpu.memory_space<vmem_shared>> -> memref<64x16xf32, #tpu.memory_space<vmem_shared>>
      %dma_start3A_72 = arith.constant 0 : i32
      %dma_start3A_73 = tpu.memref_slice %arg7[%add3A_18, %dma_start3A_72] : memref<10240x16xf32, #tpu.memory_space<vmem_shared>> -> memref<64x16xf32, #tpu.memory_space<vmem_shared>>
      tpu.enqueue_dma source(%arg6 : memref<64x16xf32, #tpu.memory_space<vmem>>) target(%dma_start3A_73 : memref<64x16xf32, #tpu.memory_space<vmem_shared>>) target_semaphore(%run_scoped3A_70 : memref<!tpu.dma_semaphore, #tpu.memory_space<semaphore_mem>>)
      %dma_wait3A = arith.constant 0 : i32
      %dma_wait3A_74 = tpu.memref_slice %arg7[%add3A_18, %dma_wait3A] : memref<10240x16xf32, #tpu.memory_space<vmem_shared>> -> memref<64x16xf32, #tpu.memory_space<vmem_shared>>
      %dma_wait3A_75 = arith.constant 0 : i32
      %dma_wait3A_76 = tpu.memref_slice %arg7[%add3A_18, %dma_wait3A_75] : memref<10240x16xf32, #tpu.memory_space<vmem_shared>> -> memref<64x16xf32, #tpu.memory_space<vmem_shared>>
      tpu.wait_dma2 semaphore(%run_scoped3A_70 : memref<!tpu.dma_semaphore, #tpu.memory_space<semaphore_mem>>) src(%arg6 : memref<64x16xf32, #tpu.memory_space<vmem>>) dst(%dma_wait3A_76 : memref<64x16xf32, #tpu.memory_space<vmem_shared>>)
      tpu.yield
    }) : () -> ()
    %mul3A_19 = arith.constant 640 : i32
    %mul3A_20 = arith.muli %arg1, %mul3A_19 : i32
    %add3A_21 = arith.constant 128 : i32
    %add3A_22 = arith.addi %mul3A_20, %add3A_21 : i32
    "tpu.region"() ({
      %run_scoped3A_70 = tpu.sem_alloc : memref<!tpu.dma_semaphore, #tpu.memory_space<semaphore_mem>>
      %dma_start3A = arith.constant 0 : i32
      %dma_start3A_71 = tpu.memref_slice %arg7[%add3A_22, %dma_start3A] : memref<10240x16xf32, #tpu.memory_space<vmem_shared>> -> memref<64x16xf32, #tpu.memory_space<vmem_shared>>
      %dma_start3A_72 = arith.constant 0 : i32
      %dma_start3A_73 = tpu.memref_slice %arg7[%add3A_22, %dma_start3A_72] : memref<10240x16xf32, #tpu.memory_space<vmem_shared>> -> memref<64x16xf32, #tpu.memory_space<vmem_shared>>
      tpu.enqueue_dma source(%arg6 : memref<64x16xf32, #tpu.memory_space<vmem>>) target(%dma_start3A_73 : memref<64x16xf32, #tpu.memory_space<vmem_shared>>) target_semaphore(%run_scoped3A_70 : memref<!tpu.dma_semaphore, #tpu.memory_space<semaphore_mem>>)
      %dma_wait3A = arith.constant 0 : i32
      %dma_wait3A_74 = tpu.memref_slice %arg7[%add3A_22, %dma_wait3A] : memref<10240x16xf32, #tpu.memory_space<vmem_shared>> -> memref<64x16xf32, #tpu.memory_space<vmem_shared>>
      %dma_wait3A_75 = arith.constant 0 : i32
      %dma_wait3A_76 = tpu.memref_slice %arg7[%add3A_22, %dma_wait3A_75] : memref<10240x16xf32, #tpu.memory_space<vmem_shared>> -> memref<64x16xf32, #tpu.memory_space<vmem_shared>>
      tpu.wait_dma2 semaphore(%run_scoped3A_70 : memref<!tpu.dma_semaphore, #tpu.memory_space<semaphore_mem>>) src(%arg6 : memref<64x16xf32, #tpu.memory_space<vmem>>) dst(%dma_wait3A_76 : memref<64x16xf32, #tpu.memory_space<vmem_shared>>)
      tpu.yield
    }) : () -> ()
    %mul3A_23 = arith.constant 640 : i32
    %mul3A_24 = arith.muli %arg1, %mul3A_23 : i32
    %add3A_25 = arith.constant 192 : i32
    %add3A_26 = arith.addi %mul3A_24, %add3A_25 : i32
    "tpu.region"() ({
      %run_scoped3A_70 = tpu.sem_alloc : memref<!tpu.dma_semaphore, #tpu.memory_space<semaphore_mem>>
      %dma_start3A = arith.constant 0 : i32
      %dma_start3A_71 = tpu.memref_slice %arg7[%add3A_26, %dma_start3A] : memref<10240x16xf32, #tpu.memory_space<vmem_shared>> -> memref<64x16xf32, #tpu.memory_space<vmem_shared>>
      %dma_start3A_72 = arith.constant 0 : i32
      %dma_start3A_73 = tpu.memref_slice %arg7[%add3A_26, %dma_start3A_72] : memref<10240x16xf32, #tpu.memory_space<vmem_shared>> -> memref<64x16xf32, #tpu.memory_space<vmem_shared>>
      tpu.enqueue_dma source(%arg6 : memref<64x16xf32, #tpu.memory_space<vmem>>) target(%dma_start3A_73 : memref<64x16xf32, #tpu.memory_space<vmem_shared>>) target_semaphore(%run_scoped3A_70 : memref<!tpu.dma_semaphore, #tpu.memory_space<semaphore_mem>>)
      %dma_wait3A = arith.constant 0 : i32
      %dma_wait3A_74 = tpu.memref_slice %arg7[%add3A_26, %dma_wait3A] : memref<10240x16xf32, #tpu.memory_space<vmem_shared>> -> memref<64x16xf32, #tpu.memory_space<vmem_shared>>
      %dma_wait3A_75 = arith.constant 0 : i32
      %dma_wait3A_76 = tpu.memref_slice %arg7[%add3A_26, %dma_wait3A_75] : memref<10240x16xf32, #tpu.memory_space<vmem_shared>> -> memref<64x16xf32, #tpu.memory_space<vmem_shared>>
      tpu.wait_dma2 semaphore(%run_scoped3A_70 : memref<!tpu.dma_semaphore, #tpu.memory_space<semaphore_mem>>) src(%arg6 : memref<64x16xf32, #tpu.memory_space<vmem>>) dst(%dma_wait3A_76 : memref<64x16xf32, #tpu.memory_space<vmem_shared>>)
      tpu.yield
    }) : () -> ()
    %mul3A_27 = arith.constant 640 : i32
    %mul3A_28 = arith.muli %arg1, %mul3A_27 : i32
    %add3A_29 = arith.constant 256 : i32
    %add3A_30 = arith.addi %mul3A_28, %add3A_29 : i32
    "tpu.region"() ({
      %run_scoped3A_70 = tpu.sem_alloc : memref<!tpu.dma_semaphore, #tpu.memory_space<semaphore_mem>>
      %dma_start3A = arith.constant 0 : i32
      %dma_start3A_71 = tpu.memref_slice %arg7[%add3A_30, %dma_start3A] : memref<10240x16xf32, #tpu.memory_space<vmem_shared>> -> memref<64x16xf32, #tpu.memory_space<vmem_shared>>
      %dma_start3A_72 = arith.constant 0 : i32
      %dma_start3A_73 = tpu.memref_slice %arg7[%add3A_30, %dma_start3A_72] : memref<10240x16xf32, #tpu.memory_space<vmem_shared>> -> memref<64x16xf32, #tpu.memory_space<vmem_shared>>
      tpu.enqueue_dma source(%arg6 : memref<64x16xf32, #tpu.memory_space<vmem>>) target(%dma_start3A_73 : memref<64x16xf32, #tpu.memory_space<vmem_shared>>) target_semaphore(%run_scoped3A_70 : memref<!tpu.dma_semaphore, #tpu.memory_space<semaphore_mem>>)
      %dma_wait3A = arith.constant 0 : i32
      %dma_wait3A_74 = tpu.memref_slice %arg7[%add3A_30, %dma_wait3A] : memref<10240x16xf32, #tpu.memory_space<vmem_shared>> -> memref<64x16xf32, #tpu.memory_space<vmem_shared>>
      %dma_wait3A_75 = arith.constant 0 : i32
      %dma_wait3A_76 = tpu.memref_slice %arg7[%add3A_30, %dma_wait3A_75] : memref<10240x16xf32, #tpu.memory_space<vmem_shared>> -> memref<64x16xf32, #tpu.memory_space<vmem_shared>>
      tpu.wait_dma2 semaphore(%run_scoped3A_70 : memref<!tpu.dma_semaphore, #tpu.memory_space<semaphore_mem>>) src(%arg6 : memref<64x16xf32, #tpu.memory_space<vmem>>) dst(%dma_wait3A_76 : memref<64x16xf32, #tpu.memory_space<vmem_shared>>)
      tpu.yield
    }) : () -> ()
    %mul3A_31 = arith.constant 640 : i32
    %mul3A_32 = arith.muli %arg1, %mul3A_31 : i32
    %add3A_33 = arith.constant 320 : i32
    %add3A_34 = arith.addi %mul3A_32, %add3A_33 : i32
    "tpu.region"() ({
      %run_scoped3A_70 = tpu.sem_alloc : memref<!tpu.dma_semaphore, #tpu.memory_space<semaphore_mem>>
      %dma_start3A = arith.constant 0 : i32
      %dma_start3A_71 = tpu.memref_slice %arg7[%add3A_34, %dma_start3A] : memref<10240x16xf32, #tpu.memory_space<vmem_shared>> -> memref<64x16xf32, #tpu.memory_space<vmem_shared>>
      %dma_start3A_72 = arith.constant 0 : i32
      %dma_start3A_73 = tpu.memref_slice %arg7[%add3A_34, %dma_start3A_72] : memref<10240x16xf32, #tpu.memory_space<vmem_shared>> -> memref<64x16xf32, #tpu.memory_space<vmem_shared>>
      tpu.enqueue_dma source(%arg6 : memref<64x16xf32, #tpu.memory_space<vmem>>) target(%dma_start3A_73 : memref<64x16xf32, #tpu.memory_space<vmem_shared>>) target_semaphore(%run_scoped3A_70 : memref<!tpu.dma_semaphore, #tpu.memory_space<semaphore_mem>>)
      %dma_wait3A = arith.constant 0 : i32
      %dma_wait3A_74 = tpu.memref_slice %arg7[%add3A_34, %dma_wait3A] : memref<10240x16xf32, #tpu.memory_space<vmem_shared>> -> memref<64x16xf32, #tpu.memory_space<vmem_shared>>
      %dma_wait3A_75 = arith.constant 0 : i32
      %dma_wait3A_76 = tpu.memref_slice %arg7[%add3A_34, %dma_wait3A_75] : memref<10240x16xf32, #tpu.memory_space<vmem_shared>> -> memref<64x16xf32, #tpu.memory_space<vmem_shared>>
      tpu.wait_dma2 semaphore(%run_scoped3A_70 : memref<!tpu.dma_semaphore, #tpu.memory_space<semaphore_mem>>) src(%arg6 : memref<64x16xf32, #tpu.memory_space<vmem>>) dst(%dma_wait3A_76 : memref<64x16xf32, #tpu.memory_space<vmem_shared>>)
      tpu.yield
    }) : () -> ()
    %mul3A_35 = arith.constant 640 : i32
    %mul3A_36 = arith.muli %arg1, %mul3A_35 : i32
    %add3A_37 = arith.constant 384 : i32
    %add3A_38 = arith.addi %mul3A_36, %add3A_37 : i32
    "tpu.region"() ({
      %run_scoped3A_70 = tpu.sem_alloc : memref<!tpu.dma_semaphore, #tpu.memory_space<semaphore_mem>>
      %dma_start3A = arith.constant 0 : i32
      %dma_start3A_71 = tpu.memref_slice %arg7[%add3A_38, %dma_start3A] : memref<10240x16xf32, #tpu.memory_space<vmem_shared>> -> memref<64x16xf32, #tpu.memory_space<vmem_shared>>
      %dma_start3A_72 = arith.constant 0 : i32
      %dma_start3A_73 = tpu.memref_slice %arg7[%add3A_38, %dma_start3A_72] : memref<10240x16xf32, #tpu.memory_space<vmem_shared>> -> memref<64x16xf32, #tpu.memory_space<vmem_shared>>
      tpu.enqueue_dma source(%arg6 : memref<64x16xf32, #tpu.memory_space<vmem>>) target(%dma_start3A_73 : memref<64x16xf32, #tpu.memory_space<vmem_shared>>) target_semaphore(%run_scoped3A_70 : memref<!tpu.dma_semaphore, #tpu.memory_space<semaphore_mem>>)
      %dma_wait3A = arith.constant 0 : i32
      %dma_wait3A_74 = tpu.memref_slice %arg7[%add3A_38, %dma_wait3A] : memref<10240x16xf32, #tpu.memory_space<vmem_shared>> -> memref<64x16xf32, #tpu.memory_space<vmem_shared>>
      %dma_wait3A_75 = arith.constant 0 : i32
      %dma_wait3A_76 = tpu.memref_slice %arg7[%add3A_38, %dma_wait3A_75] : memref<10240x16xf32, #tpu.memory_space<vmem_shared>> -> memref<64x16xf32, #tpu.memory_space<vmem_shared>>
      tpu.wait_dma2 semaphore(%run_scoped3A_70 : memref<!tpu.dma_semaphore, #tpu.memory_space<semaphore_mem>>) src(%arg6 : memref<64x16xf32, #tpu.memory_space<vmem>>) dst(%dma_wait3A_76 : memref<64x16xf32, #tpu.memory_space<vmem_shared>>)
      tpu.yield
    }) : () -> ()
    %mul3A_39 = arith.constant 640 : i32
    %mul3A_40 = arith.muli %arg1, %mul3A_39 : i32
    %add3A_41 = arith.constant 448 : i32
    %add3A_42 = arith.addi %mul3A_40, %add3A_41 : i32
    "tpu.region"() ({
      %run_scoped3A_70 = tpu.sem_alloc : memref<!tpu.dma_semaphore, #tpu.memory_space<semaphore_mem>>
      %dma_start3A = arith.constant 0 : i32
      %dma_start3A_71 = tpu.memref_slice %arg7[%add3A_42, %dma_start3A] : memref<10240x16xf32, #tpu.memory_space<vmem_shared>> -> memref<64x16xf32, #tpu.memory_space<vmem_shared>>
      %dma_start3A_72 = arith.constant 0 : i32
      %dma_start3A_73 = tpu.memref_slice %arg7[%add3A_42, %dma_start3A_72] : memref<10240x16xf32, #tpu.memory_space<vmem_shared>> -> memref<64x16xf32, #tpu.memory_space<vmem_shared>>
      tpu.enqueue_dma source(%arg6 : memref<64x16xf32, #tpu.memory_space<vmem>>) target(%dma_start3A_73 : memref<64x16xf32, #tpu.memory_space<vmem_shared>>) target_semaphore(%run_scoped3A_70 : memref<!tpu.dma_semaphore, #tpu.memory_space<semaphore_mem>>)
      %dma_wait3A = arith.constant 0 : i32
      %dma_wait3A_74 = tpu.memref_slice %arg7[%add3A_42, %dma_wait3A] : memref<10240x16xf32, #tpu.memory_space<vmem_shared>> -> memref<64x16xf32, #tpu.memory_space<vmem_shared>>
      %dma_wait3A_75 = arith.constant 0 : i32
      %dma_wait3A_76 = tpu.memref_slice %arg7[%add3A_42, %dma_wait3A_75] : memref<10240x16xf32, #tpu.memory_space<vmem_shared>> -> memref<64x16xf32, #tpu.memory_space<vmem_shared>>
      tpu.wait_dma2 semaphore(%run_scoped3A_70 : memref<!tpu.dma_semaphore, #tpu.memory_space<semaphore_mem>>) src(%arg6 : memref<64x16xf32, #tpu.memory_space<vmem>>) dst(%dma_wait3A_76 : memref<64x16xf32, #tpu.memory_space<vmem_shared>>)
      tpu.yield
    }) : () -> ()
    %mul3A_43 = arith.constant 640 : i32
    %mul3A_44 = arith.muli %arg1, %mul3A_43 : i32
    %add3A_45 = arith.constant 512 : i32
    %add3A_46 = arith.addi %mul3A_44, %add3A_45 : i32
    "tpu.region"() ({
      %run_scoped3A_70 = tpu.sem_alloc : memref<!tpu.dma_semaphore, #tpu.memory_space<semaphore_mem>>
      %dma_start3A = arith.constant 0 : i32
      %dma_start3A_71 = tpu.memref_slice %arg7[%add3A_46, %dma_start3A] : memref<10240x16xf32, #tpu.memory_space<vmem_shared>> -> memref<64x16xf32, #tpu.memory_space<vmem_shared>>
      %dma_start3A_72 = arith.constant 0 : i32
      %dma_start3A_73 = tpu.memref_slice %arg7[%add3A_46, %dma_start3A_72] : memref<10240x16xf32, #tpu.memory_space<vmem_shared>> -> memref<64x16xf32, #tpu.memory_space<vmem_shared>>
      tpu.enqueue_dma source(%arg6 : memref<64x16xf32, #tpu.memory_space<vmem>>) target(%dma_start3A_73 : memref<64x16xf32, #tpu.memory_space<vmem_shared>>) target_semaphore(%run_scoped3A_70 : memref<!tpu.dma_semaphore, #tpu.memory_space<semaphore_mem>>)
      %dma_wait3A = arith.constant 0 : i32
      %dma_wait3A_74 = tpu.memref_slice %arg7[%add3A_46, %dma_wait3A] : memref<10240x16xf32, #tpu.memory_space<vmem_shared>> -> memref<64x16xf32, #tpu.memory_space<vmem_shared>>
      %dma_wait3A_75 = arith.constant 0 : i32
      %dma_wait3A_76 = tpu.memref_slice %arg7[%add3A_46, %dma_wait3A_75] : memref<10240x16xf32, #tpu.memory_space<vmem_shared>> -> memref<64x16xf32, #tpu.memory_space<vmem_shared>>
      tpu.wait_dma2 semaphore(%run_scoped3A_70 : memref<!tpu.dma_semaphore, #tpu.memory_space<semaphore_mem>>) src(%arg6 : memref<64x16xf32, #tpu.memory_space<vmem>>) dst(%dma_wait3A_76 : memref<64x16xf32, #tpu.memory_space<vmem_shared>>)
      tpu.yield
    }) : () -> ()
    %mul3A_47 = arith.constant 640 : i32
    %mul3A_48 = arith.muli %arg1, %mul3A_47 : i32
    %add3A_49 = arith.constant 576 : i32
    %add3A_50 = arith.addi %mul3A_48, %add3A_49 : i32
    "tpu.region"() ({
      %run_scoped3A_70 = tpu.sem_alloc : memref<!tpu.dma_semaphore, #tpu.memory_space<semaphore_mem>>
      %dma_start3A = arith.constant 0 : i32
      %dma_start3A_71 = tpu.memref_slice %arg7[%add3A_50, %dma_start3A] : memref<10240x16xf32, #tpu.memory_space<vmem_shared>> -> memref<64x16xf32, #tpu.memory_space<vmem_shared>>
      %dma_start3A_72 = arith.constant 0 : i32
      %dma_start3A_73 = tpu.memref_slice %arg7[%add3A_50, %dma_start3A_72] : memref<10240x16xf32, #tpu.memory_space<vmem_shared>> -> memref<64x16xf32, #tpu.memory_space<vmem_shared>>
      tpu.enqueue_dma source(%arg6 : memref<64x16xf32, #tpu.memory_space<vmem>>) target(%dma_start3A_73 : memref<64x16xf32, #tpu.memory_space<vmem_shared>>) target_semaphore(%run_scoped3A_70 : memref<!tpu.dma_semaphore, #tpu.memory_space<semaphore_mem>>)
      %dma_wait3A = arith.constant 0 : i32
      %dma_wait3A_74 = tpu.memref_slice %arg7[%add3A_50, %dma_wait3A] : memref<10240x16xf32, #tpu.memory_space<vmem_shared>> -> memref<64x16xf32, #tpu.memory_space<vmem_shared>>
      %dma_wait3A_75 = arith.constant 0 : i32
      %dma_wait3A_76 = tpu.memref_slice %arg7[%add3A_50, %dma_wait3A_75] : memref<10240x16xf32, #tpu.memory_space<vmem_shared>> -> memref<64x16xf32, #tpu.memory_space<vmem_shared>>
      tpu.wait_dma2 semaphore(%run_scoped3A_70 : memref<!tpu.dma_semaphore, #tpu.memory_space<semaphore_mem>>) src(%arg6 : memref<64x16xf32, #tpu.memory_space<vmem>>) dst(%dma_wait3A_76 : memref<64x16xf32, #tpu.memory_space<vmem_shared>>)
      tpu.yield
    }) : () -> ()
    %barrier3A = arith.constant 0 : index
    tpu.barrier barrier_id(%barrier3A)
    %scan3A_51 = arith.constant 0 : i32
    %scan3A_52 = arith.constant 0 : i32
    %scan3A_53 = arith.constant 125 : i32
    %scan3A_54 = arith.addi %scan3A_52, %scan3A_53 : i32
    %scan3A_55 = arith.constant 1 : i32
    %scan3A_56 = scf.for %scan3A_70 = %scan3A_52 to %scan3A_54 step %scan3A_55 iter_args(%scan3A_71 = %scan3A_51) -> (i32)  : i32 {
      %dma_start3A = arith.constant 0 : i32
      %dma_start3A_72 = tpu.memref_slice %arg4[%scan3A_70, %dma_start3A] : memref<125x80xi32, #tpu.memory_space<vmem>> -> memref<1x80xi32, #tpu.memory_space<vmem>>
      %dma_start3A_73 = tpu.memref_squeeze %dma_start3A_72 : memref<1x80xi32, #tpu.memory_space<vmem>> -> memref<80xi32, #tpu.memory_space<vmem>>
      %dma_start3A_74 = arith.constant 0 : i32
      %dma_start3A_75 = arith.constant 0 : i32
      %dma_start3A_76 = tpu.memref_slice %arg7[%dma_start3A_74, %dma_start3A_75] : memref<10240x16xf32, #tpu.memory_space<vmem_shared>> -> memref<10240x16xf32, #tpu.memory_space<vmem_shared>>
      tpu.enqueue_indirect_dma source(%arg5 : memref<80x16xf32, #tpu.memory_space<vmem>>) target(%dma_start3A_76 : memref<10240x16xf32, #tpu.memory_space<vmem_shared>>) offsets(%dma_start3A_73 : memref<80xi32, #tpu.memory_space<vmem>>) semaphore(%arg8 : memref<!tpu.dma_semaphore, #tpu.memory_space<semaphore_mem>>) {add = true}
      %scan3A_77 = arith.constant 0 : i32
      scf.yield %scan3A_77 : i32
    }
    %scan3A_57 = arith.constant 125 : i32
    %scan3A_58 = arith.constant 0 : i32
    %scan3A_59 = arith.constant 0 : i32
    %scan3A_60 = arith.constant 125 : i32
    %scan3A_61 = arith.addi %scan3A_59, %scan3A_60 : i32
    %scan3A_62 = arith.constant 1 : i32
    %scan3A_63 = scf.for %scan3A_70 = %scan3A_59 to %scan3A_61 step %scan3A_62 iter_args(%scan3A_71 = %scan3A_58) -> (i32)  : i32 {
      %dma_wait3A = arith.constant 0 : i32
      %dma_wait3A_72 = tpu.memref_slice %arg4[%scan3A_70, %dma_wait3A] : memref<125x80xi32, #tpu.memory_space<vmem>> -> memref<1x80xi32, #tpu.memory_space<vmem>>
      %dma_wait3A_73 = tpu.memref_squeeze %dma_wait3A_72 : memref<1x80xi32, #tpu.memory_space<vmem>> -> memref<80xi32, #tpu.memory_space<vmem>>
      %dma_wait3A_74 = arith.constant 0 : i32
      %dma_wait3A_75 = arith.constant 0 : i32
      %dma_wait3A_76 = tpu.memref_slice %arg7[%dma_wait3A_74, %dma_wait3A_75] : memref<10240x16xf32, #tpu.memory_space<vmem_shared>> -> memref<10240x16xf32, #tpu.memory_space<vmem_shared>>
      tpu.wait_indirect_dma semaphore(%arg8 : memref<!tpu.dma_semaphore, #tpu.memory_space<semaphore_mem>>) src(%arg5 : memref<80x16xf32, #tpu.memory_space<vmem>>) dst(%dma_wait3A_76 : memref<10240x16xf32, #tpu.memory_space<vmem_shared>>)
      %scan3A_77 = arith.constant 0 : i32
      scf.yield %scan3A_77 : i32
    }
    %scan3A_64 = arith.constant 125 : i32
    %barrier3A_65 = arith.constant 0 : index
    tpu.barrier barrier_id(%barrier3A_65)
    %mul3A_66 = arith.constant 640 : i32
    %mul3A_67 = arith.muli %arg1, %mul3A_66 : i32
    %mul3A_68 = arith.constant 640 : i32
    %mul3A_69 = arith.muli %arg1, %mul3A_68 : i32
    "tpu.region"() ({
      %run_scoped3A_70 = tpu.sem_alloc : memref<!tpu.dma_semaphore, #tpu.memory_space<semaphore_mem>>
      %dma_start3A = arith.constant 0 : i32
      %dma_start3A_71 = tpu.memref_slice %arg3[%arg0, %mul3A_69, %dma_start3A] : memref<2x10240x16xf32, #tpu.memory_space<hbm>> -> memref<1x640x16xf32, #tpu.memory_space<hbm>>
      %dma_start3A_72 = tpu.memref_squeeze %dma_start3A_71 : memref<1x640x16xf32, #tpu.memory_space<hbm>> -> memref<640x16xf32, #tpu.memory_space<hbm>>
      %dma_start3A_73 = arith.constant 0 : i32
      %dma_start3A_74 = tpu.memref_slice %arg7[%mul3A_67, %dma_start3A_73] : memref<10240x16xf32, #tpu.memory_space<vmem_shared>> -> memref<640x16xf32, #tpu.memory_space<vmem_shared>>
      tpu.enqueue_dma source(%dma_start3A_74 : memref<640x16xf32, #tpu.memory_space<vmem_shared>>) target(%dma_start3A_72 : memref<640x16xf32, #tpu.memory_space<hbm>>) target_semaphore(%run_scoped3A_70 : memref<!tpu.dma_semaphore, #tpu.memory_space<semaphore_mem>>)
      %dma_wait3A = arith.constant 0 : i32
      %dma_wait3A_75 = tpu.memref_slice %arg3[%arg0, %mul3A_69, %dma_wait3A] : memref<2x10240x16xf32, #tpu.memory_space<hbm>> -> memref<1x640x16xf32, #tpu.memory_space<hbm>>
      %dma_wait3A_76 = tpu.memref_squeeze %dma_wait3A_75 : memref<1x640x16xf32, #tpu.memory_space<hbm>> -> memref<640x16xf32, #tpu.memory_space<hbm>>
      %dma_wait3A_77 = arith.constant 0 : i32
      %dma_wait3A_78 = tpu.memref_slice %arg7[%mul3A_67, %dma_wait3A_77] : memref<10240x16xf32, #tpu.memory_space<vmem_shared>> -> memref<640x16xf32, #tpu.memory_space<vmem_shared>>
      tpu.wait_dma2 semaphore(%run_scoped3A_70 : memref<!tpu.dma_semaphore, #tpu.memory_space<semaphore_mem>>) src(%dma_wait3A_78 : memref<640x16xf32, #tpu.memory_space<vmem_shared>>) dst(%dma_wait3A_76 : memref<640x16xf32, #tpu.memory_space<hbm>>)
      tpu.yield
    }) : () -> ()
    return
  }
}

#map = affine_map<(d0, d1) -> (0, 0)>
#map1 = affine_map<(d0, d1) -> (0, 0, 0, 0)>
#map2 = affine_map<(d0, d1) -> (0, 0, 0)>
module attributes {stable_mosaic.version = 14 : i64} {
  func.func @agg_kernel(%arg0: i32, %arg1: i32, %arg2: memref<10000x32xbf16, #tpu.memory_space<hbm>>, %arg3: memref<2x16x79x128xi32, #tpu.memory_space<hbm>>, %arg4: memref<2x16x79x128xi32, #tpu.memory_space<hbm>>, %arg5: memref<2x10240x32xbf16, #tpu.memory_space<hbm>>, %arg6: memref<79x128xi32, #tpu.memory_space<vmem>>, %arg7: memref<79x128xi32, #tpu.memory_space<vmem>>, %arg8: memref<128x32xbf16, #tpu.memory_space<vmem>>, %arg9: memref<64x32xbf16, #tpu.memory_space<vmem>>, %arg10: memref<10240x32xbf16, #tpu.memory_space<vmem_shared>>, %arg11: memref<10000x32xbf16, #tpu.memory_space<vmem_shared>>, %arg12: memref<!tpu.dma_semaphore, #tpu.memory_space<semaphore_mem>>) attributes {dimension_semantics = [#tpu.dimension_semantics<core_parallel>, #tpu.dimension_semantics<subcore_parallel>], iteration_bounds = array<i64: 2, 16>, scalar_prefetch = 0 : i64, scratch_operands = 7 : i64, tpu.core_type = #tpu.core_type<sc_vector_subcore>, window_params = [{transform_indices = #map}, {transform_indices = #map1}, {transform_indices = #map1}, {transform_indices = #map2}]} {
    "tpu.region"() ({
      %run_scoped3A = tpu.sem_alloc : memref<!tpu.dma_semaphore, #tpu.memory_space<semaphore_mem>>
      %dma_start3A = arith.constant 0 : i32
      %dma_start3A_60 = arith.constant 0 : i32
      %dma_start3A_61 = tpu.memref_slice %arg3[%arg0, %arg1, %dma_start3A, %dma_start3A_60] : memref<2x16x79x128xi32, #tpu.memory_space<hbm>> -> memref<1x1x79x128xi32, #tpu.memory_space<hbm>>
      %dma_start3A_62 = tpu.memref_squeeze %dma_start3A_61 : memref<1x1x79x128xi32, #tpu.memory_space<hbm>> -> memref<79x128xi32, #tpu.memory_space<hbm>>
      %dma_start3A_63 = arith.constant 0 : i32
      %dma_start3A_64 = arith.constant 0 : i32
      %dma_start3A_65 = tpu.memref_slice %arg3[%arg0, %arg1, %dma_start3A_63, %dma_start3A_64] : memref<2x16x79x128xi32, #tpu.memory_space<hbm>> -> memref<1x1x79x128xi32, #tpu.memory_space<hbm>>
      %dma_start3A_66 = tpu.memref_squeeze %dma_start3A_65 : memref<1x1x79x128xi32, #tpu.memory_space<hbm>> -> memref<79x128xi32, #tpu.memory_space<hbm>>
      tpu.enqueue_dma source(%dma_start3A_66 : memref<79x128xi32, #tpu.memory_space<hbm>>) target(%arg6 : memref<79x128xi32, #tpu.memory_space<vmem>>) target_semaphore(%run_scoped3A : memref<!tpu.dma_semaphore, #tpu.memory_space<semaphore_mem>>)
      %dma_wait3A = arith.constant 0 : i32
      %dma_wait3A_67 = arith.constant 0 : i32
      %dma_wait3A_68 = tpu.memref_slice %arg3[%arg0, %arg1, %dma_wait3A, %dma_wait3A_67] : memref<2x16x79x128xi32, #tpu.memory_space<hbm>> -> memref<1x1x79x128xi32, #tpu.memory_space<hbm>>
      %dma_wait3A_69 = tpu.memref_squeeze %dma_wait3A_68 : memref<1x1x79x128xi32, #tpu.memory_space<hbm>> -> memref<79x128xi32, #tpu.memory_space<hbm>>
      %dma_wait3A_70 = arith.constant 0 : i32
      %dma_wait3A_71 = arith.constant 0 : i32
      %dma_wait3A_72 = tpu.memref_slice %arg3[%arg0, %arg1, %dma_wait3A_70, %dma_wait3A_71] : memref<2x16x79x128xi32, #tpu.memory_space<hbm>> -> memref<1x1x79x128xi32, #tpu.memory_space<hbm>>
      %dma_wait3A_73 = tpu.memref_squeeze %dma_wait3A_72 : memref<1x1x79x128xi32, #tpu.memory_space<hbm>> -> memref<79x128xi32, #tpu.memory_space<hbm>>
      tpu.wait_dma2 semaphore(%run_scoped3A : memref<!tpu.dma_semaphore, #tpu.memory_space<semaphore_mem>>) src(%dma_wait3A_73 : memref<79x128xi32, #tpu.memory_space<hbm>>) dst(%arg6 : memref<79x128xi32, #tpu.memory_space<vmem>>)
      tpu.yield
    }) : () -> ()
    "tpu.region"() ({
      %run_scoped3A = tpu.sem_alloc : memref<!tpu.dma_semaphore, #tpu.memory_space<semaphore_mem>>
      %dma_start3A = arith.constant 0 : i32
      %dma_start3A_60 = arith.constant 0 : i32
      %dma_start3A_61 = tpu.memref_slice %arg4[%arg0, %arg1, %dma_start3A, %dma_start3A_60] : memref<2x16x79x128xi32, #tpu.memory_space<hbm>> -> memref<1x1x79x128xi32, #tpu.memory_space<hbm>>
      %dma_start3A_62 = tpu.memref_squeeze %dma_start3A_61 : memref<1x1x79x128xi32, #tpu.memory_space<hbm>> -> memref<79x128xi32, #tpu.memory_space<hbm>>
      %dma_start3A_63 = arith.constant 0 : i32
      %dma_start3A_64 = arith.constant 0 : i32
      %dma_start3A_65 = tpu.memref_slice %arg4[%arg0, %arg1, %dma_start3A_63, %dma_start3A_64] : memref<2x16x79x128xi32, #tpu.memory_space<hbm>> -> memref<1x1x79x128xi32, #tpu.memory_space<hbm>>
      %dma_start3A_66 = tpu.memref_squeeze %dma_start3A_65 : memref<1x1x79x128xi32, #tpu.memory_space<hbm>> -> memref<79x128xi32, #tpu.memory_space<hbm>>
      tpu.enqueue_dma source(%dma_start3A_66 : memref<79x128xi32, #tpu.memory_space<hbm>>) target(%arg7 : memref<79x128xi32, #tpu.memory_space<vmem>>) target_semaphore(%run_scoped3A : memref<!tpu.dma_semaphore, #tpu.memory_space<semaphore_mem>>)
      %dma_wait3A = arith.constant 0 : i32
      %dma_wait3A_67 = arith.constant 0 : i32
      %dma_wait3A_68 = tpu.memref_slice %arg4[%arg0, %arg1, %dma_wait3A, %dma_wait3A_67] : memref<2x16x79x128xi32, #tpu.memory_space<hbm>> -> memref<1x1x79x128xi32, #tpu.memory_space<hbm>>
      %dma_wait3A_69 = tpu.memref_squeeze %dma_wait3A_68 : memref<1x1x79x128xi32, #tpu.memory_space<hbm>> -> memref<79x128xi32, #tpu.memory_space<hbm>>
      %dma_wait3A_70 = arith.constant 0 : i32
      %dma_wait3A_71 = arith.constant 0 : i32
      %dma_wait3A_72 = tpu.memref_slice %arg4[%arg0, %arg1, %dma_wait3A_70, %dma_wait3A_71] : memref<2x16x79x128xi32, #tpu.memory_space<hbm>> -> memref<1x1x79x128xi32, #tpu.memory_space<hbm>>
      %dma_wait3A_73 = tpu.memref_squeeze %dma_wait3A_72 : memref<1x1x79x128xi32, #tpu.memory_space<hbm>> -> memref<79x128xi32, #tpu.memory_space<hbm>>
      tpu.wait_dma2 semaphore(%run_scoped3A : memref<!tpu.dma_semaphore, #tpu.memory_space<semaphore_mem>>) src(%dma_wait3A_73 : memref<79x128xi32, #tpu.memory_space<hbm>>) dst(%arg7 : memref<79x128xi32, #tpu.memory_space<vmem>>)
      tpu.yield
    }) : () -> ()
    %mul3A = arith.constant 625 : i32
    %mul3A_0 = arith.muli %arg1, %mul3A : i32
    %mul3A_1 = arith.constant 625 : i32
    %mul3A_2 = arith.muli %arg1, %mul3A_1 : i32
    "tpu.region"() ({
      %run_scoped3A = tpu.sem_alloc : memref<!tpu.dma_semaphore, #tpu.memory_space<semaphore_mem>>
      %dma_start3A = arith.constant 0 : i32
      %dma_start3A_60 = tpu.memref_slice %arg11[%mul3A_2, %dma_start3A] : memref<10000x32xbf16, #tpu.memory_space<vmem_shared>> -> memref<625x32xbf16, #tpu.memory_space<vmem_shared>>
      %dma_start3A_61 = arith.constant 0 : i32
      %dma_start3A_62 = tpu.memref_slice %arg2[%mul3A_0, %dma_start3A_61] : memref<10000x32xbf16, #tpu.memory_space<hbm>> -> memref<625x32xbf16, #tpu.memory_space<hbm>>
      tpu.enqueue_dma source(%dma_start3A_62 : memref<625x32xbf16, #tpu.memory_space<hbm>>) target(%dma_start3A_60 : memref<625x32xbf16, #tpu.memory_space<vmem_shared>>) target_semaphore(%run_scoped3A : memref<!tpu.dma_semaphore, #tpu.memory_space<semaphore_mem>>)
      %dma_wait3A = arith.constant 0 : i32
      %dma_wait3A_63 = tpu.memref_slice %arg11[%mul3A_2, %dma_wait3A] : memref<10000x32xbf16, #tpu.memory_space<vmem_shared>> -> memref<625x32xbf16, #tpu.memory_space<vmem_shared>>
      %dma_wait3A_64 = arith.constant 0 : i32
      %dma_wait3A_65 = tpu.memref_slice %arg2[%mul3A_0, %dma_wait3A_64] : memref<10000x32xbf16, #tpu.memory_space<hbm>> -> memref<625x32xbf16, #tpu.memory_space<hbm>>
      tpu.wait_dma2 semaphore(%run_scoped3A : memref<!tpu.dma_semaphore, #tpu.memory_space<semaphore_mem>>) src(%dma_wait3A_65 : memref<625x32xbf16, #tpu.memory_space<hbm>>) dst(%dma_wait3A_63 : memref<625x32xbf16, #tpu.memory_space<vmem_shared>>)
      tpu.yield
    }) : () -> ()
    %scan3A = arith.constant 0 : i32
    %scan3A_3 = arith.constant 0 : i32
    %scan3A_4 = arith.constant 64 : i32
    %scan3A_5 = arith.addi %scan3A_3, %scan3A_4 : i32
    %scan3A_6 = arith.constant 1 : i32
    %scan3A_7 = scf.for %scan3A_60 = %scan3A_3 to %scan3A_5 step %scan3A_6 iter_args(%scan3A_61 = %scan3A) -> (i32)  : i32 {
      %broadcast_in_dim3A = arith.constant 0.000000e+00 : bf16
      %broadcast_in_dim3A_62 = vector.broadcast %broadcast_in_dim3A : bf16 to vector<32xbf16>
      %swap3A = arith.index_cast %scan3A_60 : i32 to index
      %swap3A_63 = arith.constant 0 : index
      %swap3A_64 = tpu.vector_load %arg9[%swap3A, %swap3A_63] {strides = array<i32>} : memref<64x32xbf16, #tpu.memory_space<vmem>>, vector<1x32xbf16>,
      %swap3A_65 = vector.shape_cast %swap3A_64 : vector<1x32xbf16> to vector<32xbf16>
      %swap3A_66 = vector.shape_cast %broadcast_in_dim3A_62 : vector<32xbf16> to vector<1x32xbf16>
      tpu.vector_store %arg9[%swap3A, %swap3A_63], %swap3A_66 {strides = array<i32>} : memref<64x32xbf16, #tpu.memory_space<vmem>>, vector<1x32xbf16>,
      %scan3A_67 = arith.constant 0 : i32
      scf.yield %scan3A_67 : i32
    }
    %scan3A_8 = arith.constant 64 : i32
    %mul3A_9 = arith.constant 640 : i32
    %mul3A_10 = arith.muli %arg1, %mul3A_9 : i32
    %add3A = arith.constant 0 : i32
    %add3A_11 = arith.addi %mul3A_10, %add3A : i32
    "tpu.region"() ({
      %run_scoped3A = tpu.sem_alloc : memref<!tpu.dma_semaphore, #tpu.memory_space<semaphore_mem>>
      %dma_start3A = arith.constant 0 : i32
      %dma_start3A_60 = tpu.memref_slice %arg10[%add3A_11, %dma_start3A] : memref<10240x32xbf16, #tpu.memory_space<vmem_shared>> -> memref<64x32xbf16, #tpu.memory_space<vmem_shared>>
      %dma_start3A_61 = arith.constant 0 : i32
      %dma_start3A_62 = tpu.memref_slice %arg10[%add3A_11, %dma_start3A_61] : memref<10240x32xbf16, #tpu.memory_space<vmem_shared>> -> memref<64x32xbf16, #tpu.memory_space<vmem_shared>>
      tpu.enqueue_dma source(%arg9 : memref<64x32xbf16, #tpu.memory_space<vmem>>) target(%dma_start3A_62 : memref<64x32xbf16, #tpu.memory_space<vmem_shared>>) target_semaphore(%run_scoped3A : memref<!tpu.dma_semaphore, #tpu.memory_space<semaphore_mem>>)
      %dma_wait3A = arith.constant 0 : i32
      %dma_wait3A_63 = tpu.memref_slice %arg10[%add3A_11, %dma_wait3A] : memref<10240x32xbf16, #tpu.memory_space<vmem_shared>> -> memref<64x32xbf16, #tpu.memory_space<vmem_shared>>
      %dma_wait3A_64 = arith.constant 0 : i32
      %dma_wait3A_65 = tpu.memref_slice %arg10[%add3A_11, %dma_wait3A_64] : memref<10240x32xbf16, #tpu.memory_space<vmem_shared>> -> memref<64x32xbf16, #tpu.memory_space<vmem_shared>>
      tpu.wait_dma2 semaphore(%run_scoped3A : memref<!tpu.dma_semaphore, #tpu.memory_space<semaphore_mem>>) src(%arg9 : memref<64x32xbf16, #tpu.memory_space<vmem>>) dst(%dma_wait3A_65 : memref<64x32xbf16, #tpu.memory_space<vmem_shared>>)
      tpu.yield
    }) : () -> ()
    %mul3A_12 = arith.constant 640 : i32
    %mul3A_13 = arith.muli %arg1, %mul3A_12 : i32
    %add3A_14 = arith.constant 64 : i32
    %add3A_15 = arith.addi %mul3A_13, %add3A_14 : i32
    "tpu.region"() ({
      %run_scoped3A = tpu.sem_alloc : memref<!tpu.dma_semaphore, #tpu.memory_space<semaphore_mem>>
      %dma_start3A = arith.constant 0 : i32
      %dma_start3A_60 = tpu.memref_slice %arg10[%add3A_15, %dma_start3A] : memref<10240x32xbf16, #tpu.memory_space<vmem_shared>> -> memref<64x32xbf16, #tpu.memory_space<vmem_shared>>
      %dma_start3A_61 = arith.constant 0 : i32
      %dma_start3A_62 = tpu.memref_slice %arg10[%add3A_15, %dma_start3A_61] : memref<10240x32xbf16, #tpu.memory_space<vmem_shared>> -> memref<64x32xbf16, #tpu.memory_space<vmem_shared>>
      tpu.enqueue_dma source(%arg9 : memref<64x32xbf16, #tpu.memory_space<vmem>>) target(%dma_start3A_62 : memref<64x32xbf16, #tpu.memory_space<vmem_shared>>) target_semaphore(%run_scoped3A : memref<!tpu.dma_semaphore, #tpu.memory_space<semaphore_mem>>)
      %dma_wait3A = arith.constant 0 : i32
      %dma_wait3A_63 = tpu.memref_slice %arg10[%add3A_15, %dma_wait3A] : memref<10240x32xbf16, #tpu.memory_space<vmem_shared>> -> memref<64x32xbf16, #tpu.memory_space<vmem_shared>>
      %dma_wait3A_64 = arith.constant 0 : i32
      %dma_wait3A_65 = tpu.memref_slice %arg10[%add3A_15, %dma_wait3A_64] : memref<10240x32xbf16, #tpu.memory_space<vmem_shared>> -> memref<64x32xbf16, #tpu.memory_space<vmem_shared>>
      tpu.wait_dma2 semaphore(%run_scoped3A : memref<!tpu.dma_semaphore, #tpu.memory_space<semaphore_mem>>) src(%arg9 : memref<64x32xbf16, #tpu.memory_space<vmem>>) dst(%dma_wait3A_65 : memref<64x32xbf16, #tpu.memory_space<vmem_shared>>)
      tpu.yield
    }) : () -> ()
    %mul3A_16 = arith.constant 640 : i32
    %mul3A_17 = arith.muli %arg1, %mul3A_16 : i32
    %add3A_18 = arith.constant 128 : i32
    %add3A_19 = arith.addi %mul3A_17, %add3A_18 : i32
    "tpu.region"() ({
      %run_scoped3A = tpu.sem_alloc : memref<!tpu.dma_semaphore, #tpu.memory_space<semaphore_mem>>
      %dma_start3A = arith.constant 0 : i32
      %dma_start3A_60 = tpu.memref_slice %arg10[%add3A_19, %dma_start3A] : memref<10240x32xbf16, #tpu.memory_space<vmem_shared>> -> memref<64x32xbf16, #tpu.memory_space<vmem_shared>>
      %dma_start3A_61 = arith.constant 0 : i32
      %dma_start3A_62 = tpu.memref_slice %arg10[%add3A_19, %dma_start3A_61] : memref<10240x32xbf16, #tpu.memory_space<vmem_shared>> -> memref<64x32xbf16, #tpu.memory_space<vmem_shared>>
      tpu.enqueue_dma source(%arg9 : memref<64x32xbf16, #tpu.memory_space<vmem>>) target(%dma_start3A_62 : memref<64x32xbf16, #tpu.memory_space<vmem_shared>>) target_semaphore(%run_scoped3A : memref<!tpu.dma_semaphore, #tpu.memory_space<semaphore_mem>>)
      %dma_wait3A = arith.constant 0 : i32
      %dma_wait3A_63 = tpu.memref_slice %arg10[%add3A_19, %dma_wait3A] : memref<10240x32xbf16, #tpu.memory_space<vmem_shared>> -> memref<64x32xbf16, #tpu.memory_space<vmem_shared>>
      %dma_wait3A_64 = arith.constant 0 : i32
      %dma_wait3A_65 = tpu.memref_slice %arg10[%add3A_19, %dma_wait3A_64] : memref<10240x32xbf16, #tpu.memory_space<vmem_shared>> -> memref<64x32xbf16, #tpu.memory_space<vmem_shared>>
      tpu.wait_dma2 semaphore(%run_scoped3A : memref<!tpu.dma_semaphore, #tpu.memory_space<semaphore_mem>>) src(%arg9 : memref<64x32xbf16, #tpu.memory_space<vmem>>) dst(%dma_wait3A_65 : memref<64x32xbf16, #tpu.memory_space<vmem_shared>>)
      tpu.yield
    }) : () -> ()
    %mul3A_20 = arith.constant 640 : i32
    %mul3A_21 = arith.muli %arg1, %mul3A_20 : i32
    %add3A_22 = arith.constant 192 : i32
    %add3A_23 = arith.addi %mul3A_21, %add3A_22 : i32
    "tpu.region"() ({
      %run_scoped3A = tpu.sem_alloc : memref<!tpu.dma_semaphore, #tpu.memory_space<semaphore_mem>>
      %dma_start3A = arith.constant 0 : i32
      %dma_start3A_60 = tpu.memref_slice %arg10[%add3A_23, %dma_start3A] : memref<10240x32xbf16, #tpu.memory_space<vmem_shared>> -> memref<64x32xbf16, #tpu.memory_space<vmem_shared>>
      %dma_start3A_61 = arith.constant 0 : i32
      %dma_start3A_62 = tpu.memref_slice %arg10[%add3A_23, %dma_start3A_61] : memref<10240x32xbf16, #tpu.memory_space<vmem_shared>> -> memref<64x32xbf16, #tpu.memory_space<vmem_shared>>
      tpu.enqueue_dma source(%arg9 : memref<64x32xbf16, #tpu.memory_space<vmem>>) target(%dma_start3A_62 : memref<64x32xbf16, #tpu.memory_space<vmem_shared>>) target_semaphore(%run_scoped3A : memref<!tpu.dma_semaphore, #tpu.memory_space<semaphore_mem>>)
      %dma_wait3A = arith.constant 0 : i32
      %dma_wait3A_63 = tpu.memref_slice %arg10[%add3A_23, %dma_wait3A] : memref<10240x32xbf16, #tpu.memory_space<vmem_shared>> -> memref<64x32xbf16, #tpu.memory_space<vmem_shared>>
      %dma_wait3A_64 = arith.constant 0 : i32
      %dma_wait3A_65 = tpu.memref_slice %arg10[%add3A_23, %dma_wait3A_64] : memref<10240x32xbf16, #tpu.memory_space<vmem_shared>> -> memref<64x32xbf16, #tpu.memory_space<vmem_shared>>
      tpu.wait_dma2 semaphore(%run_scoped3A : memref<!tpu.dma_semaphore, #tpu.memory_space<semaphore_mem>>) src(%arg9 : memref<64x32xbf16, #tpu.memory_space<vmem>>) dst(%dma_wait3A_65 : memref<64x32xbf16, #tpu.memory_space<vmem_shared>>)
      tpu.yield
    }) : () -> ()
    %mul3A_24 = arith.constant 640 : i32
    %mul3A_25 = arith.muli %arg1, %mul3A_24 : i32
    %add3A_26 = arith.constant 256 : i32
    %add3A_27 = arith.addi %mul3A_25, %add3A_26 : i32
    "tpu.region"() ({
      %run_scoped3A = tpu.sem_alloc : memref<!tpu.dma_semaphore, #tpu.memory_space<semaphore_mem>>
      %dma_start3A = arith.constant 0 : i32
      %dma_start3A_60 = tpu.memref_slice %arg10[%add3A_27, %dma_start3A] : memref<10240x32xbf16, #tpu.memory_space<vmem_shared>> -> memref<64x32xbf16, #tpu.memory_space<vmem_shared>>
      %dma_start3A_61 = arith.constant 0 : i32
      %dma_start3A_62 = tpu.memref_slice %arg10[%add3A_27, %dma_start3A_61] : memref<10240x32xbf16, #tpu.memory_space<vmem_shared>> -> memref<64x32xbf16, #tpu.memory_space<vmem_shared>>
      tpu.enqueue_dma source(%arg9 : memref<64x32xbf16, #tpu.memory_space<vmem>>) target(%dma_start3A_62 : memref<64x32xbf16, #tpu.memory_space<vmem_shared>>) target_semaphore(%run_scoped3A : memref<!tpu.dma_semaphore, #tpu.memory_space<semaphore_mem>>)
      %dma_wait3A = arith.constant 0 : i32
      %dma_wait3A_63 = tpu.memref_slice %arg10[%add3A_27, %dma_wait3A] : memref<10240x32xbf16, #tpu.memory_space<vmem_shared>> -> memref<64x32xbf16, #tpu.memory_space<vmem_shared>>
      %dma_wait3A_64 = arith.constant 0 : i32
      %dma_wait3A_65 = tpu.memref_slice %arg10[%add3A_27, %dma_wait3A_64] : memref<10240x32xbf16, #tpu.memory_space<vmem_shared>> -> memref<64x32xbf16, #tpu.memory_space<vmem_shared>>
      tpu.wait_dma2 semaphore(%run_scoped3A : memref<!tpu.dma_semaphore, #tpu.memory_space<semaphore_mem>>) src(%arg9 : memref<64x32xbf16, #tpu.memory_space<vmem>>) dst(%dma_wait3A_65 : memref<64x32xbf16, #tpu.memory_space<vmem_shared>>)
      tpu.yield
    }) : () -> ()
    %mul3A_28 = arith.constant 640 : i32
    %mul3A_29 = arith.muli %arg1, %mul3A_28 : i32
    %add3A_30 = arith.constant 320 : i32
    %add3A_31 = arith.addi %mul3A_29, %add3A_30 : i32
    "tpu.region"() ({
      %run_scoped3A = tpu.sem_alloc : memref<!tpu.dma_semaphore, #tpu.memory_space<semaphore_mem>>
      %dma_start3A = arith.constant 0 : i32
      %dma_start3A_60 = tpu.memref_slice %arg10[%add3A_31, %dma_start3A] : memref<10240x32xbf16, #tpu.memory_space<vmem_shared>> -> memref<64x32xbf16, #tpu.memory_space<vmem_shared>>
      %dma_start3A_61 = arith.constant 0 : i32
      %dma_start3A_62 = tpu.memref_slice %arg10[%add3A_31, %dma_start3A_61] : memref<10240x32xbf16, #tpu.memory_space<vmem_shared>> -> memref<64x32xbf16, #tpu.memory_space<vmem_shared>>
      tpu.enqueue_dma source(%arg9 : memref<64x32xbf16, #tpu.memory_space<vmem>>) target(%dma_start3A_62 : memref<64x32xbf16, #tpu.memory_space<vmem_shared>>) target_semaphore(%run_scoped3A : memref<!tpu.dma_semaphore, #tpu.memory_space<semaphore_mem>>)
      %dma_wait3A = arith.constant 0 : i32
      %dma_wait3A_63 = tpu.memref_slice %arg10[%add3A_31, %dma_wait3A] : memref<10240x32xbf16, #tpu.memory_space<vmem_shared>> -> memref<64x32xbf16, #tpu.memory_space<vmem_shared>>
      %dma_wait3A_64 = arith.constant 0 : i32
      %dma_wait3A_65 = tpu.memref_slice %arg10[%add3A_31, %dma_wait3A_64] : memref<10240x32xbf16, #tpu.memory_space<vmem_shared>> -> memref<64x32xbf16, #tpu.memory_space<vmem_shared>>
      tpu.wait_dma2 semaphore(%run_scoped3A : memref<!tpu.dma_semaphore, #tpu.memory_space<semaphore_mem>>) src(%arg9 : memref<64x32xbf16, #tpu.memory_space<vmem>>) dst(%dma_wait3A_65 : memref<64x32xbf16, #tpu.memory_space<vmem_shared>>)
      tpu.yield
    }) : () -> ()
    %mul3A_32 = arith.constant 640 : i32
    %mul3A_33 = arith.muli %arg1, %mul3A_32 : i32
    %add3A_34 = arith.constant 384 : i32
    %add3A_35 = arith.addi %mul3A_33, %add3A_34 : i32
    "tpu.region"() ({
      %run_scoped3A = tpu.sem_alloc : memref<!tpu.dma_semaphore, #tpu.memory_space<semaphore_mem>>
      %dma_start3A = arith.constant 0 : i32
      %dma_start3A_60 = tpu.memref_slice %arg10[%add3A_35, %dma_start3A] : memref<10240x32xbf16, #tpu.memory_space<vmem_shared>> -> memref<64x32xbf16, #tpu.memory_space<vmem_shared>>
      %dma_start3A_61 = arith.constant 0 : i32
      %dma_start3A_62 = tpu.memref_slice %arg10[%add3A_35, %dma_start3A_61] : memref<10240x32xbf16, #tpu.memory_space<vmem_shared>> -> memref<64x32xbf16, #tpu.memory_space<vmem_shared>>
      tpu.enqueue_dma source(%arg9 : memref<64x32xbf16, #tpu.memory_space<vmem>>) target(%dma_start3A_62 : memref<64x32xbf16, #tpu.memory_space<vmem_shared>>) target_semaphore(%run_scoped3A : memref<!tpu.dma_semaphore, #tpu.memory_space<semaphore_mem>>)
      %dma_wait3A = arith.constant 0 : i32
      %dma_wait3A_63 = tpu.memref_slice %arg10[%add3A_35, %dma_wait3A] : memref<10240x32xbf16, #tpu.memory_space<vmem_shared>> -> memref<64x32xbf16, #tpu.memory_space<vmem_shared>>
      %dma_wait3A_64 = arith.constant 0 : i32
      %dma_wait3A_65 = tpu.memref_slice %arg10[%add3A_35, %dma_wait3A_64] : memref<10240x32xbf16, #tpu.memory_space<vmem_shared>> -> memref<64x32xbf16, #tpu.memory_space<vmem_shared>>
      tpu.wait_dma2 semaphore(%run_scoped3A : memref<!tpu.dma_semaphore, #tpu.memory_space<semaphore_mem>>) src(%arg9 : memref<64x32xbf16, #tpu.memory_space<vmem>>) dst(%dma_wait3A_65 : memref<64x32xbf16, #tpu.memory_space<vmem_shared>>)
      tpu.yield
    }) : () -> ()
    %mul3A_36 = arith.constant 640 : i32
    %mul3A_37 = arith.muli %arg1, %mul3A_36 : i32
    %add3A_38 = arith.constant 448 : i32
    %add3A_39 = arith.addi %mul3A_37, %add3A_38 : i32
    "tpu.region"() ({
      %run_scoped3A = tpu.sem_alloc : memref<!tpu.dma_semaphore, #tpu.memory_space<semaphore_mem>>
      %dma_start3A = arith.constant 0 : i32
      %dma_start3A_60 = tpu.memref_slice %arg10[%add3A_39, %dma_start3A] : memref<10240x32xbf16, #tpu.memory_space<vmem_shared>> -> memref<64x32xbf16, #tpu.memory_space<vmem_shared>>
      %dma_start3A_61 = arith.constant 0 : i32
      %dma_start3A_62 = tpu.memref_slice %arg10[%add3A_39, %dma_start3A_61] : memref<10240x32xbf16, #tpu.memory_space<vmem_shared>> -> memref<64x32xbf16, #tpu.memory_space<vmem_shared>>
      tpu.enqueue_dma source(%arg9 : memref<64x32xbf16, #tpu.memory_space<vmem>>) target(%dma_start3A_62 : memref<64x32xbf16, #tpu.memory_space<vmem_shared>>) target_semaphore(%run_scoped3A : memref<!tpu.dma_semaphore, #tpu.memory_space<semaphore_mem>>)
      %dma_wait3A = arith.constant 0 : i32
      %dma_wait3A_63 = tpu.memref_slice %arg10[%add3A_39, %dma_wait3A] : memref<10240x32xbf16, #tpu.memory_space<vmem_shared>> -> memref<64x32xbf16, #tpu.memory_space<vmem_shared>>
      %dma_wait3A_64 = arith.constant 0 : i32
      %dma_wait3A_65 = tpu.memref_slice %arg10[%add3A_39, %dma_wait3A_64] : memref<10240x32xbf16, #tpu.memory_space<vmem_shared>> -> memref<64x32xbf16, #tpu.memory_space<vmem_shared>>
      tpu.wait_dma2 semaphore(%run_scoped3A : memref<!tpu.dma_semaphore, #tpu.memory_space<semaphore_mem>>) src(%arg9 : memref<64x32xbf16, #tpu.memory_space<vmem>>) dst(%dma_wait3A_65 : memref<64x32xbf16, #tpu.memory_space<vmem_shared>>)
      tpu.yield
    }) : () -> ()
    %mul3A_40 = arith.constant 640 : i32
    %mul3A_41 = arith.muli %arg1, %mul3A_40 : i32
    %add3A_42 = arith.constant 512 : i32
    %add3A_43 = arith.addi %mul3A_41, %add3A_42 : i32
    "tpu.region"() ({
      %run_scoped3A = tpu.sem_alloc : memref<!tpu.dma_semaphore, #tpu.memory_space<semaphore_mem>>
      %dma_start3A = arith.constant 0 : i32
      %dma_start3A_60 = tpu.memref_slice %arg10[%add3A_43, %dma_start3A] : memref<10240x32xbf16, #tpu.memory_space<vmem_shared>> -> memref<64x32xbf16, #tpu.memory_space<vmem_shared>>
      %dma_start3A_61 = arith.constant 0 : i32
      %dma_start3A_62 = tpu.memref_slice %arg10[%add3A_43, %dma_start3A_61] : memref<10240x32xbf16, #tpu.memory_space<vmem_shared>> -> memref<64x32xbf16, #tpu.memory_space<vmem_shared>>
      tpu.enqueue_dma source(%arg9 : memref<64x32xbf16, #tpu.memory_space<vmem>>) target(%dma_start3A_62 : memref<64x32xbf16, #tpu.memory_space<vmem_shared>>) target_semaphore(%run_scoped3A : memref<!tpu.dma_semaphore, #tpu.memory_space<semaphore_mem>>)
      %dma_wait3A = arith.constant 0 : i32
      %dma_wait3A_63 = tpu.memref_slice %arg10[%add3A_43, %dma_wait3A] : memref<10240x32xbf16, #tpu.memory_space<vmem_shared>> -> memref<64x32xbf16, #tpu.memory_space<vmem_shared>>
      %dma_wait3A_64 = arith.constant 0 : i32
      %dma_wait3A_65 = tpu.memref_slice %arg10[%add3A_43, %dma_wait3A_64] : memref<10240x32xbf16, #tpu.memory_space<vmem_shared>> -> memref<64x32xbf16, #tpu.memory_space<vmem_shared>>
      tpu.wait_dma2 semaphore(%run_scoped3A : memref<!tpu.dma_semaphore, #tpu.memory_space<semaphore_mem>>) src(%arg9 : memref<64x32xbf16, #tpu.memory_space<vmem>>) dst(%dma_wait3A_65 : memref<64x32xbf16, #tpu.memory_space<vmem_shared>>)
      tpu.yield
    }) : () -> ()
    %mul3A_44 = arith.constant 640 : i32
    %mul3A_45 = arith.muli %arg1, %mul3A_44 : i32
    %add3A_46 = arith.constant 576 : i32
    %add3A_47 = arith.addi %mul3A_45, %add3A_46 : i32
    "tpu.region"() ({
      %run_scoped3A = tpu.sem_alloc : memref<!tpu.dma_semaphore, #tpu.memory_space<semaphore_mem>>
      %dma_start3A = arith.constant 0 : i32
      %dma_start3A_60 = tpu.memref_slice %arg10[%add3A_47, %dma_start3A] : memref<10240x32xbf16, #tpu.memory_space<vmem_shared>> -> memref<64x32xbf16, #tpu.memory_space<vmem_shared>>
      %dma_start3A_61 = arith.constant 0 : i32
      %dma_start3A_62 = tpu.memref_slice %arg10[%add3A_47, %dma_start3A_61] : memref<10240x32xbf16, #tpu.memory_space<vmem_shared>> -> memref<64x32xbf16, #tpu.memory_space<vmem_shared>>
      tpu.enqueue_dma source(%arg9 : memref<64x32xbf16, #tpu.memory_space<vmem>>) target(%dma_start3A_62 : memref<64x32xbf16, #tpu.memory_space<vmem_shared>>) target_semaphore(%run_scoped3A : memref<!tpu.dma_semaphore, #tpu.memory_space<semaphore_mem>>)
      %dma_wait3A = arith.constant 0 : i32
      %dma_wait3A_63 = tpu.memref_slice %arg10[%add3A_47, %dma_wait3A] : memref<10240x32xbf16, #tpu.memory_space<vmem_shared>> -> memref<64x32xbf16, #tpu.memory_space<vmem_shared>>
      %dma_wait3A_64 = arith.constant 0 : i32
      %dma_wait3A_65 = tpu.memref_slice %arg10[%add3A_47, %dma_wait3A_64] : memref<10240x32xbf16, #tpu.memory_space<vmem_shared>> -> memref<64x32xbf16, #tpu.memory_space<vmem_shared>>
      tpu.wait_dma2 semaphore(%run_scoped3A : memref<!tpu.dma_semaphore, #tpu.memory_space<semaphore_mem>>) src(%arg9 : memref<64x32xbf16, #tpu.memory_space<vmem>>) dst(%dma_wait3A_65 : memref<64x32xbf16, #tpu.memory_space<vmem_shared>>)
      tpu.yield
    }) : () -> ()
    %barrier3A = arith.constant 0 : index
    tpu.barrier barrier_id(%barrier3A)
    %scan3A_48 = arith.constant 0 : i32
    %scan3A_49 = arith.constant 0 : i32
    %scan3A_50 = arith.constant 79 : i32
    %scan3A_51 = arith.addi %scan3A_49, %scan3A_50 : i32
    %scan3A_52 = arith.constant 1 : i32
    %scan3A_53 = scf.for %scan3A_60 = %scan3A_49 to %scan3A_51 step %scan3A_52 iter_args(%scan3A_61 = %scan3A_48) -> (i32)  : i32 {
      %dma_start3A = arith.constant 0 : i32
      %dma_start3A_62 = tpu.memref_slice %arg6[%scan3A_60, %dma_start3A] : memref<79x128xi32, #tpu.memory_space<vmem>> -> memref<1x128xi32, #tpu.memory_space<vmem>>
      %dma_start3A_63 = tpu.memref_squeeze %dma_start3A_62 : memref<1x128xi32, #tpu.memory_space<vmem>> -> memref<128xi32, #tpu.memory_space<vmem>>
      %dma_start3A_64 = arith.constant 0 : i32
      %dma_start3A_65 = arith.constant 0 : i32
      %dma_start3A_66 = tpu.memref_slice %arg11[%dma_start3A_64, %dma_start3A_65] : memref<10000x32xbf16, #tpu.memory_space<vmem_shared>> -> memref<10000x32xbf16, #tpu.memory_space<vmem_shared>>
      tpu.enqueue_indirect_dma source(%dma_start3A_66 : memref<10000x32xbf16, #tpu.memory_space<vmem_shared>>) target(%arg8 : memref<128x32xbf16, #tpu.memory_space<vmem>>) offsets(%dma_start3A_63 : memref<128xi32, #tpu.memory_space<vmem>>) semaphore(%arg12 : memref<!tpu.dma_semaphore, #tpu.memory_space<semaphore_mem>>)
      %dma_wait3A = arith.constant 0 : i32
      %dma_wait3A_67 = tpu.memref_slice %arg6[%scan3A_60, %dma_wait3A] : memref<79x128xi32, #tpu.memory_space<vmem>> -> memref<1x128xi32, #tpu.memory_space<vmem>>
      %dma_wait3A_68 = tpu.memref_squeeze %dma_wait3A_67 : memref<1x128xi32, #tpu.memory_space<vmem>> -> memref<128xi32, #tpu.memory_space<vmem>>
      %dma_wait3A_69 = arith.constant 0 : i32
      %dma_wait3A_70 = arith.constant 0 : i32
      %dma_wait3A_71 = tpu.memref_slice %arg11[%dma_wait3A_69, %dma_wait3A_70] : memref<10000x32xbf16, #tpu.memory_space<vmem_shared>> -> memref<10000x32xbf16, #tpu.memory_space<vmem_shared>>
      tpu.wait_indirect_dma semaphore(%arg12 : memref<!tpu.dma_semaphore, #tpu.memory_space<semaphore_mem>>) src(%dma_wait3A_71 : memref<10000x32xbf16, #tpu.memory_space<vmem_shared>>) dst(%arg8 : memref<128x32xbf16, #tpu.memory_space<vmem>>)
      "tpu.region"() ({
        %run_scoped3A = tpu.sem_alloc : memref<!tpu.dma_semaphore, #tpu.memory_space<semaphore_mem>>
        %dma_start3A_73 = arith.constant 0 : i32
        %dma_start3A_74 = tpu.memref_slice %arg7[%scan3A_60, %dma_start3A_73] : memref<79x128xi32, #tpu.memory_space<vmem>> -> memref<1x128xi32, #tpu.memory_space<vmem>>
        %dma_start3A_75 = tpu.memref_squeeze %dma_start3A_74 : memref<1x128xi32, #tpu.memory_space<vmem>> -> memref<128xi32, #tpu.memory_space<vmem>>
        %dma_start3A_76 = arith.constant 0 : i32
        %dma_start3A_77 = arith.constant 0 : i32
        %dma_start3A_78 = tpu.memref_slice %arg10[%dma_start3A_76, %dma_start3A_77] : memref<10240x32xbf16, #tpu.memory_space<vmem_shared>> -> memref<10240x32xbf16, #tpu.memory_space<vmem_shared>>
        tpu.enqueue_indirect_dma source(%arg8 : memref<128x32xbf16, #tpu.memory_space<vmem>>) target(%dma_start3A_78 : memref<10240x32xbf16, #tpu.memory_space<vmem_shared>>) offsets(%dma_start3A_75 : memref<128xi32, #tpu.memory_space<vmem>>) semaphore(%run_scoped3A : memref<!tpu.dma_semaphore, #tpu.memory_space<semaphore_mem>>) {add = true}
        %dma_wait3A_79 = arith.constant 0 : i32
        %dma_wait3A_80 = tpu.memref_slice %arg7[%scan3A_60, %dma_wait3A_79] : memref<79x128xi32, #tpu.memory_space<vmem>> -> memref<1x128xi32, #tpu.memory_space<vmem>>
        %dma_wait3A_81 = tpu.memref_squeeze %dma_wait3A_80 : memref<1x128xi32, #tpu.memory_space<vmem>> -> memref<128xi32, #tpu.memory_space<vmem>>
        %dma_wait3A_82 = arith.constant 0 : i32
        %dma_wait3A_83 = arith.constant 0 : i32
        %dma_wait3A_84 = tpu.memref_slice %arg10[%dma_wait3A_82, %dma_wait3A_83] : memref<10240x32xbf16, #tpu.memory_space<vmem_shared>> -> memref<10240x32xbf16, #tpu.memory_space<vmem_shared>>
        tpu.wait_indirect_dma semaphore(%run_scoped3A : memref<!tpu.dma_semaphore, #tpu.memory_space<semaphore_mem>>) src(%arg8 : memref<128x32xbf16, #tpu.memory_space<vmem>>) dst(%dma_wait3A_84 : memref<10240x32xbf16, #tpu.memory_space<vmem_shared>>)
        tpu.yield
      }) : () -> ()
      %scan3A_72 = arith.constant 0 : i32
      scf.yield %scan3A_72 : i32
    }
    %scan3A_54 = arith.constant 79 : i32
    %barrier3A_55 = arith.constant 0 : index
    tpu.barrier barrier_id(%barrier3A_55)
    %mul3A_56 = arith.constant 640 : i32
    %mul3A_57 = arith.muli %arg1, %mul3A_56 : i32
    %mul3A_58 = arith.constant 640 : i32
    %mul3A_59 = arith.muli %arg1, %mul3A_58 : i32
    "tpu.region"() ({
      %run_scoped3A = tpu.sem_alloc : memref<!tpu.dma_semaphore, #tpu.memory_space<semaphore_mem>>
      %dma_start3A = arith.constant 0 : i32
      %dma_start3A_60 = tpu.memref_slice %arg5[%arg0, %mul3A_59, %dma_start3A] : memref<2x10240x32xbf16, #tpu.memory_space<hbm>> -> memref<1x640x32xbf16, #tpu.memory_space<hbm>>
      %dma_start3A_61 = tpu.memref_squeeze %dma_start3A_60 : memref<1x640x32xbf16, #tpu.memory_space<hbm>> -> memref<640x32xbf16, #tpu.memory_space<hbm>>
      %dma_start3A_62 = arith.constant 0 : i32
      %dma_start3A_63 = tpu.memref_slice %arg10[%mul3A_57, %dma_start3A_62] : memref<10240x32xbf16, #tpu.memory_space<vmem_shared>> -> memref<640x32xbf16, #tpu.memory_space<vmem_shared>>
      tpu.enqueue_dma source(%dma_start3A_63 : memref<640x32xbf16, #tpu.memory_space<vmem_shared>>) target(%dma_start3A_61 : memref<640x32xbf16, #tpu.memory_space<hbm>>) target_semaphore(%run_scoped3A : memref<!tpu.dma_semaphore, #tpu.memory_space<semaphore_mem>>)
      %dma_wait3A = arith.constant 0 : i32
      %dma_wait3A_64 = tpu.memref_slice %arg5[%arg0, %mul3A_59, %dma_wait3A] : memref<2x10240x32xbf16, #tpu.memory_space<hbm>> -> memref<1x640x32xbf16, #tpu.memory_space<hbm>>
      %dma_wait3A_65 = tpu.memref_squeeze %dma_wait3A_64 : memref<1x640x32xbf16, #tpu.memory_space<hbm>> -> memref<640x32xbf16, #tpu.memory_space<hbm>>
      %dma_wait3A_66 = arith.constant 0 : i32
      %dma_wait3A_67 = tpu.memref_slice %arg10[%mul3A_57, %dma_wait3A_66] : memref<10240x32xbf16, #tpu.memory_space<vmem_shared>> -> memref<640x32xbf16, #tpu.memory_space<vmem_shared>>
      tpu.wait_dma2 semaphore(%run_scoped3A : memref<!tpu.dma_semaphore, #tpu.memory_space<semaphore_mem>>) src(%dma_wait3A_67 : memref<640x32xbf16, #tpu.memory_space<vmem_shared>>) dst(%dma_wait3A_65 : memref<640x32xbf16, #tpu.memory_space<hbm>>)
      tpu.yield
    }) : () -> ()
    return
  }
}

#map = affine_map<(d0, d1) -> (0, 0)>
#map1 = affine_map<(d0, d1) -> (0, 0, 0, 0)>
#map2 = affine_map<(d0, d1) -> (0, 0, 0)>
module attributes {stable_mosaic.version = 14 : i64} {
  func.func @agg_kernel(%arg0: i32, %arg1: i32, %arg2: memref<10000x32xbf16, #tpu.memory_space<hbm>>, %arg3: memref<2x16x79x128xi32, #tpu.memory_space<hbm>>, %arg4: memref<2x16x79x128xi32, #tpu.memory_space<hbm>>, %arg5: memref<2x10240x32xbf16, #tpu.memory_space<hbm>>, %arg6: memref<79x128xi32, #tpu.memory_space<vmem>>, %arg7: memref<79x128xi32, #tpu.memory_space<vmem>>, %arg8: memref<128x32xbf16, #tpu.memory_space<vmem>>, %arg9: memref<64x32xbf16, #tpu.memory_space<vmem>>, %arg10: memref<10240x32xbf16, #tpu.memory_space<vmem_shared>>, %arg11: memref<10000x32xbf16, #tpu.memory_space<vmem_shared>>, %arg12: memref<!tpu.dma_semaphore, #tpu.memory_space<semaphore_mem>>) attributes {dimension_semantics = [#tpu.dimension_semantics<core_parallel>, #tpu.dimension_semantics<subcore_parallel>], iteration_bounds = array<i64: 2, 16>, scalar_prefetch = 0 : i64, scratch_operands = 7 : i64, tpu.core_type = #tpu.core_type<sc_vector_subcore>, window_params = [{transform_indices = #map}, {transform_indices = #map1}, {transform_indices = #map1}, {transform_indices = #map2}]} {
    "tpu.region"() ({
      %run_scoped3A = tpu.sem_alloc : memref<!tpu.dma_semaphore, #tpu.memory_space<semaphore_mem>>
      %dma_start3A = arith.constant 0 : i32
      %dma_start3A_60 = arith.constant 0 : i32
      %dma_start3A_61 = tpu.memref_slice %arg3[%arg0, %arg1, %dma_start3A, %dma_start3A_60] : memref<2x16x79x128xi32, #tpu.memory_space<hbm>> -> memref<1x1x79x128xi32, #tpu.memory_space<hbm>>
      %dma_start3A_62 = tpu.memref_squeeze %dma_start3A_61 : memref<1x1x79x128xi32, #tpu.memory_space<hbm>> -> memref<79x128xi32, #tpu.memory_space<hbm>>
      %dma_start3A_63 = arith.constant 0 : i32
      %dma_start3A_64 = arith.constant 0 : i32
      %dma_start3A_65 = tpu.memref_slice %arg3[%arg0, %arg1, %dma_start3A_63, %dma_start3A_64] : memref<2x16x79x128xi32, #tpu.memory_space<hbm>> -> memref<1x1x79x128xi32, #tpu.memory_space<hbm>>
      %dma_start3A_66 = tpu.memref_squeeze %dma_start3A_65 : memref<1x1x79x128xi32, #tpu.memory_space<hbm>> -> memref<79x128xi32, #tpu.memory_space<hbm>>
      tpu.enqueue_dma source(%dma_start3A_66 : memref<79x128xi32, #tpu.memory_space<hbm>>) target(%arg6 : memref<79x128xi32, #tpu.memory_space<vmem>>) target_semaphore(%run_scoped3A : memref<!tpu.dma_semaphore, #tpu.memory_space<semaphore_mem>>)
      %dma_wait3A = arith.constant 0 : i32
      %dma_wait3A_67 = arith.constant 0 : i32
      %dma_wait3A_68 = tpu.memref_slice %arg3[%arg0, %arg1, %dma_wait3A, %dma_wait3A_67] : memref<2x16x79x128xi32, #tpu.memory_space<hbm>> -> memref<1x1x79x128xi32, #tpu.memory_space<hbm>>
      %dma_wait3A_69 = tpu.memref_squeeze %dma_wait3A_68 : memref<1x1x79x128xi32, #tpu.memory_space<hbm>> -> memref<79x128xi32, #tpu.memory_space<hbm>>
      %dma_wait3A_70 = arith.constant 0 : i32
      %dma_wait3A_71 = arith.constant 0 : i32
      %dma_wait3A_72 = tpu.memref_slice %arg3[%arg0, %arg1, %dma_wait3A_70, %dma_wait3A_71] : memref<2x16x79x128xi32, #tpu.memory_space<hbm>> -> memref<1x1x79x128xi32, #tpu.memory_space<hbm>>
      %dma_wait3A_73 = tpu.memref_squeeze %dma_wait3A_72 : memref<1x1x79x128xi32, #tpu.memory_space<hbm>> -> memref<79x128xi32, #tpu.memory_space<hbm>>
      tpu.wait_dma2 semaphore(%run_scoped3A : memref<!tpu.dma_semaphore, #tpu.memory_space<semaphore_mem>>) src(%dma_wait3A_73 : memref<79x128xi32, #tpu.memory_space<hbm>>) dst(%arg6 : memref<79x128xi32, #tpu.memory_space<vmem>>)
      tpu.yield
    }) : () -> ()
    "tpu.region"() ({
      %run_scoped3A = tpu.sem_alloc : memref<!tpu.dma_semaphore, #tpu.memory_space<semaphore_mem>>
      %dma_start3A = arith.constant 0 : i32
      %dma_start3A_60 = arith.constant 0 : i32
      %dma_start3A_61 = tpu.memref_slice %arg4[%arg0, %arg1, %dma_start3A, %dma_start3A_60] : memref<2x16x79x128xi32, #tpu.memory_space<hbm>> -> memref<1x1x79x128xi32, #tpu.memory_space<hbm>>
      %dma_start3A_62 = tpu.memref_squeeze %dma_start3A_61 : memref<1x1x79x128xi32, #tpu.memory_space<hbm>> -> memref<79x128xi32, #tpu.memory_space<hbm>>
      %dma_start3A_63 = arith.constant 0 : i32
      %dma_start3A_64 = arith.constant 0 : i32
      %dma_start3A_65 = tpu.memref_slice %arg4[%arg0, %arg1, %dma_start3A_63, %dma_start3A_64] : memref<2x16x79x128xi32, #tpu.memory_space<hbm>> -> memref<1x1x79x128xi32, #tpu.memory_space<hbm>>
      %dma_start3A_66 = tpu.memref_squeeze %dma_start3A_65 : memref<1x1x79x128xi32, #tpu.memory_space<hbm>> -> memref<79x128xi32, #tpu.memory_space<hbm>>
      tpu.enqueue_dma source(%dma_start3A_66 : memref<79x128xi32, #tpu.memory_space<hbm>>) target(%arg7 : memref<79x128xi32, #tpu.memory_space<vmem>>) target_semaphore(%run_scoped3A : memref<!tpu.dma_semaphore, #tpu.memory_space<semaphore_mem>>)
      %dma_wait3A = arith.constant 0 : i32
      %dma_wait3A_67 = arith.constant 0 : i32
      %dma_wait3A_68 = tpu.memref_slice %arg4[%arg0, %arg1, %dma_wait3A, %dma_wait3A_67] : memref<2x16x79x128xi32, #tpu.memory_space<hbm>> -> memref<1x1x79x128xi32, #tpu.memory_space<hbm>>
      %dma_wait3A_69 = tpu.memref_squeeze %dma_wait3A_68 : memref<1x1x79x128xi32, #tpu.memory_space<hbm>> -> memref<79x128xi32, #tpu.memory_space<hbm>>
      %dma_wait3A_70 = arith.constant 0 : i32
      %dma_wait3A_71 = arith.constant 0 : i32
      %dma_wait3A_72 = tpu.memref_slice %arg4[%arg0, %arg1, %dma_wait3A_70, %dma_wait3A_71] : memref<2x16x79x128xi32, #tpu.memory_space<hbm>> -> memref<1x1x79x128xi32, #tpu.memory_space<hbm>>
      %dma_wait3A_73 = tpu.memref_squeeze %dma_wait3A_72 : memref<1x1x79x128xi32, #tpu.memory_space<hbm>> -> memref<79x128xi32, #tpu.memory_space<hbm>>
      tpu.wait_dma2 semaphore(%run_scoped3A : memref<!tpu.dma_semaphore, #tpu.memory_space<semaphore_mem>>) src(%dma_wait3A_73 : memref<79x128xi32, #tpu.memory_space<hbm>>) dst(%arg7 : memref<79x128xi32, #tpu.memory_space<vmem>>)
      tpu.yield
    }) : () -> ()
    %mul3A = arith.constant 625 : i32
    %mul3A_0 = arith.muli %arg1, %mul3A : i32
    %mul3A_1 = arith.constant 625 : i32
    %mul3A_2 = arith.muli %arg1, %mul3A_1 : i32
    "tpu.region"() ({
      %run_scoped3A = tpu.sem_alloc : memref<!tpu.dma_semaphore, #tpu.memory_space<semaphore_mem>>
      %dma_start3A = arith.constant 0 : i32
      %dma_start3A_60 = tpu.memref_slice %arg11[%mul3A_2, %dma_start3A] : memref<10000x32xbf16, #tpu.memory_space<vmem_shared>> -> memref<625x32xbf16, #tpu.memory_space<vmem_shared>>
      %dma_start3A_61 = arith.constant 0 : i32
      %dma_start3A_62 = tpu.memref_slice %arg2[%mul3A_0, %dma_start3A_61] : memref<10000x32xbf16, #tpu.memory_space<hbm>> -> memref<625x32xbf16, #tpu.memory_space<hbm>>
      tpu.enqueue_dma source(%dma_start3A_62 : memref<625x32xbf16, #tpu.memory_space<hbm>>) target(%dma_start3A_60 : memref<625x32xbf16, #tpu.memory_space<vmem_shared>>) target_semaphore(%run_scoped3A : memref<!tpu.dma_semaphore, #tpu.memory_space<semaphore_mem>>)
      %dma_wait3A = arith.constant 0 : i32
      %dma_wait3A_63 = tpu.memref_slice %arg11[%mul3A_2, %dma_wait3A] : memref<10000x32xbf16, #tpu.memory_space<vmem_shared>> -> memref<625x32xbf16, #tpu.memory_space<vmem_shared>>
      %dma_wait3A_64 = arith.constant 0 : i32
      %dma_wait3A_65 = tpu.memref_slice %arg2[%mul3A_0, %dma_wait3A_64] : memref<10000x32xbf16, #tpu.memory_space<hbm>> -> memref<625x32xbf16, #tpu.memory_space<hbm>>
      tpu.wait_dma2 semaphore(%run_scoped3A : memref<!tpu.dma_semaphore, #tpu.memory_space<semaphore_mem>>) src(%dma_wait3A_65 : memref<625x32xbf16, #tpu.memory_space<hbm>>) dst(%dma_wait3A_63 : memref<625x32xbf16, #tpu.memory_space<vmem_shared>>)
      tpu.yield
    }) : () -> ()
    %scan3A = arith.constant 0 : i32
    %scan3A_3 = arith.constant 0 : i32
    %scan3A_4 = arith.constant 64 : i32
    %scan3A_5 = arith.addi %scan3A_3, %scan3A_4 : i32
    %scan3A_6 = arith.constant 1 : i32
    %scan3A_7 = scf.for %scan3A_60 = %scan3A_3 to %scan3A_5 step %scan3A_6 iter_args(%scan3A_61 = %scan3A) -> (i32)  : i32 {
      %broadcast_in_dim3A = arith.constant 0.000000e+00 : bf16
      %broadcast_in_dim3A_62 = vector.broadcast %broadcast_in_dim3A : bf16 to vector<32xbf16>
      %swap3A = arith.index_cast %scan3A_60 : i32 to index
      %swap3A_63 = arith.constant 0 : index
      %swap3A_64 = tpu.vector_load %arg9[%swap3A, %swap3A_63] {strides = array<i32>} : memref<64x32xbf16, #tpu.memory_space<vmem>>, vector<1x32xbf16>,
      %swap3A_65 = vector.shape_cast %swap3A_64 : vector<1x32xbf16> to vector<32xbf16>
      %swap3A_66 = vector.shape_cast %broadcast_in_dim3A_62 : vector<32xbf16> to vector<1x32xbf16>
      tpu.vector_store %arg9[%swap3A, %swap3A_63], %swap3A_66 {strides = array<i32>} : memref<64x32xbf16, #tpu.memory_space<vmem>>, vector<1x32xbf16>,
      %scan3A_67 = arith.constant 0 : i32
      scf.yield %scan3A_67 : i32
    }
    %scan3A_8 = arith.constant 64 : i32
    %mul3A_9 = arith.constant 640 : i32
    %mul3A_10 = arith.muli %arg1, %mul3A_9 : i32
    %add3A = arith.constant 0 : i32
    %add3A_11 = arith.addi %mul3A_10, %add3A : i32
    "tpu.region"() ({
      %run_scoped3A = tpu.sem_alloc : memref<!tpu.dma_semaphore, #tpu.memory_space<semaphore_mem>>
      %dma_start3A = arith.constant 0 : i32
      %dma_start3A_60 = tpu.memref_slice %arg10[%add3A_11, %dma_start3A] : memref<10240x32xbf16, #tpu.memory_space<vmem_shared>> -> memref<64x32xbf16, #tpu.memory_space<vmem_shared>>
      %dma_start3A_61 = arith.constant 0 : i32
      %dma_start3A_62 = tpu.memref_slice %arg10[%add3A_11, %dma_start3A_61] : memref<10240x32xbf16, #tpu.memory_space<vmem_shared>> -> memref<64x32xbf16, #tpu.memory_space<vmem_shared>>
      tpu.enqueue_dma source(%arg9 : memref<64x32xbf16, #tpu.memory_space<vmem>>) target(%dma_start3A_62 : memref<64x32xbf16, #tpu.memory_space<vmem_shared>>) target_semaphore(%run_scoped3A : memref<!tpu.dma_semaphore, #tpu.memory_space<semaphore_mem>>)
      %dma_wait3A = arith.constant 0 : i32
      %dma_wait3A_63 = tpu.memref_slice %arg10[%add3A_11, %dma_wait3A] : memref<10240x32xbf16, #tpu.memory_space<vmem_shared>> -> memref<64x32xbf16, #tpu.memory_space<vmem_shared>>
      %dma_wait3A_64 = arith.constant 0 : i32
      %dma_wait3A_65 = tpu.memref_slice %arg10[%add3A_11, %dma_wait3A_64] : memref<10240x32xbf16, #tpu.memory_space<vmem_shared>> -> memref<64x32xbf16, #tpu.memory_space<vmem_shared>>
      tpu.wait_dma2 semaphore(%run_scoped3A : memref<!tpu.dma_semaphore, #tpu.memory_space<semaphore_mem>>) src(%arg9 : memref<64x32xbf16, #tpu.memory_space<vmem>>) dst(%dma_wait3A_65 : memref<64x32xbf16, #tpu.memory_space<vmem_shared>>)
      tpu.yield
    }) : () -> ()
    %mul3A_12 = arith.constant 640 : i32
    %mul3A_13 = arith.muli %arg1, %mul3A_12 : i32
    %add3A_14 = arith.constant 64 : i32
    %add3A_15 = arith.addi %mul3A_13, %add3A_14 : i32
    "tpu.region"() ({
      %run_scoped3A = tpu.sem_alloc : memref<!tpu.dma_semaphore, #tpu.memory_space<semaphore_mem>>
      %dma_start3A = arith.constant 0 : i32
      %dma_start3A_60 = tpu.memref_slice %arg10[%add3A_15, %dma_start3A] : memref<10240x32xbf16, #tpu.memory_space<vmem_shared>> -> memref<64x32xbf16, #tpu.memory_space<vmem_shared>>
      %dma_start3A_61 = arith.constant 0 : i32
      %dma_start3A_62 = tpu.memref_slice %arg10[%add3A_15, %dma_start3A_61] : memref<10240x32xbf16, #tpu.memory_space<vmem_shared>> -> memref<64x32xbf16, #tpu.memory_space<vmem_shared>>
      tpu.enqueue_dma source(%arg9 : memref<64x32xbf16, #tpu.memory_space<vmem>>) target(%dma_start3A_62 : memref<64x32xbf16, #tpu.memory_space<vmem_shared>>) target_semaphore(%run_scoped3A : memref<!tpu.dma_semaphore, #tpu.memory_space<semaphore_mem>>)
      %dma_wait3A = arith.constant 0 : i32
      %dma_wait3A_63 = tpu.memref_slice %arg10[%add3A_15, %dma_wait3A] : memref<10240x32xbf16, #tpu.memory_space<vmem_shared>> -> memref<64x32xbf16, #tpu.memory_space<vmem_shared>>
      %dma_wait3A_64 = arith.constant 0 : i32
      %dma_wait3A_65 = tpu.memref_slice %arg10[%add3A_15, %dma_wait3A_64] : memref<10240x32xbf16, #tpu.memory_space<vmem_shared>> -> memref<64x32xbf16, #tpu.memory_space<vmem_shared>>
      tpu.wait_dma2 semaphore(%run_scoped3A : memref<!tpu.dma_semaphore, #tpu.memory_space<semaphore_mem>>) src(%arg9 : memref<64x32xbf16, #tpu.memory_space<vmem>>) dst(%dma_wait3A_65 : memref<64x32xbf16, #tpu.memory_space<vmem_shared>>)
      tpu.yield
    }) : () -> ()
    %mul3A_16 = arith.constant 640 : i32
    %mul3A_17 = arith.muli %arg1, %mul3A_16 : i32
    %add3A_18 = arith.constant 128 : i32
    %add3A_19 = arith.addi %mul3A_17, %add3A_18 : i32
    "tpu.region"() ({
      %run_scoped3A = tpu.sem_alloc : memref<!tpu.dma_semaphore, #tpu.memory_space<semaphore_mem>>
      %dma_start3A = arith.constant 0 : i32
      %dma_start3A_60 = tpu.memref_slice %arg10[%add3A_19, %dma_start3A] : memref<10240x32xbf16, #tpu.memory_space<vmem_shared>> -> memref<64x32xbf16, #tpu.memory_space<vmem_shared>>
      %dma_start3A_61 = arith.constant 0 : i32
      %dma_start3A_62 = tpu.memref_slice %arg10[%add3A_19, %dma_start3A_61] : memref<10240x32xbf16, #tpu.memory_space<vmem_shared>> -> memref<64x32xbf16, #tpu.memory_space<vmem_shared>>
      tpu.enqueue_dma source(%arg9 : memref<64x32xbf16, #tpu.memory_space<vmem>>) target(%dma_start3A_62 : memref<64x32xbf16, #tpu.memory_space<vmem_shared>>) target_semaphore(%run_scoped3A : memref<!tpu.dma_semaphore, #tpu.memory_space<semaphore_mem>>)
      %dma_wait3A = arith.constant 0 : i32
      %dma_wait3A_63 = tpu.memref_slice %arg10[%add3A_19, %dma_wait3A] : memref<10240x32xbf16, #tpu.memory_space<vmem_shared>> -> memref<64x32xbf16, #tpu.memory_space<vmem_shared>>
      %dma_wait3A_64 = arith.constant 0 : i32
      %dma_wait3A_65 = tpu.memref_slice %arg10[%add3A_19, %dma_wait3A_64] : memref<10240x32xbf16, #tpu.memory_space<vmem_shared>> -> memref<64x32xbf16, #tpu.memory_space<vmem_shared>>
      tpu.wait_dma2 semaphore(%run_scoped3A : memref<!tpu.dma_semaphore, #tpu.memory_space<semaphore_mem>>) src(%arg9 : memref<64x32xbf16, #tpu.memory_space<vmem>>) dst(%dma_wait3A_65 : memref<64x32xbf16, #tpu.memory_space<vmem_shared>>)
      tpu.yield
    }) : () -> ()
    %mul3A_20 = arith.constant 640 : i32
    %mul3A_21 = arith.muli %arg1, %mul3A_20 : i32
    %add3A_22 = arith.constant 192 : i32
    %add3A_23 = arith.addi %mul3A_21, %add3A_22 : i32
    "tpu.region"() ({
      %run_scoped3A = tpu.sem_alloc : memref<!tpu.dma_semaphore, #tpu.memory_space<semaphore_mem>>
      %dma_start3A = arith.constant 0 : i32
      %dma_start3A_60 = tpu.memref_slice %arg10[%add3A_23, %dma_start3A] : memref<10240x32xbf16, #tpu.memory_space<vmem_shared>> -> memref<64x32xbf16, #tpu.memory_space<vmem_shared>>
      %dma_start3A_61 = arith.constant 0 : i32
      %dma_start3A_62 = tpu.memref_slice %arg10[%add3A_23, %dma_start3A_61] : memref<10240x32xbf16, #tpu.memory_space<vmem_shared>> -> memref<64x32xbf16, #tpu.memory_space<vmem_shared>>
      tpu.enqueue_dma source(%arg9 : memref<64x32xbf16, #tpu.memory_space<vmem>>) target(%dma_start3A_62 : memref<64x32xbf16, #tpu.memory_space<vmem_shared>>) target_semaphore(%run_scoped3A : memref<!tpu.dma_semaphore, #tpu.memory_space<semaphore_mem>>)
      %dma_wait3A = arith.constant 0 : i32
      %dma_wait3A_63 = tpu.memref_slice %arg10[%add3A_23, %dma_wait3A] : memref<10240x32xbf16, #tpu.memory_space<vmem_shared>> -> memref<64x32xbf16, #tpu.memory_space<vmem_shared>>
      %dma_wait3A_64 = arith.constant 0 : i32
      %dma_wait3A_65 = tpu.memref_slice %arg10[%add3A_23, %dma_wait3A_64] : memref<10240x32xbf16, #tpu.memory_space<vmem_shared>> -> memref<64x32xbf16, #tpu.memory_space<vmem_shared>>
      tpu.wait_dma2 semaphore(%run_scoped3A : memref<!tpu.dma_semaphore, #tpu.memory_space<semaphore_mem>>) src(%arg9 : memref<64x32xbf16, #tpu.memory_space<vmem>>) dst(%dma_wait3A_65 : memref<64x32xbf16, #tpu.memory_space<vmem_shared>>)
      tpu.yield
    }) : () -> ()
    %mul3A_24 = arith.constant 640 : i32
    %mul3A_25 = arith.muli %arg1, %mul3A_24 : i32
    %add3A_26 = arith.constant 256 : i32
    %add3A_27 = arith.addi %mul3A_25, %add3A_26 : i32
    "tpu.region"() ({
      %run_scoped3A = tpu.sem_alloc : memref<!tpu.dma_semaphore, #tpu.memory_space<semaphore_mem>>
      %dma_start3A = arith.constant 0 : i32
      %dma_start3A_60 = tpu.memref_slice %arg10[%add3A_27, %dma_start3A] : memref<10240x32xbf16, #tpu.memory_space<vmem_shared>> -> memref<64x32xbf16, #tpu.memory_space<vmem_shared>>
      %dma_start3A_61 = arith.constant 0 : i32
      %dma_start3A_62 = tpu.memref_slice %arg10[%add3A_27, %dma_start3A_61] : memref<10240x32xbf16, #tpu.memory_space<vmem_shared>> -> memref<64x32xbf16, #tpu.memory_space<vmem_shared>>
      tpu.enqueue_dma source(%arg9 : memref<64x32xbf16, #tpu.memory_space<vmem>>) target(%dma_start3A_62 : memref<64x32xbf16, #tpu.memory_space<vmem_shared>>) target_semaphore(%run_scoped3A : memref<!tpu.dma_semaphore, #tpu.memory_space<semaphore_mem>>)
      %dma_wait3A = arith.constant 0 : i32
      %dma_wait3A_63 = tpu.memref_slice %arg10[%add3A_27, %dma_wait3A] : memref<10240x32xbf16, #tpu.memory_space<vmem_shared>> -> memref<64x32xbf16, #tpu.memory_space<vmem_shared>>
      %dma_wait3A_64 = arith.constant 0 : i32
      %dma_wait3A_65 = tpu.memref_slice %arg10[%add3A_27, %dma_wait3A_64] : memref<10240x32xbf16, #tpu.memory_space<vmem_shared>> -> memref<64x32xbf16, #tpu.memory_space<vmem_shared>>
      tpu.wait_dma2 semaphore(%run_scoped3A : memref<!tpu.dma_semaphore, #tpu.memory_space<semaphore_mem>>) src(%arg9 : memref<64x32xbf16, #tpu.memory_space<vmem>>) dst(%dma_wait3A_65 : memref<64x32xbf16, #tpu.memory_space<vmem_shared>>)
      tpu.yield
    }) : () -> ()
    %mul3A_28 = arith.constant 640 : i32
    %mul3A_29 = arith.muli %arg1, %mul3A_28 : i32
    %add3A_30 = arith.constant 320 : i32
    %add3A_31 = arith.addi %mul3A_29, %add3A_30 : i32
    "tpu.region"() ({
      %run_scoped3A = tpu.sem_alloc : memref<!tpu.dma_semaphore, #tpu.memory_space<semaphore_mem>>
      %dma_start3A = arith.constant 0 : i32
      %dma_start3A_60 = tpu.memref_slice %arg10[%add3A_31, %dma_start3A] : memref<10240x32xbf16, #tpu.memory_space<vmem_shared>> -> memref<64x32xbf16, #tpu.memory_space<vmem_shared>>
      %dma_start3A_61 = arith.constant 0 : i32
      %dma_start3A_62 = tpu.memref_slice %arg10[%add3A_31, %dma_start3A_61] : memref<10240x32xbf16, #tpu.memory_space<vmem_shared>> -> memref<64x32xbf16, #tpu.memory_space<vmem_shared>>
      tpu.enqueue_dma source(%arg9 : memref<64x32xbf16, #tpu.memory_space<vmem>>) target(%dma_start3A_62 : memref<64x32xbf16, #tpu.memory_space<vmem_shared>>) target_semaphore(%run_scoped3A : memref<!tpu.dma_semaphore, #tpu.memory_space<semaphore_mem>>)
      %dma_wait3A = arith.constant 0 : i32
      %dma_wait3A_63 = tpu.memref_slice %arg10[%add3A_31, %dma_wait3A] : memref<10240x32xbf16, #tpu.memory_space<vmem_shared>> -> memref<64x32xbf16, #tpu.memory_space<vmem_shared>>
      %dma_wait3A_64 = arith.constant 0 : i32
      %dma_wait3A_65 = tpu.memref_slice %arg10[%add3A_31, %dma_wait3A_64] : memref<10240x32xbf16, #tpu.memory_space<vmem_shared>> -> memref<64x32xbf16, #tpu.memory_space<vmem_shared>>
      tpu.wait_dma2 semaphore(%run_scoped3A : memref<!tpu.dma_semaphore, #tpu.memory_space<semaphore_mem>>) src(%arg9 : memref<64x32xbf16, #tpu.memory_space<vmem>>) dst(%dma_wait3A_65 : memref<64x32xbf16, #tpu.memory_space<vmem_shared>>)
      tpu.yield
    }) : () -> ()
    %mul3A_32 = arith.constant 640 : i32
    %mul3A_33 = arith.muli %arg1, %mul3A_32 : i32
    %add3A_34 = arith.constant 384 : i32
    %add3A_35 = arith.addi %mul3A_33, %add3A_34 : i32
    "tpu.region"() ({
      %run_scoped3A = tpu.sem_alloc : memref<!tpu.dma_semaphore, #tpu.memory_space<semaphore_mem>>
      %dma_start3A = arith.constant 0 : i32
      %dma_start3A_60 = tpu.memref_slice %arg10[%add3A_35, %dma_start3A] : memref<10240x32xbf16, #tpu.memory_space<vmem_shared>> -> memref<64x32xbf16, #tpu.memory_space<vmem_shared>>
      %dma_start3A_61 = arith.constant 0 : i32
      %dma_start3A_62 = tpu.memref_slice %arg10[%add3A_35, %dma_start3A_61] : memref<10240x32xbf16, #tpu.memory_space<vmem_shared>> -> memref<64x32xbf16, #tpu.memory_space<vmem_shared>>
      tpu.enqueue_dma source(%arg9 : memref<64x32xbf16, #tpu.memory_space<vmem>>) target(%dma_start3A_62 : memref<64x32xbf16, #tpu.memory_space<vmem_shared>>) target_semaphore(%run_scoped3A : memref<!tpu.dma_semaphore, #tpu.memory_space<semaphore_mem>>)
      %dma_wait3A = arith.constant 0 : i32
      %dma_wait3A_63 = tpu.memref_slice %arg10[%add3A_35, %dma_wait3A] : memref<10240x32xbf16, #tpu.memory_space<vmem_shared>> -> memref<64x32xbf16, #tpu.memory_space<vmem_shared>>
      %dma_wait3A_64 = arith.constant 0 : i32
      %dma_wait3A_65 = tpu.memref_slice %arg10[%add3A_35, %dma_wait3A_64] : memref<10240x32xbf16, #tpu.memory_space<vmem_shared>> -> memref<64x32xbf16, #tpu.memory_space<vmem_shared>>
      tpu.wait_dma2 semaphore(%run_scoped3A : memref<!tpu.dma_semaphore, #tpu.memory_space<semaphore_mem>>) src(%arg9 : memref<64x32xbf16, #tpu.memory_space<vmem>>) dst(%dma_wait3A_65 : memref<64x32xbf16, #tpu.memory_space<vmem_shared>>)
      tpu.yield
    }) : () -> ()
    %mul3A_36 = arith.constant 640 : i32
    %mul3A_37 = arith.muli %arg1, %mul3A_36 : i32
    %add3A_38 = arith.constant 448 : i32
    %add3A_39 = arith.addi %mul3A_37, %add3A_38 : i32
    "tpu.region"() ({
      %run_scoped3A = tpu.sem_alloc : memref<!tpu.dma_semaphore, #tpu.memory_space<semaphore_mem>>
      %dma_start3A = arith.constant 0 : i32
      %dma_start3A_60 = tpu.memref_slice %arg10[%add3A_39, %dma_start3A] : memref<10240x32xbf16, #tpu.memory_space<vmem_shared>> -> memref<64x32xbf16, #tpu.memory_space<vmem_shared>>
      %dma_start3A_61 = arith.constant 0 : i32
      %dma_start3A_62 = tpu.memref_slice %arg10[%add3A_39, %dma_start3A_61] : memref<10240x32xbf16, #tpu.memory_space<vmem_shared>> -> memref<64x32xbf16, #tpu.memory_space<vmem_shared>>
      tpu.enqueue_dma source(%arg9 : memref<64x32xbf16, #tpu.memory_space<vmem>>) target(%dma_start3A_62 : memref<64x32xbf16, #tpu.memory_space<vmem_shared>>) target_semaphore(%run_scoped3A : memref<!tpu.dma_semaphore, #tpu.memory_space<semaphore_mem>>)
      %dma_wait3A = arith.constant 0 : i32
      %dma_wait3A_63 = tpu.memref_slice %arg10[%add3A_39, %dma_wait3A] : memref<10240x32xbf16, #tpu.memory_space<vmem_shared>> -> memref<64x32xbf16, #tpu.memory_space<vmem_shared>>
      %dma_wait3A_64 = arith.constant 0 : i32
      %dma_wait3A_65 = tpu.memref_slice %arg10[%add3A_39, %dma_wait3A_64] : memref<10240x32xbf16, #tpu.memory_space<vmem_shared>> -> memref<64x32xbf16, #tpu.memory_space<vmem_shared>>
      tpu.wait_dma2 semaphore(%run_scoped3A : memref<!tpu.dma_semaphore, #tpu.memory_space<semaphore_mem>>) src(%arg9 : memref<64x32xbf16, #tpu.memory_space<vmem>>) dst(%dma_wait3A_65 : memref<64x32xbf16, #tpu.memory_space<vmem_shared>>)
      tpu.yield
    }) : () -> ()
    %mul3A_40 = arith.constant 640 : i32
    %mul3A_41 = arith.muli %arg1, %mul3A_40 : i32
    %add3A_42 = arith.constant 512 : i32
    %add3A_43 = arith.addi %mul3A_41, %add3A_42 : i32
    "tpu.region"() ({
      %run_scoped3A = tpu.sem_alloc : memref<!tpu.dma_semaphore, #tpu.memory_space<semaphore_mem>>
      %dma_start3A = arith.constant 0 : i32
      %dma_start3A_60 = tpu.memref_slice %arg10[%add3A_43, %dma_start3A] : memref<10240x32xbf16, #tpu.memory_space<vmem_shared>> -> memref<64x32xbf16, #tpu.memory_space<vmem_shared>>
      %dma_start3A_61 = arith.constant 0 : i32
      %dma_start3A_62 = tpu.memref_slice %arg10[%add3A_43, %dma_start3A_61] : memref<10240x32xbf16, #tpu.memory_space<vmem_shared>> -> memref<64x32xbf16, #tpu.memory_space<vmem_shared>>
      tpu.enqueue_dma source(%arg9 : memref<64x32xbf16, #tpu.memory_space<vmem>>) target(%dma_start3A_62 : memref<64x32xbf16, #tpu.memory_space<vmem_shared>>) target_semaphore(%run_scoped3A : memref<!tpu.dma_semaphore, #tpu.memory_space<semaphore_mem>>)
      %dma_wait3A = arith.constant 0 : i32
      %dma_wait3A_63 = tpu.memref_slice %arg10[%add3A_43, %dma_wait3A] : memref<10240x32xbf16, #tpu.memory_space<vmem_shared>> -> memref<64x32xbf16, #tpu.memory_space<vmem_shared>>
      %dma_wait3A_64 = arith.constant 0 : i32
      %dma_wait3A_65 = tpu.memref_slice %arg10[%add3A_43, %dma_wait3A_64] : memref<10240x32xbf16, #tpu.memory_space<vmem_shared>> -> memref<64x32xbf16, #tpu.memory_space<vmem_shared>>
      tpu.wait_dma2 semaphore(%run_scoped3A : memref<!tpu.dma_semaphore, #tpu.memory_space<semaphore_mem>>) src(%arg9 : memref<64x32xbf16, #tpu.memory_space<vmem>>) dst(%dma_wait3A_65 : memref<64x32xbf16, #tpu.memory_space<vmem_shared>>)
      tpu.yield
    }) : () -> ()
    %mul3A_44 = arith.constant 640 : i32
    %mul3A_45 = arith.muli %arg1, %mul3A_44 : i32
    %add3A_46 = arith.constant 576 : i32
    %add3A_47 = arith.addi %mul3A_45, %add3A_46 : i32
    "tpu.region"() ({
      %run_scoped3A = tpu.sem_alloc : memref<!tpu.dma_semaphore, #tpu.memory_space<semaphore_mem>>
      %dma_start3A = arith.constant 0 : i32
      %dma_start3A_60 = tpu.memref_slice %arg10[%add3A_47, %dma_start3A] : memref<10240x32xbf16, #tpu.memory_space<vmem_shared>> -> memref<64x32xbf16, #tpu.memory_space<vmem_shared>>
      %dma_start3A_61 = arith.constant 0 : i32
      %dma_start3A_62 = tpu.memref_slice %arg10[%add3A_47, %dma_start3A_61] : memref<10240x32xbf16, #tpu.memory_space<vmem_shared>> -> memref<64x32xbf16, #tpu.memory_space<vmem_shared>>
      tpu.enqueue_dma source(%arg9 : memref<64x32xbf16, #tpu.memory_space<vmem>>) target(%dma_start3A_62 : memref<64x32xbf16, #tpu.memory_space<vmem_shared>>) target_semaphore(%run_scoped3A : memref<!tpu.dma_semaphore, #tpu.memory_space<semaphore_mem>>)
      %dma_wait3A = arith.constant 0 : i32
      %dma_wait3A_63 = tpu.memref_slice %arg10[%add3A_47, %dma_wait3A] : memref<10240x32xbf16, #tpu.memory_space<vmem_shared>> -> memref<64x32xbf16, #tpu.memory_space<vmem_shared>>
      %dma_wait3A_64 = arith.constant 0 : i32
      %dma_wait3A_65 = tpu.memref_slice %arg10[%add3A_47, %dma_wait3A_64] : memref<10240x32xbf16, #tpu.memory_space<vmem_shared>> -> memref<64x32xbf16, #tpu.memory_space<vmem_shared>>
      tpu.wait_dma2 semaphore(%run_scoped3A : memref<!tpu.dma_semaphore, #tpu.memory_space<semaphore_mem>>) src(%arg9 : memref<64x32xbf16, #tpu.memory_space<vmem>>) dst(%dma_wait3A_65 : memref<64x32xbf16, #tpu.memory_space<vmem_shared>>)
      tpu.yield
    }) : () -> ()
    %barrier3A = arith.constant 0 : index
    tpu.barrier barrier_id(%barrier3A)
    %scan3A_48 = arith.constant 0 : i32
    %scan3A_49 = arith.constant 0 : i32
    %scan3A_50 = arith.constant 79 : i32
    %scan3A_51 = arith.addi %scan3A_49, %scan3A_50 : i32
    %scan3A_52 = arith.constant 1 : i32
    %scan3A_53 = scf.for %scan3A_60 = %scan3A_49 to %scan3A_51 step %scan3A_52 iter_args(%scan3A_61 = %scan3A_48) -> (i32)  : i32 {
      %dma_start3A = arith.constant 0 : i32
      %dma_start3A_62 = tpu.memref_slice %arg6[%scan3A_60, %dma_start3A] : memref<79x128xi32, #tpu.memory_space<vmem>> -> memref<1x128xi32, #tpu.memory_space<vmem>>
      %dma_start3A_63 = tpu.memref_squeeze %dma_start3A_62 : memref<1x128xi32, #tpu.memory_space<vmem>> -> memref<128xi32, #tpu.memory_space<vmem>>
      %dma_start3A_64 = arith.constant 0 : i32
      %dma_start3A_65 = arith.constant 0 : i32
      %dma_start3A_66 = tpu.memref_slice %arg11[%dma_start3A_64, %dma_start3A_65] : memref<10000x32xbf16, #tpu.memory_space<vmem_shared>> -> memref<10000x32xbf16, #tpu.memory_space<vmem_shared>>
      tpu.enqueue_indirect_dma source(%dma_start3A_66 : memref<10000x32xbf16, #tpu.memory_space<vmem_shared>>) target(%arg8 : memref<128x32xbf16, #tpu.memory_space<vmem>>) offsets(%dma_start3A_63 : memref<128xi32, #tpu.memory_space<vmem>>) semaphore(%arg12 : memref<!tpu.dma_semaphore, #tpu.memory_space<semaphore_mem>>)
      %dma_wait3A = arith.constant 0 : i32
      %dma_wait3A_67 = tpu.memref_slice %arg6[%scan3A_60, %dma_wait3A] : memref<79x128xi32, #tpu.memory_space<vmem>> -> memref<1x128xi32, #tpu.memory_space<vmem>>
      %dma_wait3A_68 = tpu.memref_squeeze %dma_wait3A_67 : memref<1x128xi32, #tpu.memory_space<vmem>> -> memref<128xi32, #tpu.memory_space<vmem>>
      %dma_wait3A_69 = arith.constant 0 : i32
      %dma_wait3A_70 = arith.constant 0 : i32
      %dma_wait3A_71 = tpu.memref_slice %arg11[%dma_wait3A_69, %dma_wait3A_70] : memref<10000x32xbf16, #tpu.memory_space<vmem_shared>> -> memref<10000x32xbf16, #tpu.memory_space<vmem_shared>>
      tpu.wait_indirect_dma semaphore(%arg12 : memref<!tpu.dma_semaphore, #tpu.memory_space<semaphore_mem>>) src(%dma_wait3A_71 : memref<10000x32xbf16, #tpu.memory_space<vmem_shared>>) dst(%arg8 : memref<128x32xbf16, #tpu.memory_space<vmem>>)
      "tpu.region"() ({
        %run_scoped3A = tpu.sem_alloc : memref<!tpu.dma_semaphore, #tpu.memory_space<semaphore_mem>>
        %dma_start3A_73 = arith.constant 0 : i32
        %dma_start3A_74 = tpu.memref_slice %arg7[%scan3A_60, %dma_start3A_73] : memref<79x128xi32, #tpu.memory_space<vmem>> -> memref<1x128xi32, #tpu.memory_space<vmem>>
        %dma_start3A_75 = tpu.memref_squeeze %dma_start3A_74 : memref<1x128xi32, #tpu.memory_space<vmem>> -> memref<128xi32, #tpu.memory_space<vmem>>
        %dma_start3A_76 = arith.constant 0 : i32
        %dma_start3A_77 = arith.constant 0 : i32
        %dma_start3A_78 = tpu.memref_slice %arg10[%dma_start3A_76, %dma_start3A_77] : memref<10240x32xbf16, #tpu.memory_space<vmem_shared>> -> memref<10240x32xbf16, #tpu.memory_space<vmem_shared>>
        tpu.enqueue_indirect_dma source(%arg8 : memref<128x32xbf16, #tpu.memory_space<vmem>>) target(%dma_start3A_78 : memref<10240x32xbf16, #tpu.memory_space<vmem_shared>>) offsets(%dma_start3A_75 : memref<128xi32, #tpu.memory_space<vmem>>) semaphore(%run_scoped3A : memref<!tpu.dma_semaphore, #tpu.memory_space<semaphore_mem>>) {add = true}
        %dma_wait3A_79 = arith.constant 0 : i32
        %dma_wait3A_80 = tpu.memref_slice %arg7[%scan3A_60, %dma_wait3A_79] : memref<79x128xi32, #tpu.memory_space<vmem>> -> memref<1x128xi32, #tpu.memory_space<vmem>>
        %dma_wait3A_81 = tpu.memref_squeeze %dma_wait3A_80 : memref<1x128xi32, #tpu.memory_space<vmem>> -> memref<128xi32, #tpu.memory_space<vmem>>
        %dma_wait3A_82 = arith.constant 0 : i32
        %dma_wait3A_83 = arith.constant 0 : i32
        %dma_wait3A_84 = tpu.memref_slice %arg10[%dma_wait3A_82, %dma_wait3A_83] : memref<10240x32xbf16, #tpu.memory_space<vmem_shared>> -> memref<10240x32xbf16, #tpu.memory_space<vmem_shared>>
        tpu.wait_indirect_dma semaphore(%run_scoped3A : memref<!tpu.dma_semaphore, #tpu.memory_space<semaphore_mem>>) src(%arg8 : memref<128x32xbf16, #tpu.memory_space<vmem>>) dst(%dma_wait3A_84 : memref<10240x32xbf16, #tpu.memory_space<vmem_shared>>)
        tpu.yield
      }) : () -> ()
      %scan3A_72 = arith.constant 0 : i32
      scf.yield %scan3A_72 : i32
    }
    %scan3A_54 = arith.constant 79 : i32
    %barrier3A_55 = arith.constant 0 : index
    tpu.barrier barrier_id(%barrier3A_55)
    %mul3A_56 = arith.constant 640 : i32
    %mul3A_57 = arith.muli %arg1, %mul3A_56 : i32
    %mul3A_58 = arith.constant 640 : i32
    %mul3A_59 = arith.muli %arg1, %mul3A_58 : i32
    "tpu.region"() ({
      %run_scoped3A = tpu.sem_alloc : memref<!tpu.dma_semaphore, #tpu.memory_space<semaphore_mem>>
      %dma_start3A = arith.constant 0 : i32
      %dma_start3A_60 = tpu.memref_slice %arg5[%arg0, %mul3A_59, %dma_start3A] : memref<2x10240x32xbf16, #tpu.memory_space<hbm>> -> memref<1x640x32xbf16, #tpu.memory_space<hbm>>
      %dma_start3A_61 = tpu.memref_squeeze %dma_start3A_60 : memref<1x640x32xbf16, #tpu.memory_space<hbm>> -> memref<640x32xbf16, #tpu.memory_space<hbm>>
      %dma_start3A_62 = arith.constant 0 : i32
      %dma_start3A_63 = tpu.memref_slice %arg10[%mul3A_57, %dma_start3A_62] : memref<10240x32xbf16, #tpu.memory_space<vmem_shared>> -> memref<640x32xbf16, #tpu.memory_space<vmem_shared>>
      tpu.enqueue_dma source(%dma_start3A_63 : memref<640x32xbf16, #tpu.memory_space<vmem_shared>>) target(%dma_start3A_61 : memref<640x32xbf16, #tpu.memory_space<hbm>>) target_semaphore(%run_scoped3A : memref<!tpu.dma_semaphore, #tpu.memory_space<semaphore_mem>>)
      %dma_wait3A = arith.constant 0 : i32
      %dma_wait3A_64 = tpu.memref_slice %arg5[%arg0, %mul3A_59, %dma_wait3A] : memref<2x10240x32xbf16, #tpu.memory_space<hbm>> -> memref<1x640x32xbf16, #tpu.memory_space<hbm>>
      %dma_wait3A_65 = tpu.memref_squeeze %dma_wait3A_64 : memref<1x640x32xbf16, #tpu.memory_space<hbm>> -> memref<640x32xbf16, #tpu.memory_space<hbm>>
      %dma_wait3A_66 = arith.constant 0 : i32
      %dma_wait3A_67 = tpu.memref_slice %arg10[%mul3A_57, %dma_wait3A_66] : memref<10240x32xbf16, #tpu.memory_space<vmem_shared>> -> memref<640x32xbf16, #tpu.memory_space<vmem_shared>>
      tpu.wait_dma2 semaphore(%run_scoped3A : memref<!tpu.dma_semaphore, #tpu.memory_space<semaphore_mem>>) src(%dma_wait3A_67 : memref<640x32xbf16, #tpu.memory_space<vmem_shared>>) dst(%dma_wait3A_65 : memref<640x32xbf16, #tpu.memory_space<hbm>>)
      tpu.yield
    }) : () -> ()
    return
  }
}

module attributes {stable_mosaic.version = 14 : i64} {
  func.func @_tc0(%arg0: memref<10000x128xf32, #tpu.memory_space<vmem>>, %arg1: memref<128x64xf32, #tpu.memory_space<vmem>>, %arg2: memref<10000x64xf32, #tpu.memory_space<vmem>>) attributes {dimension_semantics = [], scalar_prefetch = 0 : i64, scratch_operands = 0 : i64, tpu.core_type = #tpu.core_type<tc>} {
    %get3A = arith.constant 0 : index
    %get3A_0 = arith.constant 0 : index
    %get3A_1 = vector.load %arg0[%get3A, %get3A_0] : memref<10000x128xf32, #tpu.memory_space<vmem>>, vector<10000x128xf32>
    %get3A_2 = arith.constant 0 : index
    %get3A_3 = arith.constant 0 : index
    %get3A_4 = vector.load %arg1[%get3A_2, %get3A_3] : memref<128x64xf32, #tpu.memory_space<vmem>>, vector<128x64xf32>
    %dot_general3A = arith.constant dense<0.000000e+00> : vector<10000x64xf32>
    %dot_general3A_5 = tpu.matmul %get3A_1, %get3A_4, %dot_general3A {dimension_numbers = #tpu.dot_dimension_numbers<[1], [0], [0], [1], [0, 0, 1, 1], [], []>, transpose_lhs_hint = false} : vector<10000x128xf32>, vector<128x64xf32>, vector<10000x64xf32> -> vector<10000x64xf32>
    %swap3A = arith.constant 0 : index
    %swap3A_6 = arith.constant 0 : index
    %swap3A_7 = vector.load %arg2[%swap3A, %swap3A_6] : memref<10000x64xf32, #tpu.memory_space<vmem>>, vector<10000x64xf32>
    tpu.vector_store %arg2[%swap3A, %swap3A_6], %dot_general3A_5 {strides = array<i32>} : memref<10000x64xf32, #tpu.memory_space<vmem>>, vector<10000x64xf32>,
    return
  }
}

module attributes {stable_mosaic.version = 14 : i64} {
  func.func @body(%arg0: memref<2x10240x16xf32, #tpu.memory_space<vmem>>, %arg1: memref<10000x64xf32, #tpu.memory_space<vmem>>, %arg2: memref<10000xf32, #tpu.memory_space<vmem>>, %arg3: memref<10000x64xf32, #tpu.memory_space<vmem>>, %arg4: memref<10000x64xbf16, #tpu.memory_space<vmem>>) attributes {dimension_semantics = [], scalar_prefetch = 0 : i64, scratch_operands = 0 : i64, tpu.core_type = #tpu.core_type<tc>} {
    %get3A = arith.constant 0 : index
    %get3A_0 = arith.constant 0 : index
    %get3A_1 = arith.constant 0 : index
    %get3A_2 = vector.load %arg0[%get3A, %get3A_0, %get3A_1] : memref<2x10240x16xf32, #tpu.memory_space<vmem>>, vector<1x10000x1xf32>
    %get3A_3 = vector.shape_cast %get3A_2 : vector<1x10000x1xf32> to vector<10000x1xf32>
    %get3A_4 = arith.constant 1 : index
    %get3A_5 = arith.constant 0 : index
    %get3A_6 = arith.constant 0 : index
    %get3A_7 = vector.load %arg0[%get3A_4, %get3A_5, %get3A_6] : memref<2x10240x16xf32, #tpu.memory_space<vmem>>, vector<1x10000x1xf32>
    %get3A_8 = vector.shape_cast %get3A_7 : vector<1x10000x1xf32> to vector<10000x1xf32>
    %add3A = arith.addf %get3A_3, %get3A_8 : vector<10000x1xf32>
    %add3A_9 = arith.constant 1.000000e+00 : f32
    %add3A_10 = vector.broadcast %add3A_9 : f32 to vector<10000x1xf32>
    %add3A_11 = arith.addf %add3A, %add3A_10 : vector<10000x1xf32>
    %rsqrt3A = math.rsqrt %add3A_11 : vector<10000x1xf32>
    %get3A_12 = arith.constant 0 : index
    %get3A_13 = arith.constant 0 : index
    %get3A_14 = vector.load %arg1[%get3A_12, %get3A_13] : memref<10000x64xf32, #tpu.memory_space<vmem>>, vector<10000x64xf32>
    %mul3A = vector.broadcast %rsqrt3A : vector<10000x1xf32> to vector<10000x64xf32>
    %mul3A_15 = arith.mulf %mul3A, %get3A_14 : vector<10000x64xf32>
    %squeeze3A = vector.shape_cast %rsqrt3A : vector<10000x1xf32> to vector<10000xf32>
    %swap3A = arith.constant 0 : index
    %swap3A_16 = vector.load %arg2[%swap3A] : memref<10000xf32, #tpu.memory_space<vmem>>, vector<10000xf32>
    tpu.vector_store %arg2[%swap3A], %squeeze3A {strides = array<i32>} : memref<10000xf32, #tpu.memory_space<vmem>>, vector<10000xf32>,
    %swap3A_17 = arith.constant 0 : index
    %swap3A_18 = arith.constant 0 : index
    %swap3A_19 = vector.load %arg3[%swap3A_17, %swap3A_18] : memref<10000x64xf32, #tpu.memory_space<vmem>>, vector<10000x64xf32>
    tpu.vector_store %arg3[%swap3A_17, %swap3A_18], %mul3A_15 {strides = array<i32>} : memref<10000x64xf32, #tpu.memory_space<vmem>>, vector<10000x64xf32>,
    %convert_element_type3A = arith.truncf %mul3A_15 : vector<10000x64xf32> to vector<10000x64xbf16>
    %swap3A_20 = arith.constant 0 : index
    %swap3A_21 = arith.constant 0 : index
    %swap3A_22 = vector.load %arg4[%swap3A_20, %swap3A_21] : memref<10000x64xbf16, #tpu.memory_space<vmem>>, vector<10000x64xbf16>
    tpu.vector_store %arg4[%swap3A_20, %swap3A_21], %convert_element_type3A {strides = array<i32>} : memref<10000x64xbf16, #tpu.memory_space<vmem>>, vector<10000x64xbf16>,
    return
  }
}

module attributes {stable_mosaic.version = 14 : i64} {
  func.func @body(%arg0: memref<2x10240x64xbf16, #tpu.memory_space<vmem>>, %arg1: memref<10000x64xf32, #tpu.memory_space<vmem>>, %arg2: memref<10000xf32, #tpu.memory_space<vmem>>, %arg3: memref<64x32xf32, #tpu.memory_space<vmem>>, %arg4: memref<64xf32, #tpu.memory_space<vmem>>, %arg5: memref<10000x32xf32, #tpu.memory_space<vmem>>, %arg6: memref<10000x32xbf16, #tpu.memory_space<vmem>>) attributes {dimension_semantics = [], scalar_prefetch = 0 : i64, scratch_operands = 0 : i64, tpu.core_type = #tpu.core_type<tc>} {
    %get3A = arith.constant 0 : index
    %get3A_0 = vector.load %arg2[%get3A] : memref<10000xf32, #tpu.memory_space<vmem>>, vector<10000xf32>
    %reshape3A = vector.shape_cast %get3A_0 : vector<10000xf32> to vector<10000x1xf32>
    %get3A_1 = arith.constant 0 : index
    %get3A_2 = arith.constant 0 : index
    %get3A_3 = arith.constant 0 : index
    %get3A_4 = vector.load %arg0[%get3A_1, %get3A_2, %get3A_3] : memref<2x10240x64xbf16, #tpu.memory_space<vmem>>, vector<1x10000x64xbf16>
    %get3A_5 = vector.shape_cast %get3A_4 : vector<1x10000x64xbf16> to vector<10000x64xbf16>
    %convert_element_type3A = arith.extf %get3A_5 : vector<10000x64xbf16> to vector<10000x64xf32>
    %get3A_6 = arith.constant 1 : index
    %get3A_7 = arith.constant 0 : index
    %get3A_8 = arith.constant 0 : index
    %get3A_9 = vector.load %arg0[%get3A_6, %get3A_7, %get3A_8] : memref<2x10240x64xbf16, #tpu.memory_space<vmem>>, vector<1x10000x64xbf16>
    %get3A_10 = vector.shape_cast %get3A_9 : vector<1x10000x64xbf16> to vector<10000x64xbf16>
    %convert_element_type3A_11 = arith.extf %get3A_10 : vector<10000x64xbf16> to vector<10000x64xf32>
    %add3A = arith.addf %convert_element_type3A, %convert_element_type3A_11 : vector<10000x64xf32>
    %get3A_12 = arith.constant 0 : index
    %get3A_13 = arith.constant 0 : index
    %get3A_14 = vector.load %arg1[%get3A_12, %get3A_13] : memref<10000x64xf32, #tpu.memory_space<vmem>>, vector<10000x64xf32>
    %add3A_15 = arith.addf %add3A, %get3A_14 : vector<10000x64xf32>
    %mul3A = vector.broadcast %reshape3A : vector<10000x1xf32> to vector<10000x64xf32>
    %mul3A_16 = arith.mulf %mul3A, %add3A_15 : vector<10000x64xf32>
    %get3A_17 = arith.constant 0 : index
    %get3A_18 = vector.load %arg4[%get3A_17] : memref<64xf32, #tpu.memory_space<vmem>>, vector<64xf32>
    %broadcast_in_dim3A = vector.shape_cast %get3A_18 : vector<64xf32> to vector<1x64xf32>
    %add3A_19 = vector.broadcast %broadcast_in_dim3A : vector<1x64xf32> to vector<10000x64xf32>
    %add3A_20 = arith.addf %mul3A_16, %add3A_19 : vector<10000x64xf32>
    %max3A = arith.constant 0.000000e+00 : f32
    %max3A_21 = vector.broadcast %max3A : f32 to vector<10000x64xf32>
    %max3A_22 = arith.maximumf %add3A_20, %max3A_21 : vector<10000x64xf32>
    %get3A_23 = arith.constant 0 : index
    %get3A_24 = arith.constant 0 : index
    %get3A_25 = vector.load %arg3[%get3A_23, %get3A_24] : memref<64x32xf32, #tpu.memory_space<vmem>>, vector<64x32xf32>
    %dot_general3A = arith.constant dense<0.000000e+00> : vector<10000x32xf32>
    %dot_general3A_26 = tpu.matmul %max3A_22, %get3A_25, %dot_general3A {dimension_numbers = #tpu.dot_dimension_numbers<[1], [0], [0], [1], [0, 0, 1, 1], [], []>, transpose_lhs_hint = false} : vector<10000x64xf32>, vector<64x32xf32>, vector<10000x32xf32> -> vector<10000x32xf32>
    %mul3A_27 = vector.broadcast %reshape3A : vector<10000x1xf32> to vector<10000x32xf32>
    %mul3A_28 = arith.mulf %mul3A_27, %dot_general3A_26 : vector<10000x32xf32>
    %swap3A = arith.constant 0 : index
    %swap3A_29 = arith.constant 0 : index
    %swap3A_30 = vector.load %arg5[%swap3A, %swap3A_29] : memref<10000x32xf32, #tpu.memory_space<vmem>>, vector<10000x32xf32>
    tpu.vector_store %arg5[%swap3A, %swap3A_29], %mul3A_28 {strides = array<i32>} : memref<10000x32xf32, #tpu.memory_space<vmem>>, vector<10000x32xf32>,
    %convert_element_type3A_31 = arith.truncf %mul3A_28 : vector<10000x32xf32> to vector<10000x32xbf16>
    %swap3A_32 = arith.constant 0 : index
    %swap3A_33 = arith.constant 0 : index
    %swap3A_34 = vector.load %arg6[%swap3A_32, %swap3A_33] : memref<10000x32xbf16, #tpu.memory_space<vmem>>, vector<10000x32xbf16>
    tpu.vector_store %arg6[%swap3A_32, %swap3A_33], %convert_element_type3A_31 {strides = array<i32>} : memref<10000x32xbf16, #tpu.memory_space<vmem>>, vector<10000x32xbf16>,
    return
  }
}

module attributes {stable_mosaic.version = 14 : i64} {
  func.func @body(%arg0: memref<2x10240x32xbf16, #tpu.memory_space<vmem>>, %arg1: memref<10000x32xf32, #tpu.memory_space<vmem>>, %arg2: memref<10000xf32, #tpu.memory_space<vmem>>, %arg3: memref<32xf32, #tpu.memory_space<vmem>>, %arg4: memref<10000x32xf32, #tpu.memory_space<vmem>>, %arg5: memref<10000x32xbf16, #tpu.memory_space<vmem>>) attributes {dimension_semantics = [], scalar_prefetch = 0 : i64, scratch_operands = 0 : i64, tpu.core_type = #tpu.core_type<tc>} {
    %get3A = arith.constant 0 : index
    %get3A_0 = vector.load %arg2[%get3A] : memref<10000xf32, #tpu.memory_space<vmem>>, vector<10000xf32>
    %reshape3A = vector.shape_cast %get3A_0 : vector<10000xf32> to vector<10000x1xf32>
    %get3A_1 = arith.constant 0 : index
    %get3A_2 = arith.constant 0 : index
    %get3A_3 = arith.constant 0 : index
    %get3A_4 = vector.load %arg0[%get3A_1, %get3A_2, %get3A_3] : memref<2x10240x32xbf16, #tpu.memory_space<vmem>>, vector<1x10000x32xbf16>
    %get3A_5 = vector.shape_cast %get3A_4 : vector<1x10000x32xbf16> to vector<10000x32xbf16>
    %convert_element_type3A = arith.extf %get3A_5 : vector<10000x32xbf16> to vector<10000x32xf32>
    %get3A_6 = arith.constant 1 : index
    %get3A_7 = arith.constant 0 : index
    %get3A_8 = arith.constant 0 : index
    %get3A_9 = vector.load %arg0[%get3A_6, %get3A_7, %get3A_8] : memref<2x10240x32xbf16, #tpu.memory_space<vmem>>, vector<1x10000x32xbf16>
    %get3A_10 = vector.shape_cast %get3A_9 : vector<1x10000x32xbf16> to vector<10000x32xbf16>
    %convert_element_type3A_11 = arith.extf %get3A_10 : vector<10000x32xbf16> to vector<10000x32xf32>
    %add3A = arith.addf %convert_element_type3A, %convert_element_type3A_11 : vector<10000x32xf32>
    %get3A_12 = arith.constant 0 : index
    %get3A_13 = arith.constant 0 : index
    %get3A_14 = vector.load %arg1[%get3A_12, %get3A_13] : memref<10000x32xf32, #tpu.memory_space<vmem>>, vector<10000x32xf32>
    %add3A_15 = arith.addf %add3A, %get3A_14 : vector<10000x32xf32>
    %mul3A = vector.broadcast %reshape3A : vector<10000x1xf32> to vector<10000x32xf32>
    %mul3A_16 = arith.mulf %mul3A, %add3A_15 : vector<10000x32xf32>
    %get3A_17 = arith.constant 0 : index
    %get3A_18 = vector.load %arg3[%get3A_17] : memref<32xf32, #tpu.memory_space<vmem>>, vector<32xf32>
    %broadcast_in_dim3A = vector.shape_cast %get3A_18 : vector<32xf32> to vector<1x32xf32>
    %add3A_19 = vector.broadcast %broadcast_in_dim3A : vector<1x32xf32> to vector<10000x32xf32>
    %add3A_20 = arith.addf %mul3A_16, %add3A_19 : vector<10000x32xf32>
    %max3A = arith.constant 0.000000e+00 : f32
    %max3A_21 = vector.broadcast %max3A : f32 to vector<10000x32xf32>
    %max3A_22 = arith.maximumf %add3A_20, %max3A_21 : vector<10000x32xf32>
    %mul3A_23 = vector.broadcast %reshape3A : vector<10000x1xf32> to vector<10000x32xf32>
    %mul3A_24 = arith.mulf %mul3A_23, %max3A_22 : vector<10000x32xf32>
    %swap3A = arith.constant 0 : index
    %swap3A_25 = arith.constant 0 : index
    %swap3A_26 = vector.load %arg4[%swap3A, %swap3A_25] : memref<10000x32xf32, #tpu.memory_space<vmem>>, vector<10000x32xf32>
    tpu.vector_store %arg4[%swap3A, %swap3A_25], %mul3A_24 {strides = array<i32>} : memref<10000x32xf32, #tpu.memory_space<vmem>>, vector<10000x32xf32>,
    %convert_element_type3A_27 = arith.truncf %mul3A_24 : vector<10000x32xf32> to vector<10000x32xbf16>
    %swap3A_28 = arith.constant 0 : index
    %swap3A_29 = arith.constant 0 : index
    %swap3A_30 = vector.load %arg5[%swap3A_28, %swap3A_29] : memref<10000x32xbf16, #tpu.memory_space<vmem>>, vector<10000x32xbf16>
    tpu.vector_store %arg5[%swap3A_28, %swap3A_29], %convert_element_type3A_27 {strides = array<i32>} : memref<10000x32xbf16, #tpu.memory_space<vmem>>, vector<10000x32xbf16>,
    return
  }
}

module attributes {stable_mosaic.version = 14 : i64} {
  func.func @body(%arg0: memref<2x10240x32xbf16, #tpu.memory_space<vmem>>, %arg1: memref<10000x32xf32, #tpu.memory_space<vmem>>, %arg2: memref<10000xf32, #tpu.memory_space<vmem>>, %arg3: memref<32x40xf32, #tpu.memory_space<vmem>>, %arg4: memref<40xf32, #tpu.memory_space<vmem>>, %arg5: memref<10000x40xf32, #tpu.memory_space<vmem>>) attributes {dimension_semantics = [], scalar_prefetch = 0 : i64, scratch_operands = 0 : i64, tpu.core_type = #tpu.core_type<tc>} {
    %get3A = arith.constant 0 : index
    %get3A_0 = vector.load %arg2[%get3A] : memref<10000xf32, #tpu.memory_space<vmem>>, vector<10000xf32>
    %reshape3A = vector.shape_cast %get3A_0 : vector<10000xf32> to vector<10000x1xf32>
    %get3A_1 = arith.constant 0 : index
    %get3A_2 = arith.constant 0 : index
    %get3A_3 = arith.constant 0 : index
    %get3A_4 = vector.load %arg0[%get3A_1, %get3A_2, %get3A_3] : memref<2x10240x32xbf16, #tpu.memory_space<vmem>>, vector<1x10000x32xbf16>
    %get3A_5 = vector.shape_cast %get3A_4 : vector<1x10000x32xbf16> to vector<10000x32xbf16>
    %convert_element_type3A = arith.extf %get3A_5 : vector<10000x32xbf16> to vector<10000x32xf32>
    %get3A_6 = arith.constant 1 : index
    %get3A_7 = arith.constant 0 : index
    %get3A_8 = arith.constant 0 : index
    %get3A_9 = vector.load %arg0[%get3A_6, %get3A_7, %get3A_8] : memref<2x10240x32xbf16, #tpu.memory_space<vmem>>, vector<1x10000x32xbf16>
    %get3A_10 = vector.shape_cast %get3A_9 : vector<1x10000x32xbf16> to vector<10000x32xbf16>
    %convert_element_type3A_11 = arith.extf %get3A_10 : vector<10000x32xbf16> to vector<10000x32xf32>
    %add3A = arith.addf %convert_element_type3A, %convert_element_type3A_11 : vector<10000x32xf32>
    %get3A_12 = arith.constant 0 : index
    %get3A_13 = arith.constant 0 : index
    %get3A_14 = vector.load %arg1[%get3A_12, %get3A_13] : memref<10000x32xf32, #tpu.memory_space<vmem>>, vector<10000x32xf32>
    %add3A_15 = arith.addf %add3A, %get3A_14 : vector<10000x32xf32>
    %mul3A = vector.broadcast %reshape3A : vector<10000x1xf32> to vector<10000x32xf32>
    %mul3A_16 = arith.mulf %mul3A, %add3A_15 : vector<10000x32xf32>
    %get3A_17 = arith.constant 0 : index
    %get3A_18 = arith.constant 0 : index
    %get3A_19 = vector.load %arg3[%get3A_17, %get3A_18] : memref<32x40xf32, #tpu.memory_space<vmem>>, vector<32x40xf32>
    %dot_general3A = arith.constant dense<0.000000e+00> : vector<10000x40xf32>
    %dot_general3A_20 = tpu.matmul %mul3A_16, %get3A_19, %dot_general3A {dimension_numbers = #tpu.dot_dimension_numbers<[1], [0], [0], [1], [0, 0, 1, 1], [], []>, transpose_lhs_hint = false} : vector<10000x32xf32>, vector<32x40xf32>, vector<10000x40xf32> -> vector<10000x40xf32>
    %get3A_21 = arith.constant 0 : index
    %get3A_22 = vector.load %arg4[%get3A_21] : memref<40xf32, #tpu.memory_space<vmem>>, vector<40xf32>
    %broadcast_in_dim3A = vector.shape_cast %get3A_22 : vector<40xf32> to vector<1x40xf32>
    %add3A_23 = vector.broadcast %broadcast_in_dim3A : vector<1x40xf32> to vector<10000x40xf32>
    %add3A_24 = arith.addf %dot_general3A_20, %add3A_23 : vector<10000x40xf32>
    %reduce_max3A = arith.constant dense<0xFF800000> : vector<10000xf32>
    %reduce_max3A_25 = vector.multi_reduction <maximumf>, %add3A_24, %reduce_max3A [1] : vector<10000x40xf32> to vector<10000xf32>
    %broadcast_in_dim3A_26 = vector.shape_cast %reduce_max3A_25 : vector<10000xf32> to vector<10000x1xf32>
    %sub3A = vector.broadcast %broadcast_in_dim3A_26 : vector<10000x1xf32> to vector<10000x40xf32>
    %sub3A_27 = arith.subf %add3A_24, %sub3A : vector<10000x40xf32>
    %sub3A_28 = vector.broadcast %broadcast_in_dim3A_26 : vector<10000x1xf32> to vector<10000x40xf32>
    %sub3A_29 = arith.subf %add3A_24, %sub3A_28 : vector<10000x40xf32>
    %exp3A = math.exp %sub3A_29 : vector<10000x40xf32>
    %reduce_sum3A = arith.constant dense<0.000000e+00> : vector<10000xf32>
    %reduce_sum3A_30 = vector.multi_reduction <add>, %exp3A, %reduce_sum3A [1] : vector<10000x40xf32> to vector<10000xf32>
    %broadcast_in_dim3A_31 = vector.shape_cast %reduce_sum3A_30 : vector<10000xf32> to vector<10000x1xf32>
    %log3A = math.log %broadcast_in_dim3A_31 : vector<10000x1xf32>
    %sub3A_32 = vector.broadcast %log3A : vector<10000x1xf32> to vector<10000x40xf32>
    %sub3A_33 = arith.subf %sub3A_27, %sub3A_32 : vector<10000x40xf32>
    %swap3A = arith.constant 0 : index
    %swap3A_34 = arith.constant 0 : index
    %swap3A_35 = vector.load %arg5[%swap3A, %swap3A_34] : memref<10000x40xf32, #tpu.memory_space<vmem>>, vector<10000x40xf32>
    tpu.vector_store %arg5[%swap3A, %swap3A_34], %sub3A_33 {strides = array<i32>} : memref<10000x40xf32, #tpu.memory_space<vmem>>, vector<10000x40xf32>,
    return
  }
}

</mosaic_0001>

<sc_bundles>
// kernel: kernel.11.cloned.1.call-start
scs
__scs_entry_jumppad:
0x0: {  	(pc) =	sbr.rel $0x88, $3  }
0x1: {  	(tag) =	ssettag $0x0;
	lr =	simm.s32 $0x1  }
0x2: {  	[smem:$0x3F99] =	sst lr;
	_ =	strace $0xD0000000  }
0x3: {  	_ = 	snop  }
0x4: {  	_ = 	snop  }
0x5: {  	_ = 	snop  }
0x6: {  	_ = 	snop  }
0x7: {  	_ = 	snop  }
__scs_overlays_trampoline_lowered:
0x8: {  	[smem:$0x3FA8] =	sst s0  }
0x9: {  	[smem:$0x3FA9] =	sst s1  }
0xa: {  	[smem:$0x3FAA] =	sst s2  }
0xb: {  	[smem:$0x3FAB] =	sst s3  }
0xc: {  	[smem:$0x3FAC] =	sst s4  }
0xd: {  	[smem:$0x3FAD] =	sst s5  }
0xe: {  	[smem:$0x3FAE] =	sst s6  }
0xf: {  	[smem:$0x3FAF] =	sst s7  }
0x10: {  	[smem:$0x3FB0] =	sst s8  }
0x11: {  	[smem:$0x3FB1] =	sst s9;
	s0 =	simm.s32 @!p0 $0x0  }
0x12: {  	s1 =	sld [smem:$0x3F97];
	s0 =	simm.s32 @p0 $0x1  }
0x13: {  	[smem:$0x3FB2] =	sst s0;
	s0 =	simm.s32 @!p1 $0x0  }
0x14: {  	s2 =	sld [smem:$0x3F96];
	s0 =	simm.s32 @p1 $0x1  }
0x15: {  	[smem:$0x3FB3] =	sst s0;
	s0 =	simm.s32 @!p2 $0x0  }
0x16: {  	s3 =	sld [smem:$0x3FDB];
	s0 =	simm.s32 @p2 $0x1  }
0x17: {  	s4 =	simm.s32 $0x1BF5;
	[smem:$0x3FB5] =	sst s0  }
0x18: {  	s0 =	sld [smem:$0x3F98];
	_ =	swait.ge [sflag:s4], $0x0  }
0x19: {  	s7 =	sld [smem:$0x3F99]  }
0x1a: {  	s8 =	sadd.s32 $0xFFFFE003, lr  }
0x1b: {  	s9 =	sadd.s32 $0xFFFFFEF7, lr;
	s5 =	simm.s32 $0xFFFFFFFF;
	p2 =	slt.u32 s8, $0xFFFFF086  }
0x1c: {  	p1 =	slt.u32 s9, $0xF7A;
	s5 =	simm.s32 @!p2 $0x0  }
0x1d: {  	s5 =	simm.s32 @p1 $0x1;
	p0 =	seq.s32 s7, s2  }
0x1e: {  	s7 =	smul.u32 @!p0 $0xF7A, s2;
	p2 =	seq.s32 @!p0 s5, $0x0  }
0x1f: {  	s9 =	smul.u32 $0xF7A, s1;
	s8 =	simm.s32 @!p0 $0x1BF5;
	p2 =	por !p2, p0  }
0x20: {  	[sflag:s8] =	ssyncset.s32 @!p0 $0xFFFFF086;
	s6 =	sadd.s32 @!p0 s3, s7;
	s7 =	simm.s32 @!p0 $0x108  }
0x21: {  	s3 =	sadd.s32 s3, s9;
	s6 =	sadd.s32 @!p0 $0x88, s6;
	s7 =	simm.s32 @p2 $0x1082  }
0x22: {  	[simem:s7], [sflag:s8] =	dma.local @!p0 [hbm:s6], $0xF7A  }
0x23: {  	s9 =	sor.u32 $0xD0000000, s2;
	s6 =	simm.s32 $0x108;
	_ =	swait.ge @!p0 [sflag:s8], $0x0  }
0x24: {  	s3 =	sadd.s32 $0x88, s3;
	s6 =	simm.s32 @!p1 $0x1082;
	[sflag:s4] =	ssyncset.s32 $0xFFFFF086  }
0x25: {  	[simem:s6], [sflag:s4] =	dma.local [hbm:s3], $0xF7A  }
0x26: {  	[smem:$0x3F99] =	sst s1;
	(tag) =	ssettag s2;
	_ =	strace s9  }
0x27: {  	s1 =	sld [smem:$0x3FA9]  }
0x28: {  	s2 =	sld [smem:$0x3FAA]  }
0x29: {  	s4 =	sld [smem:$0x3FAC]  }
0x2a: {  	p0 =	seq.s32 s5, $0x0;
	s5 =	sld [smem:$0x3FAD]  }
0x2b: {  	s6 =	sld [smem:$0x3FAE]  }
0x2c: {  	s7 =	sld [smem:$0x3FAF]  }
0x2d: {  	s3 =	simm.s32 $0x108;
	s8 =	sld [smem:$0x3FB0]  }
0x2e: {  	s3 =	simm.s32 @!p0 $0x1082;
	s9 =	sld [smem:$0x3FB1]  }
0x2f: {  	lr =	sadd.s32 s0, s3;
	s0 =	sld [smem:$0x3FA8]  }
0x30: {  	s3 =	sld [smem:$0x3FAB]  }
0x31: {  	[smem:$0x3FB4] =	sst s10  }
0x32: {  	s10 =	sld [smem:$0x3FB2];
	_ =	sdelay $0x3  }
0x33: {  	p0 =	seq.s32 s10, $0x1;
	s10 =	sld [smem:$0x3FB4];
	_ =	sdelay $0x3  }
0x34: {  	[smem:$0x3FB4] =	sst s10  }
0x35: {  	s10 =	sld [smem:$0x3FB3];
	_ =	sdelay $0x3  }
0x36: {  	p1 =	seq.s32 s10, $0x1;
	s10 =	sld [smem:$0x3FB4];
	_ =	sdelay $0x3  }
0x37: {  	[smem:$0x3FB4] =	sst s10  }
0x38: {  	s10 =	sld [smem:$0x3FB5]  }
0x39: {  	_ = 	snop;
	(pc) =	sbr.ind lr, $3  }
0x3a: {  	_ = 	snop  }
0x3b: {  	_ = 	snop  }
0x3c: {  	p2 =	seq.s32 s10, $0x1;
	s10 =	sld [smem:$0x3FB4]  }
0x3d: {  	_ =	shalt  }
0x3e: {  	_ =	shalt  }
0x3f: {  	_ =	shalt  }
0x40: {  	_ =	shalt  }
0x41: {  	_ =	shalt  }
0x42: {  	_ =	shalt  }
0x43: {  	_ =	shalt  }
0x44: {  	_ =	shalt  }
0x45: {  	_ =	shalt  }
0x46: {  	_ =	shalt  }
0x47: {  	_ =	shalt  }
0x48: {  	_ =	shalt  }
0x49: {  	_ =	shalt  }
0x4a: {  	_ =	shalt  }
0x4b: {  	_ =	shalt  }
0x4c: {  	_ =	shalt  }
0x4d: {  	_ =	shalt  }
0x4e: {  	_ =	shalt  }
0x4f: {  	_ =	shalt  }
0x50: {  	_ =	shalt  }
0x51: {  	_ =	shalt  }
0x52: {  	_ =	shalt  }
0x53: {  	_ =	shalt  }
0x54: {  	_ =	shalt  }
0x55: {  	_ =	shalt  }
0x56: {  	_ =	shalt  }
0x57: {  	_ =	shalt  }
0x58: {  	_ =	shalt  }
0x59: {  	_ =	shalt  }
0x5a: {  	_ =	shalt  }
0x5b: {  	_ =	shalt  }
0x5c: {  	_ =	shalt  }
0x5d: {  	_ =	shalt  }
0x5e: {  	_ =	shalt  }
0x5f: {  	_ =	shalt  }
0x60: {  	_ =	shalt  }
0x61: {  	_ =	shalt  }
0x62: {  	_ =	shalt  }
0x63: {  	_ =	shalt  }
0x64: {  	_ =	shalt  }
0x65: {  	_ =	shalt  }
0x66: {  	_ =	shalt  }
0x67: {  	_ =	shalt  }
0x68: {  	_ =	shalt  }
0x69: {  	_ =	shalt  }
0x6a: {  	_ =	shalt  }
0x6b: {  	_ =	shalt  }
0x6c: {  	_ =	shalt  }
0x6d: {  	_ =	shalt  }
0x6e: {  	_ =	shalt  }
0x6f: {  	_ =	shalt  }
0x70: {  	_ =	shalt  }
0x71: {  	_ =	shalt  }
0x72: {  	_ =	shalt  }
0x73: {  	_ =	shalt  }
0x74: {  	_ =	shalt  }
0x75: {  	_ =	shalt  }
0x76: {  	_ =	shalt  }
0x77: {  	_ =	shalt  }
0x78: {  	_ =	shalt  }
0x79: {  	_ =	shalt  }
0x7a: {  	_ =	shalt  }
0x7b: {  	_ =	shalt  }
0x7c: {  	_ =	shalt  }
0x7d: {  	_ =	shalt  }
0x7e: {  	_ =	shalt  }
0x7f: {  	_ =	shalt  }
0x80: {  	_ =	shalt  }
0x81: {  	_ =	shalt  }
0x82: {  	_ =	shalt  }
0x83: {  	_ =	shalt  }
0x84: {  	_ =	shalt  }
0x85: {  	_ =	shalt  }
0x86: {  	_ =	shalt  }
0x87: {  	_ =	shalt  }
.Lfunc_end0:
.L_simem_size_0:
called_computation_lowered:
.L_overlay_start_0:
0x88: {  	s2 =	sld [smem:$0x3FD9]  }
0x89: {  	s3 =	sld [smem:$0x3FFE];
	_ =	sdelay $0x1  }
0x8a: {  	s1 =	srdreg.scid  }
0x8b: {  	s0 =	sand.u32 $0x1, s1  }
0x8c: {  	s17 =	sshll.u32 s0, $0xA;
	s2 =	sadd.s32 s3, s2  }
0x8d: {  	s2 =	sadd.s32 s2, s17  }
0x8e: {  	[smem:$0x3FC0] =	sst s2  }
0x8f: {  	_ = 	snop  }
0x90: {  	s2 =	sld [smem:$0x3FD0];
	(tm) =	ssettm $0x1  }
0x91: {  	s18 =	sld [smem:$0x3FFB];
	_ =	sdelay $0x3  }
0x92: {  	_ =	strace s18  }
0x93: {  	s3 =	sld [smem:$0x3FFC];
	_ =	sdelay $0x3  }
0x94: {  	_ =	strace s3  }
0x95: {  	s3 =	sld [smem:$0x3FFD];
	_ =	sdelay $0x3  }
0x96: {  	_ =	strace s3  }
0x97: {  	_ =	strace $0x8FFFFFFF  }
0x98: {  	s19 =	sld [smem:$0x3FDB];
	_ =	sdelay $0x1  }
0x99: {  	s4 =	simm.s32 $_scs_section_size  }
0x9a: {  	s5 =	simm.s32 $_size__tile_overlayer_lowered;
	s6 =	simm.s32 $_tile_overlayer_lowered  }
0x9b: {  	s22 =	simm.s32 $0x1BFF;
	s21 =	sshll.u32 s6, $0x1;
	s3 =	sadd.s32 s4, s19  }
0x9c: {  	s7 =	simm.s32 $0x0;
	s20 =	sshll.u32 s5, $0x1;
	s5 =	sadd.s32 s21, s3  }
0x9d: {  	[timem:s7], [sflag:s22] =	dma.local [hbm:s5], s20  }
0x9e: {  	_ =	swait.ge [sflag:s22], s20  }
0x9f: {  	s4 =	ssub.s32 $0x0, s20;
	[sflag:s22] =	ssyncset.done $0x0  }
0xa0: {  	[sflag:s22] =	ssyncadd.s32 s4;
	_ =	sdelay $0x1  }
0xa1: {  	s23 =	simm.s32 $0x1B8B  }
0xa2: {  	_ =	swait.ge [sflag:s23], $0x1  }
0xa3: {  	[sflag:s23] =	ssyncset.done $0x0  }
0xa4: {  	s25 =	simm.s32 $0x1B8E;
	s24 =	sld [smem:$0x3FFE];
	[sflag:s23] =	ssyncadd.s32 $0xFFFFFFFF  }
0xa5: {  	s26 =	simm.s32 $execute0_lowered;
	[smem:$0x3FD2] =	sst s25  }
0xa6: {  	s5 =	sshll.u32 s26, $0x1;
	_ =	strace $0x80000046;
	[dreg:$0x1] =	wrdreg $0xFFFFFFFF  }
0xa7: {  	s28 =	simm.s32 $_size_execute0_lowered;
	s3 =	sadd.s32 s3, s5;
	[dreg:$0x0] =	wrdreg $0x0  }
0xa8: {  	s5 =	sshll.u32 s28, $0x1;
	[dreg:$0x2] =	wrdreg s3  }
0xa9: {  	[dreg:$0x3] =	wrdreg s5  }
0xaa: {  	[dreg:$0x4] =	wrdreg $0xC0  }
0xab: {  	_ =	task [dreg:s7], $0x5FFFF  }
0xac: {  	[dreg:$0x1] =	wrdreg $0xFFFFFFFF  }
0xad: {  	[dreg:$0x0] =	wrdreg $0x60  }
0xae: {  	[dreg:$0x2] =	wrdreg s24  }
0xaf: {  	[dreg:$0x3] =	wrdreg s2  }
0xb0: {  	[dreg:$0x4] =	wrdreg $0x30100  }
0xb1: {  	[dreg:$0x5] =	wrdreg $0x9  }
0xb2: {  	_ =	task.clear_ibuf [dreg:s7], $0x6FFFF;
	_ =	strace $0x90000046  }
0xb3: {  	s29 =	simm.s32 $0x9;
	_ =	strace $0x80000048  }
0xb4: {  	_ =	swait.ge [sflag:s29], $0x1  }
0xb5: {  	[sflag:s29] =	ssyncadd.s32 $0xFFFFFFFF  }
0xb6: {  	_ =	strace $0x90000048  }
0xb7: {  	_ =	sfence  }
0xb8: {  	s30 =	sld [smem:$0x0];
	_ =	sdelay $0x2  }
0xb9: {  	s31 =	sshll.u32 s1, $0xD;
	s1 =	sshrl.u32 s1, $0x2  }
0xba: {  	s3 =	sand.u32 $0x4000, s31;
	s1 =	sadd.s32 s1, s30  }
0xbb: {  	s0 =	sor.u32 s3, s0;
	s1 =	sshll.u32 s1, $0x11  }
0xbc: {  	s0 =	sor.u32 s1, s0  }
0xbd: {  	s0 =	sadd.s32 $0x8F2B, s0  }
0xbe: {  	[sflag:s0] =	ssyncadd.remote.s32 $0x1  }
0xbf: {  	_ =	sfence.sel $0xFFFF  }
0xc0: {  	[dreg:$0x0] =	wrdreg $0xFFFFFFFF;
	(pc) =	sbr.abs _section_cstart, $3  }
0xc1: {  	[dreg:$0x1] =	wrdreg $0xFFFFFFFF  }
0xc2: {  	_ =	task.clear_ibuf [dreg:s7], $0x2FFFF;
	_ =	strace $0x9FFFFFFF  }
0xc3: {  	(tm) =	ssettm $0x7FFFFFFF  }
tec
execute0_lowered:
.L_overlay_start_1:
0x0: {  	(tag) =	ssettag $0x1  }
0x1: {  	s4 =	rddreg [dreg:$0x0]  }
0x2: {  	s15 =	rddreg [dreg:$0x1];
	s0 =	srdreg.scid  }
0x3: {  	s2 =	rddreg [dreg:$0x2];
	s1 =	stileid.u32  }
0x4: {  	s3 =	simm.s32 $0x0;
	s18 =	simm.s32 $0x2C10;
	s19 =	simm.s32 $0x50  }
0x5: {  	s20 =	simm.s32 $0x2710;
	s21 =	simm.s32 $0x1;
	s6 =	smul.u32 $0x2710, s1  }
0x6: {  	s7 =	sand.u32 $0x1, s0;
	s0 =	rddreg [dreg:$0x3];
	s30 =	smul.u32 $0xA000, s1  }
0x7: {  	s22 =	simm.s32 $0x0;
	[smem:$0x7FF] =	sst s3;
	s12 =	smul.u32 $0x2800, s1  }
0x8: {  	s5 =	smul.u32 $0x27100, s7;
	s8 =	ssub.s32 $0x2, s7;
	_ =	strace $0x80000047  }
0x9: {  	s13 =	smul.u32 $0x28000, s7;
	s9 =	sshrl.u32 s8, $0x1;
	s31 =	sshrl.u32 s30, $0x2  }
0xa: {  	s5 =	sadd.s32 s5, s6;
	s16 =	ssub.s32 s8, s9;
	s14 =	sadd.s32 s31, s2  }
0xb: {  	s17 =	sadd.s32 s12, s13;
	s5 =	sshrl.u32 s5, $0x3;
	s6 =	sadd.s32 $0x400, s14  }
0xc: {  	s7 =	sadd.s32 $0x800, s14;
	s8 =	sadd.s32 $0xC00, s14;
	s9 =	sadd.s32 $0x1000, s14  }
0xd: {  	s10 =	sadd.s32 $0x1400, s14;
	s11 =	sadd.s32 $0x1800, s14;
	s13 =	sadd.s32 $0x2000, s14  }
0xe: {  	s17 =	sshrl.u32 s17, $0x3;
	s16 =	smax.u32 s16, $0x1;
	s4 =	sadd.s32 s4, s5  }
0xf: {  	s5 =	sadd.s32 s12, s2;
	s12 =	sadd.s32 $0x1C00, s14;
	s14 =	sadd.s32 $0x2400, s14  }
0x10: {  	v0 =	vimm.f32 $1.000000000e+00;
	v1 =	vimm.f32 $0.0e+00;
	s15 =	sadd.s32 s15, s17;
	s17 =	simm.s32 $0x2;
	s4 =	sadd.s32 $0xC040, s4  }
.LBB2_1:
0x11: {  	[tilespmem:s3], [sflag:$0x2] =	stream.linear.gather [hbm4b:s4+s3], $0x2710, $0x38;
	[tilespmem:$0x5810] =	vst v63  }
0x12: {  	_ =	swait.ge [sflag:s17], $0x2710  }
0x13: {  	[sflag:s17] =	ssyncset.done $0x0  }
0x14: {  	s23 =	simm.s32 $0x0;
	[sflag:s17] =	ssyncadd.s32 $0xFFFFD8F0  }
.LBB2_2:
0x15: {  	p0 =	sne.s32 s23, $0x13C0  }
.Ltmp0:
0x16: {  	_ = 	snop;
	(pc) =	sbr.rel @p0 .LBB2_2-.Ltmp0, $3  }
0x17: {  	_ =	sdelay $0x1  }
0x18: {  	s24 =	sshra.s32 s23, $0x2  }
0x19: {  	s23 =	sadd.s32 $0x40, s23;
	[tilespmem:s24+$0x2710] =	vst v0  }
0x1a: {  	s23 =	simm.s32 $0x40;
	s24 =	simm.s32 $0x0  }
.LBB2_4:
0x1b: {  	p0 =	sne.s32 s23, $0xFC0;
	[tilespmem:s24+$0x2C10] =	vst v1;
	s24 =	smov.u32 s23;
	s23 =	sadd.s32 $0x40, s23  }
.Ltmp1:
0x1c: {  	(pc) =	sbr.rel @p0 .LBB2_4-.Ltmp1, $2  }
0x1d: {  	_ =	sdelay $0x2  }
0x1e: {  	s24 =	sshra.s32 s24, $0x2  }
0x1f: {  	[tilespmem:s24+$0x2C10] =	vst v1  }
0x20: {  	[spmem:s5] =	stream.linear.scatter [tilespmem:s18], [sflag:$0x2], $0x400, $0x38;
	[tilespmem:$0x5810] =	vst v63  }
0x21: {  	_ =	swait.ge [sflag:s17], $0x400  }
0x22: {  	[sflag:s17] =	ssyncset.done $0x0  }
0x23: {  	[sflag:s17] =	ssyncadd.s32 $0xFFFFFC00  }
0x24: {  	[spmem:s6] =	stream.linear.scatter [tilespmem:s18], [sflag:$0x2], $0x400, $0x38;
	[tilespmem:$0x5810] =	vst v63  }
0x25: {  	_ =	swait.ge [sflag:s17], $0x400  }
0x26: {  	[sflag:s17] =	ssyncset.done $0x0  }
0x27: {  	[sflag:s17] =	ssyncadd.s32 $0xFFFFFC00  }
0x28: {  	[spmem:s7] =	stream.linear.scatter [tilespmem:s18], [sflag:$0x2], $0x400, $0x38;
	[tilespmem:$0x5810] =	vst v63  }
0x29: {  	_ =	swait.ge [sflag:s17], $0x400  }
0x2a: {  	[sflag:s17] =	ssyncset.done $0x0  }
0x2b: {  	[sflag:s17] =	ssyncadd.s32 $0xFFFFFC00  }
0x2c: {  	[spmem:s8] =	stream.linear.scatter [tilespmem:s18], [sflag:$0x2], $0x400, $0x38;
	[tilespmem:$0x5810] =	vst v63  }
0x2d: {  	_ =	swait.ge [sflag:s17], $0x400  }
0x2e: {  	[sflag:s17] =	ssyncset.done $0x0  }
0x2f: {  	[sflag:s17] =	ssyncadd.s32 $0xFFFFFC00  }
0x30: {  	[spmem:s9] =	stream.linear.scatter [tilespmem:s18], [sflag:$0x2], $0x400, $0x38;
	[tilespmem:$0x5810] =	vst v63  }
0x31: {  	_ =	swait.ge [sflag:s17], $0x400  }
0x32: {  	[sflag:s17] =	ssyncset.done $0x0  }
0x33: {  	[sflag:s17] =	ssyncadd.s32 $0xFFFFFC00  }
0x34: {  	[spmem:s10] =	stream.linear.scatter [tilespmem:s18], [sflag:$0x2], $0x400, $0x38;
	[tilespmem:$0x5810] =	vst v63  }
0x35: {  	_ =	swait.ge [sflag:s17], $0x400  }
0x36: {  	[sflag:s17] =	ssyncset.done $0x0  }
0x37: {  	[sflag:s17] =	ssyncadd.s32 $0xFFFFFC00  }
0x38: {  	[spmem:s11] =	stream.linear.scatter [tilespmem:s18], [sflag:$0x2], $0x400, $0x38;
	[tilespmem:$0x5810] =	vst v63  }
0x39: {  	_ =	swait.ge [sflag:s17], $0x400  }
0x3a: {  	[sflag:s17] =	ssyncset.done $0x0  }
0x3b: {  	[sflag:s17] =	ssyncadd.s32 $0xFFFFFC00  }
0x3c: {  	[spmem:s12] =	stream.linear.scatter [tilespmem:s18], [sflag:$0x2], $0x400, $0x38;
	[tilespmem:$0x5810] =	vst v63  }
0x3d: {  	_ =	swait.ge [sflag:s17], $0x400  }
0x3e: {  	[sflag:s17] =	ssyncset.done $0x0  }
0x3f: {  	[sflag:s17] =	ssyncadd.s32 $0xFFFFFC00  }
0x40: {  	[spmem:s13] =	stream.linear.scatter [tilespmem:s18], [sflag:$0x2], $0x400, $0x38;
	[tilespmem:$0x5810] =	vst v63  }
0x41: {  	_ =	swait.ge [sflag:s17], $0x400  }
0x42: {  	[sflag:s17] =	ssyncset.done $0x0  }
0x43: {  	[sflag:s17] =	ssyncadd.s32 $0xFFFFFC00  }
0x44: {  	[spmem:s14] =	stream.linear.scatter [tilespmem:s18], [sflag:$0x2], $0x400, $0x38;
	[tilespmem:$0x5810] =	vst v63  }
0x45: {  	_ =	swait.ge [sflag:s17], $0x400  }
0x46: {  	[sflag:s17] =	ssyncset.done $0x0  }
0x47: {  	[sflag:s17] =	ssyncadd.s32 $0xFFFFFC00  }
0x48: {  	s23 =	simm.s32 $0x0;
	[bflag:$0x0] =	sbarrier.arrive $0xFFFF  }
.LBB2_6:
0x49: {  	p0 =	sne.s32 s23, $0x9B00  }
.Ltmp2:
0x4a: {  	_ = 	snop;
	(pc) =	sbr.rel @p0 .LBB2_6-.Ltmp2, $3  }
0x4b: {  	_ =	sdelay $0x1  }
0x4c: {  	s24 =	sshra.s32 s23, $0x2;
	s23 =	sadd.s32 $0x140, s23  }
0x4d: {  	[spmem:s2] =	stream.indirect.scatter.add.f32 [tilespmem:s20], [sflag:$0x1], $0x10, s24, s19, $0xb8;
	[tilespmem:$0x5810] =	vst v63  }
0x4e: {  	_ =	swait.ge [sflag:s21], $0x500  }
0x4f: {  	s23 =	simm.s32 $0x7C;
	[sflag:s21] =	ssyncset.done $0x0  }
.LBB2_8:
0x50: {  	p0 =	sne.s32 s23, $0x1;
	s23 =	sadd.s32 $0xFFFFFFFF, s23;
	[sflag:s21] =	ssyncadd.s32 $0xFFFFFB00  }
.Ltmp3:
0x51: {  	(pc) =	sbr.rel @p0 .LBB2_8-.Ltmp3, $3  }
0x52: {  	_ =	sdelay $0x1  }
0x53: {  	_ =	swait.ge [sflag:s21], $0x500  }
0x54: {  	[sflag:s21] =	ssyncset.done $0x0  }
0x55: {  	[sflag:s21] =	ssyncadd.s32 $0xFFFFFB00;
	s22 =	sadd.s32 $0x1, s22  }
0x56: {  	s23 =	sshll.u32 s1, $0x6;
	s24 =	sshrl.u32 s5, $0x3;
	p0 =	sne.s32 s22, s16  }
.Ltmp4:
0x57: {  	[bflag:$0x0] =	sbarrier.arrive $0xFFFF;
	s23 =	sor.u32 $0x1C02, s23;
	(pc) =	sbr.rel @p0 .LBB2_1-.Ltmp4, $4  }
0x58: {  	[hbm:s15], [sflag:s23] =	dma.local [spmem:s24], $0x500  }
0x59: {  	_ =	swait.ge [sflag:s17], $0x500  }
0x5a: {  	[sflag:s17] =	ssyncset.done $0x0  }
0x5b: {  	[sflag:s17] =	ssyncadd.s32 $0xFFFFFB00  }
0x5c: {  	_ =	sfence.sel $0x180000  }
0x5d: {  	[bflag:$0x0] =	sbarrier.arrive $0xFFFF  }
0x5e: {  	p0 =	sne.s32 s1, $0x0;
	_ =	strace $0x90000047  }
0x5f: {  	s0 =	sadd.s32 @!p0 $0x100000, s0;
	[bflag:$0x2] =	sbarrier.arrive $0xFFFF  }
0x60: {  	[sflag:s0] =	ssyncadd.tile.s32 @!p0 $0x1;
	_ =	shalt  }
.Lfunc_end2:
_tile_overlayer_lowered:
.L_overlay_start_2:
0x61: {  	(tag) =	ssettag $0x2  }
0x62: {  	s0 =	rddreg [dreg:$0x0];
	s2 =	stileid.u32  }
0x63: {  	s1 =	rddreg [dreg:$0x1];
	p0 =	sne.s32 s2, $0x0  }
0x64: {  	s3 =	rddreg [dreg:$0x2];
	[bflag:$0x3] =	sbarrier.arrive $0xFFFF;
	s2 =	simm.s32 @!p0 $0x1C02  }
0x65: {  	[timem:s3], [sflag:s2] =	dma.local @!p0 [hbm:s0], s1  }
0x66: {  	s0 =	simm.s32 @!p0 $0x2  }
0x67: {  	_ =	swait.ge @!p0 [sflag:s0], s1  }
0x68: {  	s1 =	ssub.s32 @!p0 $0x0, s1;
	[sflag:s0] =	ssyncset.done @!p0 $0x0  }
0x69: {  	[sflag:s0] =	ssyncadd.s32 @!p0 s1  }
0x6a: {  	[bflag:$0x3] =	sbarrier.arrive $0xFFFF  }
0x6b: {  	_ =	shalt  }

// kernel: kernel.14.cloned.1.call-start
scs
__scs_entry_jumppad:
0x0: {  	(pc) =	sbr.rel $0x88, $3  }
0x1: {  	(tag) =	ssettag $0x0;
	lr =	simm.s32 $0x1  }
0x2: {  	[smem:$0x3F99] =	sst lr;
	_ =	strace $0xD0000000  }
0x3: {  	_ = 	snop  }
0x4: {  	_ = 	snop  }
0x5: {  	_ = 	snop  }
0x6: {  	_ = 	snop  }
0x7: {  	_ = 	snop  }
__scs_overlays_trampoline_lowered:
0x8: {  	[smem:$0x3FA8] =	sst s0  }
0x9: {  	[smem:$0x3FA9] =	sst s1  }
0xa: {  	[smem:$0x3FAA] =	sst s2  }
0xb: {  	[smem:$0x3FAB] =	sst s3  }
0xc: {  	[smem:$0x3FAC] =	sst s4  }
0xd: {  	[smem:$0x3FAD] =	sst s5  }
0xe: {  	[smem:$0x3FAE] =	sst s6  }
0xf: {  	[smem:$0x3FAF] =	sst s7  }
0x10: {  	[smem:$0x3FB0] =	sst s8  }
0x11: {  	[smem:$0x3FB1] =	sst s9;
	s0 =	simm.s32 @!p0 $0x0  }
0x12: {  	s1 =	sld [smem:$0x3F97];
	s0 =	simm.s32 @p0 $0x1  }
0x13: {  	[smem:$0x3FB2] =	sst s0;
	s0 =	simm.s32 @!p1 $0x0  }
0x14: {  	s2 =	sld [smem:$0x3F96];
	s0 =	simm.s32 @p1 $0x1  }
0x15: {  	[smem:$0x3FB3] =	sst s0;
	s0 =	simm.s32 @!p2 $0x0  }
0x16: {  	s3 =	sld [smem:$0x3FDB];
	s0 =	simm.s32 @p2 $0x1  }
0x17: {  	s4 =	simm.s32 $0x1BF5;
	[smem:$0x3FB5] =	sst s0  }
0x18: {  	s0 =	sld [smem:$0x3F98];
	_ =	swait.ge [sflag:s4], $0x0  }
0x19: {  	s7 =	sld [smem:$0x3F99]  }
0x1a: {  	s8 =	sadd.s32 $0xFFFFE003, lr  }
0x1b: {  	s9 =	sadd.s32 $0xFFFFFEF7, lr;
	s5 =	simm.s32 $0xFFFFFFFF;
	p2 =	slt.u32 s8, $0xFFFFF086  }
0x1c: {  	p1 =	slt.u32 s9, $0xF7A;
	s5 =	simm.s32 @!p2 $0x0  }
0x1d: {  	s5 =	simm.s32 @p1 $0x1;
	p0 =	seq.s32 s7, s2  }
0x1e: {  	s7 =	smul.u32 @!p0 $0xF7A, s2;
	p2 =	seq.s32 @!p0 s5, $0x0  }
0x1f: {  	s9 =	smul.u32 $0xF7A, s1;
	s8 =	simm.s32 @!p0 $0x1BF5;
	p2 =	por !p2, p0  }
0x20: {  	[sflag:s8] =	ssyncset.s32 @!p0 $0xFFFFF086;
	s6 =	sadd.s32 @!p0 s3, s7;
	s7 =	simm.s32 @!p0 $0x108  }
0x21: {  	s3 =	sadd.s32 s3, s9;
	s6 =	sadd.s32 @!p0 $0x88, s6;
	s7 =	simm.s32 @p2 $0x1082  }
0x22: {  	[simem:s7], [sflag:s8] =	dma.local @!p0 [hbm:s6], $0xF7A  }
0x23: {  	s9 =	sor.u32 $0xD0000000, s2;
	s6 =	simm.s32 $0x108;
	_ =	swait.ge @!p0 [sflag:s8], $0x0  }
0x24: {  	s3 =	sadd.s32 $0x88, s3;
	s6 =	simm.s32 @!p1 $0x1082;
	[sflag:s4] =	ssyncset.s32 $0xFFFFF086  }
0x25: {  	[simem:s6], [sflag:s4] =	dma.local [hbm:s3], $0xF7A  }
0x26: {  	[smem:$0x3F99] =	sst s1;
	(tag) =	ssettag s2;
	_ =	strace s9  }
0x27: {  	s1 =	sld [smem:$0x3FA9]  }
0x28: {  	s2 =	sld [smem:$0x3FAA]  }
0x29: {  	s4 =	sld [smem:$0x3FAC]  }
0x2a: {  	p0 =	seq.s32 s5, $0x0;
	s5 =	sld [smem:$0x3FAD]  }
0x2b: {  	s6 =	sld [smem:$0x3FAE]  }
0x2c: {  	s7 =	sld [smem:$0x3FAF]  }
0x2d: {  	s3 =	simm.s32 $0x108;
	s8 =	sld [smem:$0x3FB0]  }
0x2e: {  	s3 =	simm.s32 @!p0 $0x1082;
	s9 =	sld [smem:$0x3FB1]  }
0x2f: {  	lr =	sadd.s32 s0, s3;
	s0 =	sld [smem:$0x3FA8]  }
0x30: {  	s3 =	sld [smem:$0x3FAB]  }
0x31: {  	[smem:$0x3FB4] =	sst s10  }
0x32: {  	s10 =	sld [smem:$0x3FB2];
	_ =	sdelay $0x3  }
0x33: {  	p0 =	seq.s32 s10, $0x1;
	s10 =	sld [smem:$0x3FB4];
	_ =	sdelay $0x3  }
0x34: {  	[smem:$0x3FB4] =	sst s10  }
0x35: {  	s10 =	sld [smem:$0x3FB3];
	_ =	sdelay $0x3  }
0x36: {  	p1 =	seq.s32 s10, $0x1;
	s10 =	sld [smem:$0x3FB4];
	_ =	sdelay $0x3  }
0x37: {  	[smem:$0x3FB4] =	sst s10  }
0x38: {  	s10 =	sld [smem:$0x3FB5]  }
0x39: {  	_ = 	snop;
	(pc) =	sbr.ind lr, $3  }
0x3a: {  	_ = 	snop  }
0x3b: {  	_ = 	snop  }
0x3c: {  	p2 =	seq.s32 s10, $0x1;
	s10 =	sld [smem:$0x3FB4]  }
0x3d: {  	_ =	shalt  }
0x3e: {  	_ =	shalt  }
0x3f: {  	_ =	shalt  }
0x40: {  	_ =	shalt  }
0x41: {  	_ =	shalt  }
0x42: {  	_ =	shalt  }
0x43: {  	_ =	shalt  }
0x44: {  	_ =	shalt  }
0x45: {  	_ =	shalt  }
0x46: {  	_ =	shalt  }
0x47: {  	_ =	shalt  }
0x48: {  	_ =	shalt  }
0x49: {  	_ =	shalt  }
0x4a: {  	_ =	shalt  }
0x4b: {  	_ =	shalt  }
0x4c: {  	_ =	shalt  }
0x4d: {  	_ =	shalt  }
0x4e: {  	_ =	shalt  }
0x4f: {  	_ =	shalt  }
0x50: {  	_ =	shalt  }
0x51: {  	_ =	shalt  }
0x52: {  	_ =	shalt  }
0x53: {  	_ =	shalt  }
0x54: {  	_ =	shalt  }
0x55: {  	_ =	shalt  }
0x56: {  	_ =	shalt  }
0x57: {  	_ =	shalt  }
0x58: {  	_ =	shalt  }
0x59: {  	_ =	shalt  }
0x5a: {  	_ =	shalt  }
0x5b: {  	_ =	shalt  }
0x5c: {  	_ =	shalt  }
0x5d: {  	_ =	shalt  }
0x5e: {  	_ =	shalt  }
0x5f: {  	_ =	shalt  }
0x60: {  	_ =	shalt  }
0x61: {  	_ =	shalt  }
0x62: {  	_ =	shalt  }
0x63: {  	_ =	shalt  }
0x64: {  	_ =	shalt  }
0x65: {  	_ =	shalt  }
0x66: {  	_ =	shalt  }
0x67: {  	_ =	shalt  }
0x68: {  	_ =	shalt  }
0x69: {  	_ =	shalt  }
0x6a: {  	_ =	shalt  }
0x6b: {  	_ =	shalt  }
0x6c: {  	_ =	shalt  }
0x6d: {  	_ =	shalt  }
0x6e: {  	_ =	shalt  }
0x6f: {  	_ =	shalt  }
0x70: {  	_ =	shalt  }
0x71: {  	_ =	shalt  }
0x72: {  	_ =	shalt  }
0x73: {  	_ =	shalt  }
0x74: {  	_ =	shalt  }
0x75: {  	_ =	shalt  }
0x76: {  	_ =	shalt  }
0x77: {  	_ =	shalt  }
0x78: {  	_ =	shalt  }
0x79: {  	_ =	shalt  }
0x7a: {  	_ =	shalt  }
0x7b: {  	_ =	shalt  }
0x7c: {  	_ =	shalt  }
0x7d: {  	_ =	shalt  }
0x7e: {  	_ =	shalt  }
0x7f: {  	_ =	shalt  }
0x80: {  	_ =	shalt  }
0x81: {  	_ =	shalt  }
0x82: {  	_ =	shalt  }
0x83: {  	_ =	shalt  }
0x84: {  	_ =	shalt  }
0x85: {  	_ =	shalt  }
0x86: {  	_ =	shalt  }
0x87: {  	_ =	shalt  }
.Lfunc_end0:
.L_simem_size_0:
called_computation.1_lowered:
.L_overlay_start_0:
0x88: {  	s2 =	sld [smem:$0x3FD9]  }
0x89: {  	s3 =	sld [smem:$0x3FFE];
	_ =	sdelay $0x1  }
0x8a: {  	s1 =	srdreg.scid  }
0x8b: {  	s0 =	sand.u32 $0x1, s1  }
0x8c: {  	s17 =	sshll.u32 s0, $0xA;
	s2 =	sadd.s32 s3, s2  }
0x8d: {  	s2 =	sadd.s32 s2, s17  }
0x8e: {  	[smem:$0x3FC0] =	sst s2  }
0x8f: {  	_ = 	snop  }
0x90: {  	s2 =	sld [smem:$0x3FD0];
	(tm) =	ssettm $0x1  }
0x91: {  	s18 =	sld [smem:$0x3FFB];
	_ =	sdelay $0x3  }
0x92: {  	_ =	strace s18  }
0x93: {  	s3 =	sld [smem:$0x3FFC];
	_ =	sdelay $0x3  }
0x94: {  	_ =	strace s3  }
0x95: {  	s3 =	sld [smem:$0x3FFD];
	_ =	sdelay $0x3  }
0x96: {  	_ =	strace s3  }
0x97: {  	_ =	strace $0x8FFFFFFF  }
0x98: {  	s19 =	sld [smem:$0x3FDB];
	_ =	sdelay $0x1  }
0x99: {  	s4 =	simm.s32 $_scs_section_size  }
0x9a: {  	s5 =	simm.s32 $_size__tile_overlayer_lowered;
	s6 =	simm.s32 $_tile_overlayer_lowered  }
0x9b: {  	s22 =	simm.s32 $0x1BFF;
	s21 =	sshll.u32 s6, $0x1;
	s3 =	sadd.s32 s4, s19  }
0x9c: {  	s7 =	simm.s32 $0x0;
	s20 =	sshll.u32 s5, $0x1;
	s5 =	sadd.s32 s21, s3  }
0x9d: {  	[timem:s7], [sflag:s22] =	dma.local [hbm:s5], s20  }
0x9e: {  	_ =	swait.ge [sflag:s22], s20  }
0x9f: {  	s4 =	ssub.s32 $0x0, s20;
	[sflag:s22] =	ssyncset.done $0x0  }
0xa0: {  	[sflag:s22] =	ssyncadd.s32 s4;
	_ =	sdelay $0x1  }
0xa1: {  	s23 =	simm.s32 $0x1B8B  }
0xa2: {  	_ =	swait.ge [sflag:s23], $0x1  }
0xa3: {  	[sflag:s23] =	ssyncset.done $0x0  }
0xa4: {  	s25 =	simm.s32 $0x1B8E;
	s24 =	sld [smem:$0x3FFE];
	[sflag:s23] =	ssyncadd.s32 $0xFFFFFFFF  }
0xa5: {  	s26 =	simm.s32 $execute0_lowered;
	[smem:$0x3FD2] =	sst s25  }
0xa6: {  	s5 =	sshll.u32 s26, $0x1;
	_ =	strace $0x80000049;
	[dreg:$0x1] =	wrdreg $0xFFFFFFFF  }
0xa7: {  	s28 =	simm.s32 $_size_execute0_lowered;
	s3 =	sadd.s32 s3, s5;
	[dreg:$0x0] =	wrdreg $0x0  }
0xa8: {  	s5 =	sshll.u32 s28, $0x1;
	[dreg:$0x2] =	wrdreg s3  }
0xa9: {  	[dreg:$0x3] =	wrdreg s5  }
0xaa: {  	[dreg:$0x4] =	wrdreg $0xC0  }
0xab: {  	_ =	task [dreg:s7], $0x5FFFF  }
0xac: {  	[dreg:$0x1] =	wrdreg $0xFFFFFFFF  }
0xad: {  	[dreg:$0x0] =	wrdreg $0x60  }
0xae: {  	[dreg:$0x2] =	wrdreg s2  }
0xaf: {  	[dreg:$0x3] =	wrdreg s24  }
0xb0: {  	[dreg:$0x4] =	wrdreg $0xB7000  }
0xb1: {  	[dreg:$0x5] =	wrdreg $0x67000  }
0xb2: {  	[dreg:$0x6] =	wrdreg $0x9  }
0xb3: {  	_ =	task.clear_ibuf [dreg:s7], $0x7FFFF;
	_ =	strace $0x90000049  }
0xb4: {  	s29 =	simm.s32 $0x9;
	_ =	strace $0x8000004B  }
0xb5: {  	_ =	swait.ge [sflag:s29], $0x1  }
0xb6: {  	[sflag:s29] =	ssyncadd.s32 $0xFFFFFFFF  }
0xb7: {  	_ =	strace $0x9000004B  }
0xb8: {  	_ =	sfence  }
0xb9: {  	s30 =	sld [smem:$0x0];
	_ =	sdelay $0x2  }
0xba: {  	s31 =	sshll.u32 s1, $0xD;
	s1 =	sshrl.u32 s1, $0x2  }
0xbb: {  	s3 =	sand.u32 $0x4000, s31;
	s1 =	sadd.s32 s1, s30  }
0xbc: {  	s0 =	sor.u32 s3, s0;
	s1 =	sshll.u32 s1, $0x11  }
0xbd: {  	s0 =	sor.u32 s1, s0  }
0xbe: {  	s0 =	sadd.s32 $0x8F2B, s0  }
0xbf: {  	[sflag:s0] =	ssyncadd.remote.s32 $0x1  }
0xc0: {  	_ =	sfence.sel $0xFFFF  }
0xc1: {  	[dreg:$0x0] =	wrdreg $0xFFFFFFFF;
	(pc) =	sbr.abs _section_cstart, $3  }
0xc2: {  	[dreg:$0x1] =	wrdreg $0xFFFFFFFF  }
0xc3: {  	_ =	task.clear_ibuf [dreg:s7], $0x2FFFF;
	_ =	strace $0x9FFFFFFF  }
0xc4: {  	(tm) =	ssettm $0x7FFFFFFF  }
0xc5: {  	_ =	shalt  }
tec
execute0_lowered:
.L_overlay_start_1:
0x0: {  	(tag) =	ssettag $0x1  }
0x1: {  	s7 =	rddreg [dreg:$0x0];
	s0 =	srdreg.scid  }
0x2: {  	s5 =	rddreg [dreg:$0x1];
	s20 =	stileid.u32  }
0x3: {  	s2 =	rddreg [dreg:$0x2];
	s9 =	smul.u32 $0x2780, s20  }
0x4: {  	s3 =	rddreg [dreg:$0x3];
	s10 =	smul.u32 $0xA000, s20  }
0x5: {  	s4 =	simm.s32 $0x0;
	s6 =	sand.u32 $0x1, s0;
	s22 =	smul.u32 $0x9C40, s20  }
0x6: {  	s28 =	simm.s32 $0x1;
	s29 =	simm.s32 $0x0;
	s8 =	smul.u32 $0x27800, s6  }
0x7: {  	[smem:$0x7FF] =	sst s4;
	s11 =	smul.u32 $0xA0000, s6;
	s6 =	ssub.s32 $0x2, s6  }
0x8: {  	s12 =	smul.u32 $0x14000, s20;
	_ =	strace $0x8000004A;
	s24 =	sshrl.u32 s6, $0x1  }
0x9: {  	s25 =	sshrl.u32 s22, $0x1;
	s26 =	sshrl.u32 s22, $0x4;
	s30 =	sshrl.u32 s10, $0x1  }
0xa: {  	s31 =	sshrl.u32 s12, $0x2;
	s22 =	sshll.u32 s20, $0x6;
	s20 =	simm.s32 $0x2  }
0xb: {  	s8 =	sadd.s32 s9, s8;
	s21 =	sadd.s32 s10, s11;
	s19 =	ssub.s32 s6, s24  }
0xc: {  	s23 =	sadd.s32 s25, s2;
	s7 =	sadd.s32 s7, s26;
	s17 =	sadd.s32 s31, s3  }
0xd: {  	s22 =	sor.u32 $0x1C02, s22;
	s24 =	simm.s32 $0x5F00;
	s25 =	simm.s32 $0x80  }
0xe: {  	s26 =	simm.s32 $0x4F00;
	s8 =	sshrl.u32 s8, $0x3;
	s9 =	sshrl.u32 s21, $0x4  }
0xf: {  	s10 =	sadd.s32 $0x1000, s17;
	s11 =	sadd.s32 $0x1800, s17;
	s12 =	sadd.s32 $0x2000, s17  }
0x10: {  	s13 =	sadd.s32 $0x2800, s17;
	s14 =	sadd.s32 $0x3000, s17;
	s15 =	sadd.s32 $0x3800, s17  }
0x11: {  	s16 =	sadd.s32 $0x4000, s17;
	s19 =	smax.u32 s19, $0x1;
	s21 =	simm.s32 $0x2780  }
0x12: {  	s23 =	sshrl.u32 s23, $0x3;
	s8 =	sadd.s32 s8, s5;
	s18 =	sadd.s32 s9, s5  }
0x13: {  	s9 =	sadd.s32 $0x800, s17;
	s17 =	sadd.s32 $0x4800, s17;
	s5 =	sadd.s32 $0x15E00, s8  }
0x14: {  	v0 =	vimm.bf16 $0.0e+00;
	s6 =	sadd.s32 $0x1FC00, s8;
	s8 =	sadd.s32 s30, s3;
	s18 =	sadd.s32 $0x29A00, s18  }
.LBB2_1:
0x15: {  	[tilespmem:s4], [sflag:$0x2] =	stream.linear.gather [hbm4b:s5+s4], $0x2780, $0x38;
	[tilespmem:$0x10520] =	vst v63  }
0x16: {  	_ =	swait.ge [sflag:s20], $0x2780  }
0x17: {  	[sflag:s20] =	ssyncset.done $0x0  }
0x18: {  	[sflag:s20] =	ssyncadd.s32 $0xFFFFD880  }
0x19: {  	[tilespmem:s21], [sflag:$0x2] =	stream.linear.gather [hbm4b:s6+s4], $0x2780, $0x38;
	[tilespmem:$0x10520] =	vst v63  }
0x1a: {  	_ =	swait.ge [sflag:s20], $0x2780  }
0x1b: {  	[sflag:s20] =	ssyncset.done $0x0  }
0x1c: {  	[sflag:s20] =	ssyncadd.s32 $0xFFFFD880  }
0x1d: {  	[spmem:s23], [sflag:s22] =	dma.local [hbm:s7], $0x9C4  }
0x1e: {  	_ =	swait.ge [sflag:s20], $0x9C4  }
0x1f: {  	[sflag:s20] =	ssyncset.done $0x0  }
0x20: {  	s30 =	simm.s32 $0x80;
	s31 =	simm.s32 $0x0;
	[sflag:s20] =	ssyncadd.s32 $0xFFFFF63C  }
.LBB2_2:
0x21: {  	p0 =	sne.s32 s30, $0x1F80;
	[tilespmem:s31+$0x5F00] =	vst v0;
	s1 =	smov.u32 s30;
	s30 =	sadd.s32 $0x80, s30  }
.Ltmp0:
0x22: {  	[tilespmem:s31+$0x5F10] =	vst v0;
	(pc) =	sbr.rel @p0 .LBB2_2-.Ltmp0, $2  }
0x23: {  	_ =	sdelay $0x2  }
0x24: {  	s31 =	sshra.s32 s1, $0x2  }
0x25: {  	[tilespmem:s31+$0x5F00] =	vst v0  }
0x26: {  	[tilespmem:s31+$0x5F10] =	vst v0  }
0x27: {  	[spmem:s8] =	stream.linear.scatter [tilespmem:s24], [sflag:$0x2], $0x800, $0x38;
	[tilespmem:$0x10520] =	vst v63  }
0x28: {  	_ =	swait.ge [sflag:s20], $0x800  }
0x29: {  	[sflag:s20] =	ssyncset.done $0x0  }
0x2a: {  	[sflag:s20] =	ssyncadd.s32 $0xFFFFF800  }
0x2b: {  	[spmem:s9] =	stream.linear.scatter [tilespmem:s24], [sflag:$0x2], $0x800, $0x38;
	[tilespmem:$0x10520] =	vst v63  }
0x2c: {  	_ =	swait.ge [sflag:s20], $0x800  }
0x2d: {  	[sflag:s20] =	ssyncset.done $0x0  }
0x2e: {  	[sflag:s20] =	ssyncadd.s32 $0xFFFFF800  }
0x2f: {  	[spmem:s10] =	stream.linear.scatter [tilespmem:s24], [sflag:$0x2], $0x800, $0x38;
	[tilespmem:$0x10520] =	vst v63  }
0x30: {  	_ =	swait.ge [sflag:s20], $0x800  }
0x31: {  	[sflag:s20] =	ssyncset.done $0x0  }
0x32: {  	[sflag:s20] =	ssyncadd.s32 $0xFFFFF800  }
0x33: {  	[spmem:s11] =	stream.linear.scatter [tilespmem:s24], [sflag:$0x2], $0x800, $0x38;
	[tilespmem:$0x10520] =	vst v63  }
0x34: {  	_ =	swait.ge [sflag:s20], $0x800  }
0x35: {  	[sflag:s20] =	ssyncset.done $0x0  }
0x36: {  	[sflag:s20] =	ssyncadd.s32 $0xFFFFF800  }
0x37: {  	[spmem:s12] =	stream.linear.scatter [tilespmem:s24], [sflag:$0x2], $0x800, $0x38;
	[tilespmem:$0x10520] =	vst v63  }
0x38: {  	_ =	swait.ge [sflag:s20], $0x800  }
0x39: {  	[sflag:s20] =	ssyncset.done $0x0  }
0x3a: {  	[sflag:s20] =	ssyncadd.s32 $0xFFFFF800  }
0x3b: {  	[spmem:s13] =	stream.linear.scatter [tilespmem:s24], [sflag:$0x2], $0x800, $0x38;
	[tilespmem:$0x10520] =	vst v63  }
0x3c: {  	_ =	swait.ge [sflag:s20], $0x800  }
0x3d: {  	[sflag:s20] =	ssyncset.done $0x0  }
0x3e: {  	[sflag:s20] =	ssyncadd.s32 $0xFFFFF800  }
0x3f: {  	[spmem:s14] =	stream.linear.scatter [tilespmem:s24], [sflag:$0x2], $0x800, $0x38;
	[tilespmem:$0x10520] =	vst v63  }
0x40: {  	_ =	swait.ge [sflag:s20], $0x800  }
0x41: {  	[sflag:s20] =	ssyncset.done $0x0  }
0x42: {  	[sflag:s20] =	ssyncadd.s32 $0xFFFFF800  }
0x43: {  	[spmem:s15] =	stream.linear.scatter [tilespmem:s24], [sflag:$0x2], $0x800, $0x38;
	[tilespmem:$0x10520] =	vst v63  }
0x44: {  	_ =	swait.ge [sflag:s20], $0x800  }
0x45: {  	[sflag:s20] =	ssyncset.done $0x0  }
0x46: {  	[sflag:s20] =	ssyncadd.s32 $0xFFFFF800  }
0x47: {  	[spmem:s16] =	stream.linear.scatter [tilespmem:s24], [sflag:$0x2], $0x800, $0x38;
	[tilespmem:$0x10520] =	vst v63  }
0x48: {  	_ =	swait.ge [sflag:s20], $0x800  }
0x49: {  	[sflag:s20] =	ssyncset.done $0x0  }
0x4a: {  	[sflag:s20] =	ssyncadd.s32 $0xFFFFF800  }
0x4b: {  	[spmem:s17] =	stream.linear.scatter [tilespmem:s24], [sflag:$0x2], $0x800, $0x38;
	[tilespmem:$0x10520] =	vst v63  }
0x4c: {  	_ =	swait.ge [sflag:s20], $0x800  }
0x4d: {  	[sflag:s20] =	ssyncset.done $0x0  }
0x4e: {  	[sflag:s20] =	ssyncadd.s32 $0xFFFFF800  }
0x4f: {  	s1 =	simm.s32 $0x0;
	[bflag:$0x0] =	sbarrier.arrive $0xFFFF  }
0x50: {  	[tilespmem:s26], [sflag:$0x1] =	stream.indirect.gather [spmem:s2], $0x20, s1, s25, $0xb8;
	[tilespmem:$0x10520] =	vst v63  }
0x51: {  	_ =	swait.ge [sflag:s28], $0x1000  }
0x52: {  	[sflag:s28] =	ssyncset.done $0x0  }
0x53: {  	s0 =	simm.s32 $0x2780;
	[sflag:s28] =	ssyncadd.s32 $0xFFFFF000  }
0x54: {  	[spmem:s3] =	stream.indirect.scatter.add.bf16 [tilespmem:s26], [sflag:$0x2], $0x20, s0, s25, $0xb8;
	[tilespmem:$0x10520] =	vst v63  }
0x55: {  	_ =	swait.ge [sflag:s20], $0x1000  }
0x56: {  	s30 =	simm.s32 $0x200;
	s31 =	simm.s32 $0x400;
	[sflag:s20] =	ssyncset.done $0x0  }
.LBB2_4:
0x57: {  	s1 =	sshra.s32 s30, $0x2  }
0x58: {  	[sflag:s20] =	ssyncadd.s32 $0xFFFFF000;
	s30 =	smov.u32 s31;
	s0 =	sadd.s32 $0x200, s31  }
0x59: {  	[tilespmem:s26], [sflag:$0x1] =	stream.indirect.gather [spmem:s2], $0x20, s1, s25, $0xb8;
	[tilespmem:$0x10520] =	vst v63  }
0x5a: {  	p0 =	sne.s32 s31, $0x9C00;
	_ =	swait.ge [sflag:s28], $0x1000  }
.Ltmp1:
0x5b: {  	[sflag:s28] =	ssyncset.done $0x0;
	(pc) =	sbr.rel @p0 .LBB2_4-.Ltmp1, $4  }
0x5c: {  	s1 =	sadd.s32 $0x2780, s1;
	[sflag:s28] =	ssyncadd.s32 $0xFFFFF000  }
0x5d: {  	[spmem:s3] =	stream.indirect.scatter.add.bf16 [tilespmem:s26], [sflag:$0x2], $0x20, s1, s25, $0xb8;
	[tilespmem:$0x10520] =	vst v63  }
0x5e: {  	_ =	swait.ge [sflag:s20], $0x1000  }
0x5f: {  	s31 =	smov.u32 s0;
	[sflag:s20] =	ssyncset.done $0x0  }
0x60: {  	s0 =	sshra.s32 s30, $0x2;
	[sflag:s20] =	ssyncadd.s32 $0xFFFFF000  }
0x61: {  	[tilespmem:s26], [sflag:$0x1] =	stream.indirect.gather [spmem:s2], $0x20, s0, s25, $0xb8;
	[tilespmem:$0x10520] =	vst v63  }
0x62: {  	_ =	swait.ge [sflag:s28], $0x1000  }
0x63: {  	[sflag:s28] =	ssyncset.done $0x0  }
0x64: {  	s0 =	sadd.s32 $0x2780, s0;
	[sflag:s28] =	ssyncadd.s32 $0xFFFFF000  }
0x65: {  	[spmem:s3] =	stream.indirect.scatter.add.bf16 [tilespmem:s26], [sflag:$0x2], $0x20, s0, s25, $0xb8;
	[tilespmem:$0x10520] =	vst v63  }
0x66: {  	_ =	swait.ge [sflag:s20], $0x1000  }
0x67: {  	s29 =	sadd.s32 $0x1, s29;
	[sflag:s20] =	ssyncset.done $0x0  }
0x68: {  	p0 =	sne.s32 s29, s19;
	[sflag:s20] =	ssyncadd.s32 $0xFFFFF000  }
.Ltmp2:
0x69: {  	s31 =	sshrl.u32 s8, $0x3;
	[bflag:$0x0] =	sbarrier.arrive $0xFFFF;
	(pc) =	sbr.rel @p0 .LBB2_1-.Ltmp2, $4  }
0x6a: {  	[hbm:s18], [sflag:s22] =	dma.local [spmem:s31], $0xA00  }
0x6b: {  	_ =	swait.ge [sflag:s20], $0xA00  }
0x6c: {  	[sflag:s20] =	ssyncset.done $0x0  }
0x6d: {  	[sflag:s20] =	ssyncadd.s32 $0xFFFFF600  }
0x6e: {  	_ =	sfence.sel $0x180000  }
0x6f: {  	[bflag:$0x0] =	sbarrier.arrive $0xFFFF  }
0x70: {  	_ =	strace $0x9000004A  }
0x71: {  	s0 =	stileid.u32;
	[bflag:$0x2] =	sbarrier.arrive $0xFFFF  }
0x72: {  	p0 =	sne.s32 s0, $0x0;
	s0 =	rddreg [dreg:$0x4]  }
0x73: {  	s0 =	sadd.s32 @!p0 $0x100000, s0  }
0x74: {  	[sflag:s0] =	ssyncadd.tile.s32 @!p0 $0x1;
	_ =	shalt  }
.Lfunc_end2:
_tile_overlayer_lowered:
.L_overlay_start_2:
0x75: {  	(tag) =	ssettag $0x2  }
0x76: {  	s0 =	rddreg [dreg:$0x0];
	s2 =	stileid.u32  }
0x77: {  	s1 =	rddreg [dreg:$0x1];
	p0 =	sne.s32 s2, $0x0  }
0x78: {  	s3 =	rddreg [dreg:$0x2];
	[bflag:$0x3] =	sbarrier.arrive $0xFFFF;
	s2 =	simm.s32 @!p0 $0x1C02  }
0x79: {  	[timem:s3], [sflag:s2] =	dma.local @!p0 [hbm:s0], s1  }
0x7a: {  	s0 =	simm.s32 @!p0 $0x2  }
0x7b: {  	_ =	swait.ge @!p0 [sflag:s0], s1  }
0x7c: {  	s1 =	ssub.s32 @!p0 $0x0, s1;
	[sflag:s0] =	ssyncset.done @!p0 $0x0  }
0x7d: {  	[sflag:s0] =	ssyncadd.s32 @!p0 s1  }
0x7e: {  	[bflag:$0x3] =	sbarrier.arrive $0xFFFF  }
0x7f: {  	_ =	shalt  }

// kernel: kernel.17.cloned.1.call-start
scs
__scs_entry_jumppad:
0x0: {  	(pc) =	sbr.rel $0x88, $3  }
0x1: {  	(tag) =	ssettag $0x0;
	lr =	simm.s32 $0x1  }
0x2: {  	[smem:$0x3F99] =	sst lr;
	_ =	strace $0xD0000000  }
0x3: {  	_ = 	snop  }
0x4: {  	_ = 	snop  }
0x5: {  	_ = 	snop  }
0x6: {  	_ = 	snop  }
0x7: {  	_ = 	snop  }
__scs_overlays_trampoline_lowered:
0x8: {  	[smem:$0x3FA8] =	sst s0  }
0x9: {  	[smem:$0x3FA9] =	sst s1  }
0xa: {  	[smem:$0x3FAA] =	sst s2  }
0xb: {  	[smem:$0x3FAB] =	sst s3  }
0xc: {  	[smem:$0x3FAC] =	sst s4  }
0xd: {  	[smem:$0x3FAD] =	sst s5  }
0xe: {  	[smem:$0x3FAE] =	sst s6  }
0xf: {  	[smem:$0x3FAF] =	sst s7  }
0x10: {  	[smem:$0x3FB0] =	sst s8  }
0x11: {  	[smem:$0x3FB1] =	sst s9;
	s0 =	simm.s32 @!p0 $0x0  }
0x12: {  	s1 =	sld [smem:$0x3F97];
	s0 =	simm.s32 @p0 $0x1  }
0x13: {  	[smem:$0x3FB2] =	sst s0;
	s0 =	simm.s32 @!p1 $0x0  }
0x14: {  	s2 =	sld [smem:$0x3F96];
	s0 =	simm.s32 @p1 $0x1  }
0x15: {  	[smem:$0x3FB3] =	sst s0;
	s0 =	simm.s32 @!p2 $0x0  }
0x16: {  	s3 =	sld [smem:$0x3FDB];
	s0 =	simm.s32 @p2 $0x1  }
0x17: {  	s4 =	simm.s32 $0x1BF5;
	[smem:$0x3FB5] =	sst s0  }
0x18: {  	s0 =	sld [smem:$0x3F98];
	_ =	swait.ge [sflag:s4], $0x0  }
0x19: {  	s7 =	sld [smem:$0x3F99]  }
0x1a: {  	s8 =	sadd.s32 $0xFFFFE003, lr  }
0x1b: {  	s9 =	sadd.s32 $0xFFFFFEF7, lr;
	s5 =	simm.s32 $0xFFFFFFFF;
	p2 =	slt.u32 s8, $0xFFFFF086  }
0x1c: {  	p1 =	slt.u32 s9, $0xF7A;
	s5 =	simm.s32 @!p2 $0x0  }
0x1d: {  	s5 =	simm.s32 @p1 $0x1;
	p0 =	seq.s32 s7, s2  }
0x1e: {  	s7 =	smul.u32 @!p0 $0xF7A, s2;
	p2 =	seq.s32 @!p0 s5, $0x0  }
0x1f: {  	s9 =	smul.u32 $0xF7A, s1;
	s8 =	simm.s32 @!p0 $0x1BF5;
	p2 =	por !p2, p0  }
0x20: {  	[sflag:s8] =	ssyncset.s32 @!p0 $0xFFFFF086;
	s6 =	sadd.s32 @!p0 s3, s7;
	s7 =	simm.s32 @!p0 $0x108  }
0x21: {  	s3 =	sadd.s32 s3, s9;
	s6 =	sadd.s32 @!p0 $0x88, s6;
	s7 =	simm.s32 @p2 $0x1082  }
0x22: {  	[simem:s7], [sflag:s8] =	dma.local @!p0 [hbm:s6], $0xF7A  }
0x23: {  	s9 =	sor.u32 $0xD0000000, s2;
	s6 =	simm.s32 $0x108;
	_ =	swait.ge @!p0 [sflag:s8], $0x0  }
0x24: {  	s3 =	sadd.s32 $0x88, s3;
	s6 =	simm.s32 @!p1 $0x1082;
	[sflag:s4] =	ssyncset.s32 $0xFFFFF086  }
0x25: {  	[simem:s6], [sflag:s4] =	dma.local [hbm:s3], $0xF7A  }
0x26: {  	[smem:$0x3F99] =	sst s1;
	(tag) =	ssettag s2;
	_ =	strace s9  }
0x27: {  	s1 =	sld [smem:$0x3FA9]  }
0x28: {  	s2 =	sld [smem:$0x3FAA]  }
0x29: {  	s4 =	sld [smem:$0x3FAC]  }
0x2a: {  	p0 =	seq.s32 s5, $0x0;
	s5 =	sld [smem:$0x3FAD]  }
0x2b: {  	s6 =	sld [smem:$0x3FAE]  }
0x2c: {  	s7 =	sld [smem:$0x3FAF]  }
0x2d: {  	s3 =	simm.s32 $0x108;
	s8 =	sld [smem:$0x3FB0]  }
0x2e: {  	s3 =	simm.s32 @!p0 $0x1082;
	s9 =	sld [smem:$0x3FB1]  }
0x2f: {  	lr =	sadd.s32 s0, s3;
	s0 =	sld [smem:$0x3FA8]  }
0x30: {  	s3 =	sld [smem:$0x3FAB]  }
0x31: {  	[smem:$0x3FB4] =	sst s10  }
0x32: {  	s10 =	sld [smem:$0x3FB2];
	_ =	sdelay $0x3  }
0x33: {  	p0 =	seq.s32 s10, $0x1;
	s10 =	sld [smem:$0x3FB4];
	_ =	sdelay $0x3  }
0x34: {  	[smem:$0x3FB4] =	sst s10  }
0x35: {  	s10 =	sld [smem:$0x3FB3];
	_ =	sdelay $0x3  }
0x36: {  	p1 =	seq.s32 s10, $0x1;
	s10 =	sld [smem:$0x3FB4];
	_ =	sdelay $0x3  }
0x37: {  	[smem:$0x3FB4] =	sst s10  }
0x38: {  	s10 =	sld [smem:$0x3FB5]  }
0x39: {  	_ = 	snop;
	(pc) =	sbr.ind lr, $3  }
0x3a: {  	_ = 	snop  }
0x3b: {  	_ = 	snop  }
0x3c: {  	p2 =	seq.s32 s10, $0x1;
	s10 =	sld [smem:$0x3FB4]  }
0x3d: {  	_ =	shalt  }
0x3e: {  	_ =	shalt  }
0x3f: {  	_ =	shalt  }
0x40: {  	_ =	shalt  }
0x41: {  	_ =	shalt  }
0x42: {  	_ =	shalt  }
0x43: {  	_ =	shalt  }
0x44: {  	_ =	shalt  }
0x45: {  	_ =	shalt  }
0x46: {  	_ =	shalt  }
0x47: {  	_ =	shalt  }
0x48: {  	_ =	shalt  }
0x49: {  	_ =	shalt  }
0x4a: {  	_ =	shalt  }
0x4b: {  	_ =	shalt  }
0x4c: {  	_ =	shalt  }
0x4d: {  	_ =	shalt  }
0x4e: {  	_ =	shalt  }
0x4f: {  	_ =	shalt  }
0x50: {  	_ =	shalt  }
0x51: {  	_ =	shalt  }
0x52: {  	_ =	shalt  }
0x53: {  	_ =	shalt  }
0x54: {  	_ =	shalt  }
0x55: {  	_ =	shalt  }
0x56: {  	_ =	shalt  }
0x57: {  	_ =	shalt  }
0x58: {  	_ =	shalt  }
0x59: {  	_ =	shalt  }
0x5a: {  	_ =	shalt  }
0x5b: {  	_ =	shalt  }
0x5c: {  	_ =	shalt  }
0x5d: {  	_ =	shalt  }
0x5e: {  	_ =	shalt  }
0x5f: {  	_ =	shalt  }
0x60: {  	_ =	shalt  }
0x61: {  	_ =	shalt  }
0x62: {  	_ =	shalt  }
0x63: {  	_ =	shalt  }
0x64: {  	_ =	shalt  }
0x65: {  	_ =	shalt  }
0x66: {  	_ =	shalt  }
0x67: {  	_ =	shalt  }
0x68: {  	_ =	shalt  }
0x69: {  	_ =	shalt  }
0x6a: {  	_ =	shalt  }
0x6b: {  	_ =	shalt  }
0x6c: {  	_ =	shalt  }
0x6d: {  	_ =	shalt  }
0x6e: {  	_ =	shalt  }
0x6f: {  	_ =	shalt  }
0x70: {  	_ =	shalt  }
0x71: {  	_ =	shalt  }
0x72: {  	_ =	shalt  }
0x73: {  	_ =	shalt  }
0x74: {  	_ =	shalt  }
0x75: {  	_ =	shalt  }
0x76: {  	_ =	shalt  }
0x77: {  	_ =	shalt  }
0x78: {  	_ =	shalt  }
0x79: {  	_ =	shalt  }
0x7a: {  	_ =	shalt  }
0x7b: {  	_ =	shalt  }
0x7c: {  	_ =	shalt  }
0x7d: {  	_ =	shalt  }
0x7e: {  	_ =	shalt  }
0x7f: {  	_ =	shalt  }
0x80: {  	_ =	shalt  }
0x81: {  	_ =	shalt  }
0x82: {  	_ =	shalt  }
0x83: {  	_ =	shalt  }
0x84: {  	_ =	shalt  }
0x85: {  	_ =	shalt  }
0x86: {  	_ =	shalt  }
0x87: {  	_ =	shalt  }
.Lfunc_end0:
.L_simem_size_0:
called_computation.2_lowered:
.L_overlay_start_0:
0x88: {  	s2 =	sld [smem:$0x3FD9]  }
0x89: {  	s3 =	sld [smem:$0x3FFE];
	_ =	sdelay $0x1  }
0x8a: {  	s1 =	srdreg.scid  }
0x8b: {  	s0 =	sand.u32 $0x1, s1  }
0x8c: {  	s17 =	sshll.u32 s0, $0xA;
	s2 =	sadd.s32 s3, s2  }
0x8d: {  	s2 =	sadd.s32 s2, s17  }
0x8e: {  	[smem:$0x3FC0] =	sst s2  }
0x8f: {  	_ = 	snop  }
0x90: {  	s2 =	sld [smem:$0x3FD0];
	(tm) =	ssettm $0x1  }
0x91: {  	s18 =	sld [smem:$0x3FFB];
	_ =	sdelay $0x3  }
0x92: {  	_ =	strace s18  }
0x93: {  	s3 =	sld [smem:$0x3FFC];
	_ =	sdelay $0x3  }
0x94: {  	_ =	strace s3  }
0x95: {  	s3 =	sld [smem:$0x3FFD];
	_ =	sdelay $0x3  }
0x96: {  	_ =	strace s3  }
0x97: {  	_ =	strace $0x8FFFFFFF  }
0x98: {  	s19 =	sld [smem:$0x3FDB];
	_ =	sdelay $0x1  }
0x99: {  	s4 =	simm.s32 $_scs_section_size  }
0x9a: {  	s5 =	simm.s32 $_size__tile_overlayer_lowered;
	s6 =	simm.s32 $_tile_overlayer_lowered  }
0x9b: {  	s22 =	simm.s32 $0x1BFF;
	s21 =	sshll.u32 s6, $0x1;
	s3 =	sadd.s32 s4, s19  }
0x9c: {  	s7 =	simm.s32 $0x0;
	s20 =	sshll.u32 s5, $0x1;
	s5 =	sadd.s32 s21, s3  }
0x9d: {  	[timem:s7], [sflag:s22] =	dma.local [hbm:s5], s20  }
0x9e: {  	_ =	swait.ge [sflag:s22], s20  }
0x9f: {  	s4 =	ssub.s32 $0x0, s20;
	[sflag:s22] =	ssyncset.done $0x0  }
0xa0: {  	[sflag:s22] =	ssyncadd.s32 s4;
	_ =	sdelay $0x1  }
0xa1: {  	s23 =	simm.s32 $0x1B8B  }
0xa2: {  	_ =	swait.ge [sflag:s23], $0x1  }
0xa3: {  	[sflag:s23] =	ssyncset.done $0x0  }
0xa4: {  	s25 =	simm.s32 $0x1B8E;
	s24 =	sld [smem:$0x3FFE];
	[sflag:s23] =	ssyncadd.s32 $0xFFFFFFFF  }
0xa5: {  	s26 =	simm.s32 $execute0_lowered;
	[smem:$0x3FD2] =	sst s25  }
0xa6: {  	s5 =	sshll.u32 s26, $0x1;
	_ =	strace $0x8000004C;
	[dreg:$0x1] =	wrdreg $0xFFFFFFFF  }
0xa7: {  	s28 =	simm.s32 $_size_execute0_lowered;
	s3 =	sadd.s32 s3, s5;
	[dreg:$0x0] =	wrdreg $0x0  }
0xa8: {  	s5 =	sshll.u32 s28, $0x1;
	[dreg:$0x2] =	wrdreg s3  }
0xa9: {  	[dreg:$0x3] =	wrdreg s5  }
0xaa: {  	[dreg:$0x4] =	wrdreg $0xC0  }
0xab: {  	_ =	task [dreg:s7], $0x5FFFF  }
0xac: {  	[dreg:$0x1] =	wrdreg $0xFFFFFFFF  }
0xad: {  	[dreg:$0x0] =	wrdreg $0x60  }
0xae: {  	[dreg:$0x2] =	wrdreg s24  }
0xaf: {  	[dreg:$0x3] =	wrdreg s2  }
0xb0: {  	[dreg:$0x4] =	wrdreg $0x83000  }
0xb1: {  	[dreg:$0x5] =	wrdreg $0x5B000  }
0xb2: {  	[dreg:$0x6] =	wrdreg $0x9  }
0xb3: {  	_ =	task.clear_ibuf [dreg:s7], $0x7FFFF;
	_ =	strace $0x9000004C  }
0xb4: {  	s29 =	simm.s32 $0x9;
	_ =	strace $0x8000004E  }
0xb5: {  	_ =	swait.ge [sflag:s29], $0x1  }
0xb6: {  	[sflag:s29] =	ssyncadd.s32 $0xFFFFFFFF  }
0xb7: {  	_ =	strace $0x9000004E  }
0xb8: {  	_ =	sfence  }
0xb9: {  	s30 =	sld [smem:$0x0];
	_ =	sdelay $0x2  }
0xba: {  	s31 =	sshll.u32 s1, $0xD;
	s1 =	sshrl.u32 s1, $0x2  }
0xbb: {  	s3 =	sand.u32 $0x4000, s31;
	s1 =	sadd.s32 s1, s30  }
0xbc: {  	s0 =	sor.u32 s3, s0;
	s1 =	sshll.u32 s1, $0x11  }
0xbd: {  	s0 =	sor.u32 s1, s0  }
0xbe: {  	s0 =	sadd.s32 $0x8F2B, s0  }
0xbf: {  	[sflag:s0] =	ssyncadd.remote.s32 $0x1  }
0xc0: {  	_ =	sfence.sel $0xFFFF  }
0xc1: {  	[dreg:$0x0] =	wrdreg $0xFFFFFFFF;
	(pc) =	sbr.abs _section_cstart, $3  }
0xc2: {  	[dreg:$0x1] =	wrdreg $0xFFFFFFFF  }
0xc3: {  	_ =	task.clear_ibuf [dreg:s7], $0x2FFFF;
	_ =	strace $0x9FFFFFFF  }
0xc4: {  	(tm) =	ssettm $0x7FFFFFFF  }
0xc5: {  	_ =	shalt  }
tec
execute0_lowered:
.L_overlay_start_1:
0x0: {  	(tag) =	ssettag $0x1  }
0x1: {  	s5 =	rddreg [dreg:$0x0]  }
0x2: {  	s18 =	rddreg [dreg:$0x1]  }
0x3: {  	s2 =	rddreg [dreg:$0x2]  }
0x4: {  	s0 =	stileid.u32;
	s1 =	srdreg.scid  }
0x5: {  	s3 =	rddreg [dreg:$0x3];
	s4 =	simm.s32 $0x0;
	s7 =	smul.u32 $0x4E20, s0  }
0x6: {  	s21 =	simm.s32 $0x2780;
	s24 =	simm.s32 $0x5700;
	s8 =	smul.u32 $0x2780, s0  }
0x7: {  	s25 =	simm.s32 $0x80;
	s28 =	simm.s32 $0x1;
	s16 =	smul.u32 $0x5000, s0  }
0x8: {  	s29 =	simm.s32 $0x0;
	s11 =	sand.u32 $0x1, s1;
	s30 =	smul.u32 $0xA000, s0  }
0x9: {  	[smem:$0x7FF] =	sst s4;
	s22 =	sshll.u32 s0, $0x6;
	s6 =	smul.u32 $0x27800, s11  }
0xa: {  	_ =	strace $0x8000004D;
	s26 =	ssub.s32 $0x2, s11;
	s20 =	smul.u32 $0x50000, s11  }
0xb: {  	s22 =	sor.u32 $0x1C02, s22;
	s9 =	sshrl.u32 s7, $0x4;
	s10 =	sshrl.u32 s26, $0x1  }
0xc: {  	s7 =	sshrl.u32 s7, $0x1;
	s31 =	sshrl.u32 s16, $0x1;
	s12 =	sshrl.u32 s30, $0x2  }
0xd: {  	s9 =	sadd.s32 s9, s5;
	s6 =	sadd.s32 s8, s6;
	s19 =	ssub.s32 s26, s10  }
0xe: {  	s23 =	sadd.s32 s7, s2;
	s8 =	sadd.s32 s31, s3;
	s17 =	sadd.s32 s12, s3  }
0xf: {  	s20 =	sadd.s32 s16, s20;
	s26 =	simm.s32 $0x4F00;
	s6 =	sshrl.u32 s6, $0x3  }
0x10: {  	s7 =	sadd.s32 $0x2400, s9;
	s9 =	sadd.s32 $0x400, s17;
	s10 =	sadd.s32 $0x800, s17  }
0x11: {  	s11 =	sadd.s32 $0xC00, s17;
	s12 =	sadd.s32 $0x1000, s17;
	s13 =	sadd.s32 $0x1400, s17  }
0x12: {  	s14 =	sadd.s32 $0x1800, s17;
	s15 =	sadd.s32 $0x1C00, s17;
	s16 =	sadd.s32 $0x2000, s17  }
0x13: {  	s17 =	sadd.s32 $0x2400, s17;
	s20 =	sshrl.u32 s20, $0x4;
	s19 =	smax.u32 s19, $0x1  }
0x14: {  	s23 =	sshrl.u32 s23, $0x3;
	s6 =	sadd.s32 s6, s5;
	s18 =	sadd.s32 s18, s20  }
0x15: {  	v0 =	vimm.bf16 $0.0e+00;
	s20 =	simm.s32 $0x2;
	s5 =	sadd.s32 $0x15E00, s6;
	s6 =	sadd.s32 $0x1FC00, s6  }
.LBB2_1:
0x16: {  	[tilespmem:s4], [sflag:$0x2] =	stream.linear.gather [hbm4b:s5+s4], $0x2780, $0x38;
	[tilespmem:$0xAA10] =	vst v63  }
0x17: {  	_ =	swait.ge [sflag:s20], $0x2780  }
0x18: {  	[sflag:s20] =	ssyncset.done $0x0  }
0x19: {  	[sflag:s20] =	ssyncadd.s32 $0xFFFFD880  }
0x1a: {  	[tilespmem:s21], [sflag:$0x2] =	stream.linear.gather [hbm4b:s6+s4], $0x2780, $0x38;
	[tilespmem:$0xAA10] =	vst v63  }
0x1b: {  	_ =	swait.ge [sflag:s20], $0x2780  }
0x1c: {  	[sflag:s20] =	ssyncset.done $0x0  }
0x1d: {  	[sflag:s20] =	ssyncadd.s32 $0xFFFFD880  }
0x1e: {  	[spmem:s23], [sflag:s22] =	dma.local [hbm:s7], $0x4E2  }
0x1f: {  	_ =	swait.ge [sflag:s20], $0x4E2  }
0x20: {  	[sflag:s20] =	ssyncset.done $0x0  }
0x21: {  	s30 =	simm.s32 $0x40;
	s31 =	simm.s32 $0x0;
	[sflag:s20] =	ssyncadd.s32 $0xFFFFFB1E  }
.LBB2_2:
0x22: {  	p0 =	sne.s32 s30, $0xFC0;
	[tilespmem:s31+$0x5700] =	vst v0;
	s31 =	smov.u32 s30;
	s30 =	sadd.s32 $0x40, s30  }
.Ltmp0:
0x23: {  	(pc) =	sbr.rel @p0 .LBB2_2-.Ltmp0, $2  }
0x24: {  	_ =	sdelay $0x2  }
0x25: {  	s31 =	sshra.s32 s31, $0x2  }
0x26: {  	[tilespmem:s31+$0x5700] =	vst v0  }
0x27: {  	[spmem:s8] =	stream.linear.scatter [tilespmem:s24], [sflag:$0x2], $0x400, $0x38;
	[tilespmem:$0xAA10] =	vst v63  }
0x28: {  	_ =	swait.ge [sflag:s20], $0x400  }
0x29: {  	[sflag:s20] =	ssyncset.done $0x0  }
0x2a: {  	[sflag:s20] =	ssyncadd.s32 $0xFFFFFC00  }
0x2b: {  	[spmem:s9] =	stream.linear.scatter [tilespmem:s24], [sflag:$0x2], $0x400, $0x38;
	[tilespmem:$0xAA10] =	vst v63  }
0x2c: {  	_ =	swait.ge [sflag:s20], $0x400  }
0x2d: {  	[sflag:s20] =	ssyncset.done $0x0  }
0x2e: {  	[sflag:s20] =	ssyncadd.s32 $0xFFFFFC00  }
0x2f: {  	[spmem:s10] =	stream.linear.scatter [tilespmem:s24], [sflag:$0x2], $0x400, $0x38;
	[tilespmem:$0xAA10] =	vst v63  }
0x30: {  	_ =	swait.ge [sflag:s20], $0x400  }
0x31: {  	[sflag:s20] =	ssyncset.done $0x0  }
0x32: {  	[sflag:s20] =	ssyncadd.s32 $0xFFFFFC00  }
0x33: {  	[spmem:s11] =	stream.linear.scatter [tilespmem:s24], [sflag:$0x2], $0x400, $0x38;
	[tilespmem:$0xAA10] =	vst v63  }
0x34: {  	_ =	swait.ge [sflag:s20], $0x400  }
0x35: {  	[sflag:s20] =	ssyncset.done $0x0  }
0x36: {  	[sflag:s20] =	ssyncadd.s32 $0xFFFFFC00  }
0x37: {  	[spmem:s12] =	stream.linear.scatter [tilespmem:s24], [sflag:$0x2], $0x400, $0x38;
	[tilespmem:$0xAA10] =	vst v63  }
0x38: {  	_ =	swait.ge [sflag:s20], $0x400  }
0x39: {  	[sflag:s20] =	ssyncset.done $0x0  }
0x3a: {  	[sflag:s20] =	ssyncadd.s32 $0xFFFFFC00  }
0x3b: {  	[spmem:s13] =	stream.linear.scatter [tilespmem:s24], [sflag:$0x2], $0x400, $0x38;
	[tilespmem:$0xAA10] =	vst v63  }
0x3c: {  	_ =	swait.ge [sflag:s20], $0x400  }
0x3d: {  	[sflag:s20] =	ssyncset.done $0x0  }
0x3e: {  	[sflag:s20] =	ssyncadd.s32 $0xFFFFFC00  }
0x3f: {  	[spmem:s14] =	stream.linear.scatter [tilespmem:s24], [sflag:$0x2], $0x400, $0x38;
	[tilespmem:$0xAA10] =	vst v63  }
0x40: {  	_ =	swait.ge [sflag:s20], $0x400  }
0x41: {  	[sflag:s20] =	ssyncset.done $0x0  }
0x42: {  	[sflag:s20] =	ssyncadd.s32 $0xFFFFFC00  }
0x43: {  	[spmem:s15] =	stream.linear.scatter [tilespmem:s24], [sflag:$0x2], $0x400, $0x38;
	[tilespmem:$0xAA10] =	vst v63  }
0x44: {  	_ =	swait.ge [sflag:s20], $0x400  }
0x45: {  	[sflag:s20] =	ssyncset.done $0x0  }
0x46: {  	[sflag:s20] =	ssyncadd.s32 $0xFFFFFC00  }
0x47: {  	[spmem:s16] =	stream.linear.scatter [tilespmem:s24], [sflag:$0x2], $0x400, $0x38;
	[tilespmem:$0xAA10] =	vst v63  }
0x48: {  	_ =	swait.ge [sflag:s20], $0x400  }
0x49: {  	[sflag:s20] =	ssyncset.done $0x0  }
0x4a: {  	[sflag:s20] =	ssyncadd.s32 $0xFFFFFC00  }
0x4b: {  	[spmem:s17] =	stream.linear.scatter [tilespmem:s24], [sflag:$0x2], $0x400, $0x38;
	[tilespmem:$0xAA10] =	vst v63  }
0x4c: {  	_ =	swait.ge [sflag:s20], $0x400  }
0x4d: {  	[sflag:s20] =	ssyncset.done $0x0  }
0x4e: {  	[sflag:s20] =	ssyncadd.s32 $0xFFFFFC00  }
0x4f: {  	s30 =	simm.s32 $0x0;
	[bflag:$0x0] =	sbarrier.arrive $0xFFFF  }
0x50: {  	[tilespmem:s26], [sflag:$0x1] =	stream.indirect.gather [spmem:s2], $0x10, s30, s25, $0xb8;
	[tilespmem:$0xAA10] =	vst v63  }
0x51: {  	_ =	swait.ge [sflag:s28], $0x800  }
0x52: {  	[sflag:s28] =	ssyncset.done $0x0  }
0x53: {  	s30 =	simm.s32 $0x2780;
	[sflag:s28] =	ssyncadd.s32 $0xFFFFF800  }
0x54: {  	[spmem:s3] =	stream.indirect.scatter.add.bf16 [tilespmem:s26], [sflag:$0x2], $0x10, s30, s25, $0xb8;
	[tilespmem:$0xAA10] =	vst v63  }
0x55: {  	_ =	swait.ge [sflag:s20], $0x800  }
0x56: {  	s31 =	simm.s32 $0x400;
	s30 =	simm.s32 $0x200;
	[sflag:s20] =	ssyncset.done $0x0  }
.LBB2_4:
0x57: {  	s1 =	sshra.s32 s30, $0x2  }
0x58: {  	[sflag:s20] =	ssyncadd.s32 $0xFFFFF800;
	s30 =	smov.u32 s31;
	s0 =	sadd.s32 $0x200, s31  }
0x59: {  	[tilespmem:s26], [sflag:$0x1] =	stream.indirect.gather [spmem:s2], $0x10, s1, s25, $0xb8;
	[tilespmem:$0xAA10] =	vst v63  }
0x5a: {  	p0 =	sne.s32 s31, $0x9C00;
	_ =	swait.ge [sflag:s28], $0x800  }
.Ltmp1:
0x5b: {  	[sflag:s28] =	ssyncset.done $0x0;
	(pc) =	sbr.rel @p0 .LBB2_4-.Ltmp1, $4  }
0x5c: {  	s1 =	sadd.s32 $0x2780, s1;
	[sflag:s28] =	ssyncadd.s32 $0xFFFFF800  }
0x5d: {  	[spmem:s3] =	stream.indirect.scatter.add.bf16 [tilespmem:s26], [sflag:$0x2], $0x10, s1, s25, $0xb8;
	[tilespmem:$0xAA10] =	vst v63  }
0x5e: {  	_ =	swait.ge [sflag:s20], $0x800  }
0x5f: {  	s31 =	smov.u32 s0;
	[sflag:s20] =	ssyncset.done $0x0  }
0x60: {  	s0 =	sshra.s32 s30, $0x2;
	[sflag:s20] =	ssyncadd.s32 $0xFFFFF800  }
0x61: {  	[tilespmem:s26], [sflag:$0x1] =	stream.indirect.gather [spmem:s2], $0x10, s0, s25, $0xb8;
	[tilespmem:$0xAA10] =	vst v63  }
0x62: {  	_ =	swait.ge [sflag:s28], $0x800  }
0x63: {  	[sflag:s28] =	ssyncset.done $0x0  }
0x64: {  	s0 =	sadd.s32 $0x2780, s0;
	[sflag:s28] =	ssyncadd.s32 $0xFFFFF800  }
0x65: {  	[spmem:s3] =	stream.indirect.scatter.add.bf16 [tilespmem:s26], [sflag:$0x2], $0x10, s0, s25, $0xb8;
	[tilespmem:$0xAA10] =	vst v63  }
0x66: {  	_ =	swait.ge [sflag:s20], $0x800  }
0x67: {  	s29 =	sadd.s32 $0x1, s29;
	[sflag:s20] =	ssyncset.done $0x0  }
0x68: {  	p0 =	sne.s32 s29, s19;
	[sflag:s20] =	ssyncadd.s32 $0xFFFFF800  }
.Ltmp2:
0x69: {  	s31 =	sshrl.u32 s8, $0x3;
	[bflag:$0x0] =	sbarrier.arrive $0xFFFF;
	(pc) =	sbr.rel @p0 .LBB2_1-.Ltmp2, $4  }
0x6a: {  	[hbm:s18], [sflag:s22] =	dma.local [spmem:s31], $0x500  }
0x6b: {  	_ =	swait.ge [sflag:s20], $0x500  }
0x6c: {  	[sflag:s20] =	ssyncset.done $0x0  }
0x6d: {  	[sflag:s20] =	ssyncadd.s32 $0xFFFFFB00  }
0x6e: {  	_ =	sfence.sel $0x180000  }
0x6f: {  	[bflag:$0x0] =	sbarrier.arrive $0xFFFF  }
0x70: {  	_ =	strace $0x9000004D  }
0x71: {  	s0 =	stileid.u32;
	[bflag:$0x2] =	sbarrier.arrive $0xFFFF  }
0x72: {  	p0 =	sne.s32 s0, $0x0;
	s0 =	rddreg [dreg:$0x4]  }
0x73: {  	s0 =	sadd.s32 @!p0 $0x100000, s0  }
0x74: {  	[sflag:s0] =	ssyncadd.tile.s32 @!p0 $0x1;
	_ =	shalt  }
.Lfunc_end2:
_tile_overlayer_lowered:
.L_overlay_start_2:
0x75: {  	(tag) =	ssettag $0x2  }
0x76: {  	s0 =	rddreg [dreg:$0x0];
	s2 =	stileid.u32  }
0x77: {  	s1 =	rddreg [dreg:$0x1];
	p0 =	sne.s32 s2, $0x0  }
0x78: {  	s3 =	rddreg [dreg:$0x2];
	[bflag:$0x3] =	sbarrier.arrive $0xFFFF;
	s2 =	simm.s32 @!p0 $0x1C02  }
0x79: {  	[timem:s3], [sflag:s2] =	dma.local @!p0 [hbm:s0], s1  }
0x7a: {  	s0 =	simm.s32 @!p0 $0x2  }
0x7b: {  	_ =	swait.ge @!p0 [sflag:s0], s1  }
0x7c: {  	s1 =	ssub.s32 @!p0 $0x0, s1;
	[sflag:s0] =	ssyncset.done @!p0 $0x0  }
0x7d: {  	[sflag:s0] =	ssyncadd.s32 @!p0 s1  }
0x7e: {  	[bflag:$0x3] =	sbarrier.arrive $0xFFFF  }
0x7f: {  	_ =	shalt  }

// kernel: kernel.20.cloned.1.call-start
scs
__scs_entry_jumppad:
0x0: {  	(pc) =	sbr.rel $0x88, $3  }
0x1: {  	(tag) =	ssettag $0x0;
	lr =	simm.s32 $0x1  }
0x2: {  	[smem:$0x3F99] =	sst lr;
	_ =	strace $0xD0000000  }
0x3: {  	_ = 	snop  }
0x4: {  	_ = 	snop  }
0x5: {  	_ = 	snop  }
0x6: {  	_ = 	snop  }
0x7: {  	_ = 	snop  }
__scs_overlays_trampoline_lowered:
0x8: {  	[smem:$0x3FA8] =	sst s0  }
0x9: {  	[smem:$0x3FA9] =	sst s1  }
0xa: {  	[smem:$0x3FAA] =	sst s2  }
0xb: {  	[smem:$0x3FAB] =	sst s3  }
0xc: {  	[smem:$0x3FAC] =	sst s4  }
0xd: {  	[smem:$0x3FAD] =	sst s5  }
0xe: {  	[smem:$0x3FAE] =	sst s6  }
0xf: {  	[smem:$0x3FAF] =	sst s7  }
0x10: {  	[smem:$0x3FB0] =	sst s8  }
0x11: {  	[smem:$0x3FB1] =	sst s9;
	s0 =	simm.s32 @!p0 $0x0  }
0x12: {  	s1 =	sld [smem:$0x3F97];
	s0 =	simm.s32 @p0 $0x1  }
0x13: {  	[smem:$0x3FB2] =	sst s0;
	s0 =	simm.s32 @!p1 $0x0  }
0x14: {  	s2 =	sld [smem:$0x3F96];
	s0 =	simm.s32 @p1 $0x1  }
0x15: {  	[smem:$0x3FB3] =	sst s0;
	s0 =	simm.s32 @!p2 $0x0  }
0x16: {  	s3 =	sld [smem:$0x3FDB];
	s0 =	simm.s32 @p2 $0x1  }
0x17: {  	s4 =	simm.s32 $0x1BF5;
	[smem:$0x3FB5] =	sst s0  }
0x18: {  	s0 =	sld [smem:$0x3F98];
	_ =	swait.ge [sflag:s4], $0x0  }
0x19: {  	s7 =	sld [smem:$0x3F99]  }
0x1a: {  	s8 =	sadd.s32 $0xFFFFE003, lr  }
0x1b: {  	s9 =	sadd.s32 $0xFFFFFEF7, lr;
	s5 =	simm.s32 $0xFFFFFFFF;
	p2 =	slt.u32 s8, $0xFFFFF086  }
0x1c: {  	p1 =	slt.u32 s9, $0xF7A;
	s5 =	simm.s32 @!p2 $0x0  }
0x1d: {  	s5 =	simm.s32 @p1 $0x1;
	p0 =	seq.s32 s7, s2  }
0x1e: {  	s7 =	smul.u32 @!p0 $0xF7A, s2;
	p2 =	seq.s32 @!p0 s5, $0x0  }
0x1f: {  	s9 =	smul.u32 $0xF7A, s1;
	s8 =	simm.s32 @!p0 $0x1BF5;
	p2 =	por !p2, p0  }
0x20: {  	[sflag:s8] =	ssyncset.s32 @!p0 $0xFFFFF086;
	s6 =	sadd.s32 @!p0 s3, s7;
	s7 =	simm.s32 @!p0 $0x108  }
0x21: {  	s3 =	sadd.s32 s3, s9;
	s6 =	sadd.s32 @!p0 $0x88, s6;
	s7 =	simm.s32 @p2 $0x1082  }
0x22: {  	[simem:s7], [sflag:s8] =	dma.local @!p0 [hbm:s6], $0xF7A  }
0x23: {  	s9 =	sor.u32 $0xD0000000, s2;
	s6 =	simm.s32 $0x108;
	_ =	swait.ge @!p0 [sflag:s8], $0x0  }
0x24: {  	s3 =	sadd.s32 $0x88, s3;
	s6 =	simm.s32 @!p1 $0x1082;
	[sflag:s4] =	ssyncset.s32 $0xFFFFF086  }
0x25: {  	[simem:s6], [sflag:s4] =	dma.local [hbm:s3], $0xF7A  }
0x26: {  	[smem:$0x3F99] =	sst s1;
	(tag) =	ssettag s2;
	_ =	strace s9  }
0x27: {  	s1 =	sld [smem:$0x3FA9]  }
0x28: {  	s2 =	sld [smem:$0x3FAA]  }
0x29: {  	s4 =	sld [smem:$0x3FAC]  }
0x2a: {  	p0 =	seq.s32 s5, $0x0;
	s5 =	sld [smem:$0x3FAD]  }
0x2b: {  	s6 =	sld [smem:$0x3FAE]  }
0x2c: {  	s7 =	sld [smem:$0x3FAF]  }
0x2d: {  	s3 =	simm.s32 $0x108;
	s8 =	sld [smem:$0x3FB0]  }
0x2e: {  	s3 =	simm.s32 @!p0 $0x1082;
	s9 =	sld [smem:$0x3FB1]  }
0x2f: {  	lr =	sadd.s32 s0, s3;
	s0 =	sld [smem:$0x3FA8]  }
0x30: {  	s3 =	sld [smem:$0x3FAB]  }
0x31: {  	[smem:$0x3FB4] =	sst s10  }
0x32: {  	s10 =	sld [smem:$0x3FB2];
	_ =	sdelay $0x3  }
0x33: {  	p0 =	seq.s32 s10, $0x1;
	s10 =	sld [smem:$0x3FB4];
	_ =	sdelay $0x3  }
0x34: {  	[smem:$0x3FB4] =	sst s10  }
0x35: {  	s10 =	sld [smem:$0x3FB3];
	_ =	sdelay $0x3  }
0x36: {  	p1 =	seq.s32 s10, $0x1;
	s10 =	sld [smem:$0x3FB4];
	_ =	sdelay $0x3  }
0x37: {  	[smem:$0x3FB4] =	sst s10  }
0x38: {  	s10 =	sld [smem:$0x3FB5]  }
0x39: {  	_ = 	snop;
	(pc) =	sbr.ind lr, $3  }
0x3a: {  	_ = 	snop  }
0x3b: {  	_ = 	snop  }
0x3c: {  	p2 =	seq.s32 s10, $0x1;
	s10 =	sld [smem:$0x3FB4]  }
0x3d: {  	_ =	shalt  }
0x3e: {  	_ =	shalt  }
0x3f: {  	_ =	shalt  }
0x40: {  	_ =	shalt  }
0x41: {  	_ =	shalt  }
0x42: {  	_ =	shalt  }
0x43: {  	_ =	shalt  }
0x44: {  	_ =	shalt  }
0x45: {  	_ =	shalt  }
0x46: {  	_ =	shalt  }
0x47: {  	_ =	shalt  }
0x48: {  	_ =	shalt  }
0x49: {  	_ =	shalt  }
0x4a: {  	_ =	shalt  }
0x4b: {  	_ =	shalt  }
0x4c: {  	_ =	shalt  }
0x4d: {  	_ =	shalt  }
0x4e: {  	_ =	shalt  }
0x4f: {  	_ =	shalt  }
0x50: {  	_ =	shalt  }
0x51: {  	_ =	shalt  }
0x52: {  	_ =	shalt  }
0x53: {  	_ =	shalt  }
0x54: {  	_ =	shalt  }
0x55: {  	_ =	shalt  }
0x56: {  	_ =	shalt  }
0x57: {  	_ =	shalt  }
0x58: {  	_ =	shalt  }
0x59: {  	_ =	shalt  }
0x5a: {  	_ =	shalt  }
0x5b: {  	_ =	shalt  }
0x5c: {  	_ =	shalt  }
0x5d: {  	_ =	shalt  }
0x5e: {  	_ =	shalt  }
0x5f: {  	_ =	shalt  }
0x60: {  	_ =	shalt  }
0x61: {  	_ =	shalt  }
0x62: {  	_ =	shalt  }
0x63: {  	_ =	shalt  }
0x64: {  	_ =	shalt  }
0x65: {  	_ =	shalt  }
0x66: {  	_ =	shalt  }
0x67: {  	_ =	shalt  }
0x68: {  	_ =	shalt  }
0x69: {  	_ =	shalt  }
0x6a: {  	_ =	shalt  }
0x6b: {  	_ =	shalt  }
0x6c: {  	_ =	shalt  }
0x6d: {  	_ =	shalt  }
0x6e: {  	_ =	shalt  }
0x6f: {  	_ =	shalt  }
0x70: {  	_ =	shalt  }
0x71: {  	_ =	shalt  }
0x72: {  	_ =	shalt  }
0x73: {  	_ =	shalt  }
0x74: {  	_ =	shalt  }
0x75: {  	_ =	shalt  }
0x76: {  	_ =	shalt  }
0x77: {  	_ =	shalt  }
0x78: {  	_ =	shalt  }
0x79: {  	_ =	shalt  }
0x7a: {  	_ =	shalt  }
0x7b: {  	_ =	shalt  }
0x7c: {  	_ =	shalt  }
0x7d: {  	_ =	shalt  }
0x7e: {  	_ =	shalt  }
0x7f: {  	_ =	shalt  }
0x80: {  	_ =	shalt  }
0x81: {  	_ =	shalt  }
0x82: {  	_ =	shalt  }
0x83: {  	_ =	shalt  }
0x84: {  	_ =	shalt  }
0x85: {  	_ =	shalt  }
0x86: {  	_ =	shalt  }
0x87: {  	_ =	shalt  }
.Lfunc_end0:
.L_simem_size_0:
called_computation.3_lowered:
.L_overlay_start_0:
0x88: {  	s2 =	sld [smem:$0x3FD9]  }
0x89: {  	s3 =	sld [smem:$0x3FFE];
	_ =	sdelay $0x1  }
0x8a: {  	s1 =	srdreg.scid  }
0x8b: {  	s0 =	sand.u32 $0x1, s1  }
0x8c: {  	s17 =	sshll.u32 s0, $0xA;
	s2 =	sadd.s32 s3, s2  }
0x8d: {  	s2 =	sadd.s32 s2, s17  }
0x8e: {  	[smem:$0x3FC0] =	sst s2  }
0x8f: {  	_ = 	snop  }
0x90: {  	s2 =	sld [smem:$0x3FD0];
	(tm) =	ssettm $0x1  }
0x91: {  	s18 =	sld [smem:$0x3FFB];
	_ =	sdelay $0x3  }
0x92: {  	_ =	strace s18  }
0x93: {  	s3 =	sld [smem:$0x3FFC];
	_ =	sdelay $0x3  }
0x94: {  	_ =	strace s3  }
0x95: {  	s3 =	sld [smem:$0x3FFD];
	_ =	sdelay $0x3  }
0x96: {  	_ =	strace s3  }
0x97: {  	_ =	strace $0x8FFFFFFF  }
0x98: {  	s19 =	sld [smem:$0x3FDB];
	_ =	sdelay $0x1  }
0x99: {  	s4 =	simm.s32 $_scs_section_size  }
0x9a: {  	s5 =	simm.s32 $_size__tile_overlayer_lowered;
	s6 =	simm.s32 $_tile_overlayer_lowered  }
0x9b: {  	s22 =	simm.s32 $0x1BFF;
	s21 =	sshll.u32 s6, $0x1;
	s3 =	sadd.s32 s4, s19  }
0x9c: {  	s7 =	simm.s32 $0x0;
	s20 =	sshll.u32 s5, $0x1;
	s5 =	sadd.s32 s21, s3  }
0x9d: {  	[timem:s7], [sflag:s22] =	dma.local [hbm:s5], s20  }
0x9e: {  	_ =	swait.ge [sflag:s22], s20  }
0x9f: {  	s4 =	ssub.s32 $0x0, s20;
	[sflag:s22] =	ssyncset.done $0x0  }
0xa0: {  	[sflag:s22] =	ssyncadd.s32 s4;
	_ =	sdelay $0x1  }
0xa1: {  	s23 =	simm.s32 $0x1B8B  }
0xa2: {  	_ =	swait.ge [sflag:s23], $0x1  }
0xa3: {  	[sflag:s23] =	ssyncset.done $0x0  }
0xa4: {  	s25 =	simm.s32 $0x1B8E;
	s24 =	sld [smem:$0x3FFE];
	[sflag:s23] =	ssyncadd.s32 $0xFFFFFFFF  }
0xa5: {  	s26 =	simm.s32 $execute0_lowered;
	[smem:$0x3FD2] =	sst s25  }
0xa6: {  	s5 =	sshll.u32 s26, $0x1;
	_ =	strace $0x8000004F;
	[dreg:$0x1] =	wrdreg $0xFFFFFFFF  }
0xa7: {  	s28 =	simm.s32 $_size_execute0_lowered;
	s3 =	sadd.s32 s3, s5;
	[dreg:$0x0] =	wrdreg $0x0  }
0xa8: {  	s5 =	sshll.u32 s28, $0x1;
	[dreg:$0x2] =	wrdreg s3  }
0xa9: {  	[dreg:$0x3] =	wrdreg s5  }
0xaa: {  	[dreg:$0x4] =	wrdreg $0xC0  }
0xab: {  	_ =	task [dreg:s7], $0x5FFFF  }
0xac: {  	[dreg:$0x1] =	wrdreg $0xFFFFFFFF  }
0xad: {  	[dreg:$0x0] =	wrdreg $0x60  }
0xae: {  	[dreg:$0x2] =	wrdreg s24  }
0xaf: {  	[dreg:$0x3] =	wrdreg s2  }
0xb0: {  	[dreg:$0x4] =	wrdreg $0x83000  }
0xb1: {  	[dreg:$0x5] =	wrdreg $0x5B000  }
0xb2: {  	[dreg:$0x6] =	wrdreg $0x9  }
0xb3: {  	_ =	task.clear_ibuf [dreg:s7], $0x7FFFF;
	_ =	strace $0x9000004F  }
0xb4: {  	s29 =	simm.s32 $0x9;
	_ =	strace $0x80000051  }
0xb5: {  	_ =	swait.ge [sflag:s29], $0x1  }
0xb6: {  	[sflag:s29] =	ssyncadd.s32 $0xFFFFFFFF  }
0xb7: {  	_ =	strace $0x90000051  }
0xb8: {  	_ =	sfence  }
0xb9: {  	s30 =	sld [smem:$0x0];
	_ =	sdelay $0x2  }
0xba: {  	s31 =	sshll.u32 s1, $0xD;
	s1 =	sshrl.u32 s1, $0x2  }
0xbb: {  	s3 =	sand.u32 $0x4000, s31;
	s1 =	sadd.s32 s1, s30  }
0xbc: {  	s0 =	sor.u32 s3, s0;
	s1 =	sshll.u32 s1, $0x11  }
0xbd: {  	s0 =	sor.u32 s1, s0  }
0xbe: {  	s0 =	sadd.s32 $0x8F2B, s0  }
0xbf: {  	[sflag:s0] =	ssyncadd.remote.s32 $0x1  }
0xc0: {  	_ =	sfence.sel $0xFFFF  }
0xc1: {  	[dreg:$0x0] =	wrdreg $0xFFFFFFFF;
	(pc) =	sbr.abs _section_cstart, $3  }
0xc2: {  	[dreg:$0x1] =	wrdreg $0xFFFFFFFF  }
0xc3: {  	_ =	task.clear_ibuf [dreg:s7], $0x2FFFF;
	_ =	strace $0x9FFFFFFF  }
0xc4: {  	(tm) =	ssettm $0x7FFFFFFF  }
0xc5: {  	_ =	shalt  }
tec
execute0_lowered:
.L_overlay_start_1:
0x0: {  	(tag) =	ssettag $0x1  }
0x1: {  	s5 =	rddreg [dreg:$0x0]  }
0x2: {  	s18 =	rddreg [dreg:$0x1]  }
0x3: {  	s2 =	rddreg [dreg:$0x2]  }
0x4: {  	s0 =	stileid.u32;
	s1 =	srdreg.scid  }
0x5: {  	s3 =	rddreg [dreg:$0x3];
	s4 =	simm.s32 $0x0;
	s7 =	smul.u32 $0x4E20, s0  }
0x6: {  	s21 =	simm.s32 $0x2780;
	s24 =	simm.s32 $0x5700;
	s8 =	smul.u32 $0x2780, s0  }
0x7: {  	s25 =	simm.s32 $0x80;
	s28 =	simm.s32 $0x1;
	s16 =	smul.u32 $0x5000, s0  }
0x8: {  	s29 =	simm.s32 $0x0;
	s11 =	sand.u32 $0x1, s1;
	s30 =	smul.u32 $0xA000, s0  }
0x9: {  	[smem:$0x7FF] =	sst s4;
	s22 =	sshll.u32 s0, $0x6;
	s6 =	smul.u32 $0x27800, s11  }
0xa: {  	_ =	strace $0x80000050;
	s26 =	ssub.s32 $0x2, s11;
	s20 =	smul.u32 $0x50000, s11  }
0xb: {  	s22 =	sor.u32 $0x1C02, s22;
	s9 =	sshrl.u32 s7, $0x4;
	s10 =	sshrl.u32 s26, $0x1  }
0xc: {  	s7 =	sshrl.u32 s7, $0x1;
	s31 =	sshrl.u32 s16, $0x1;
	s12 =	sshrl.u32 s30, $0x2  }
0xd: {  	s9 =	sadd.s32 s9, s5;
	s6 =	sadd.s32 s8, s6;
	s19 =	ssub.s32 s26, s10  }
0xe: {  	s23 =	sadd.s32 s7, s2;
	s8 =	sadd.s32 s31, s3;
	s17 =	sadd.s32 s12, s3  }
0xf: {  	s20 =	sadd.s32 s16, s20;
	s26 =	simm.s32 $0x4F00;
	s6 =	sshrl.u32 s6, $0x3  }
0x10: {  	s7 =	sadd.s32 $0x2400, s9;
	s9 =	sadd.s32 $0x400, s17;
	s10 =	sadd.s32 $0x800, s17  }
0x11: {  	s11 =	sadd.s32 $0xC00, s17;
	s12 =	sadd.s32 $0x1000, s17;
	s13 =	sadd.s32 $0x1400, s17  }
0x12: {  	s14 =	sadd.s32 $0x1800, s17;
	s15 =	sadd.s32 $0x1C00, s17;
	s16 =	sadd.s32 $0x2000, s17  }
0x13: {  	s17 =	sadd.s32 $0x2400, s17;
	s20 =	sshrl.u32 s20, $0x4;
	s19 =	smax.u32 s19, $0x1  }
0x14: {  	s23 =	sshrl.u32 s23, $0x3;
	s6 =	sadd.s32 s6, s5;
	s18 =	sadd.s32 s18, s20  }
0x15: {  	v0 =	vimm.bf16 $0.0e+00;
	s20 =	simm.s32 $0x2;
	s5 =	sadd.s32 $0x15E00, s6;
	s6 =	sadd.s32 $0x1FC00, s6  }
.LBB2_1:
0x16: {  	[tilespmem:s4], [sflag:$0x2] =	stream.linear.gather [hbm4b:s5+s4], $0x2780, $0x38;
	[tilespmem:$0xAA10] =	vst v63  }
0x17: {  	_ =	swait.ge [sflag:s20], $0x2780  }
0x18: {  	[sflag:s20] =	ssyncset.done $0x0  }
0x19: {  	[sflag:s20] =	ssyncadd.s32 $0xFFFFD880  }
0x1a: {  	[tilespmem:s21], [sflag:$0x2] =	stream.linear.gather [hbm4b:s6+s4], $0x2780, $0x38;
	[tilespmem:$0xAA10] =	vst v63  }
0x1b: {  	_ =	swait.ge [sflag:s20], $0x2780  }
0x1c: {  	[sflag:s20] =	ssyncset.done $0x0  }
0x1d: {  	[sflag:s20] =	ssyncadd.s32 $0xFFFFD880  }
0x1e: {  	[spmem:s23], [sflag:s22] =	dma.local [hbm:s7], $0x4E2  }
0x1f: {  	_ =	swait.ge [sflag:s20], $0x4E2  }
0x20: {  	[sflag:s20] =	ssyncset.done $0x0  }
0x21: {  	s30 =	simm.s32 $0x40;
	s31 =	simm.s32 $0x0;
	[sflag:s20] =	ssyncadd.s32 $0xFFFFFB1E  }
.LBB2_2:
0x22: {  	p0 =	sne.s32 s30, $0xFC0;
	[tilespmem:s31+$0x5700] =	vst v0;
	s31 =	smov.u32 s30;
	s30 =	sadd.s32 $0x40, s30  }
.Ltmp0:
0x23: {  	(pc) =	sbr.rel @p0 .LBB2_2-.Ltmp0, $2  }
0x24: {  	_ =	sdelay $0x2  }
0x25: {  	s31 =	sshra.s32 s31, $0x2  }
0x26: {  	[tilespmem:s31+$0x5700] =	vst v0  }
0x27: {  	[spmem:s8] =	stream.linear.scatter [tilespmem:s24], [sflag:$0x2], $0x400, $0x38;
	[tilespmem:$0xAA10] =	vst v63  }
0x28: {  	_ =	swait.ge [sflag:s20], $0x400  }
0x29: {  	[sflag:s20] =	ssyncset.done $0x0  }
0x2a: {  	[sflag:s20] =	ssyncadd.s32 $0xFFFFFC00  }
0x2b: {  	[spmem:s9] =	stream.linear.scatter [tilespmem:s24], [sflag:$0x2], $0x400, $0x38;
	[tilespmem:$0xAA10] =	vst v63  }
0x2c: {  	_ =	swait.ge [sflag:s20], $0x400  }
0x2d: {  	[sflag:s20] =	ssyncset.done $0x0  }
0x2e: {  	[sflag:s20] =	ssyncadd.s32 $0xFFFFFC00  }
0x2f: {  	[spmem:s10] =	stream.linear.scatter [tilespmem:s24], [sflag:$0x2], $0x400, $0x38;
	[tilespmem:$0xAA10] =	vst v63  }
0x30: {  	_ =	swait.ge [sflag:s20], $0x400  }
0x31: {  	[sflag:s20] =	ssyncset.done $0x0  }
0x32: {  	[sflag:s20] =	ssyncadd.s32 $0xFFFFFC00  }
0x33: {  	[spmem:s11] =	stream.linear.scatter [tilespmem:s24], [sflag:$0x2], $0x400, $0x38;
	[tilespmem:$0xAA10] =	vst v63  }
0x34: {  	_ =	swait.ge [sflag:s20], $0x400  }
0x35: {  	[sflag:s20] =	ssyncset.done $0x0  }
0x36: {  	[sflag:s20] =	ssyncadd.s32 $0xFFFFFC00  }
0x37: {  	[spmem:s12] =	stream.linear.scatter [tilespmem:s24], [sflag:$0x2], $0x400, $0x38;
	[tilespmem:$0xAA10] =	vst v63  }
0x38: {  	_ =	swait.ge [sflag:s20], $0x400  }
0x39: {  	[sflag:s20] =	ssyncset.done $0x0  }
0x3a: {  	[sflag:s20] =	ssyncadd.s32 $0xFFFFFC00  }
0x3b: {  	[spmem:s13] =	stream.linear.scatter [tilespmem:s24], [sflag:$0x2], $0x400, $0x38;
	[tilespmem:$0xAA10] =	vst v63  }
0x3c: {  	_ =	swait.ge [sflag:s20], $0x400  }
0x3d: {  	[sflag:s20] =	ssyncset.done $0x0  }
0x3e: {  	[sflag:s20] =	ssyncadd.s32 $0xFFFFFC00  }
0x3f: {  	[spmem:s14] =	stream.linear.scatter [tilespmem:s24], [sflag:$0x2], $0x400, $0x38;
	[tilespmem:$0xAA10] =	vst v63  }
0x40: {  	_ =	swait.ge [sflag:s20], $0x400  }
0x41: {  	[sflag:s20] =	ssyncset.done $0x0  }
0x42: {  	[sflag:s20] =	ssyncadd.s32 $0xFFFFFC00  }
0x43: {  	[spmem:s15] =	stream.linear.scatter [tilespmem:s24], [sflag:$0x2], $0x400, $0x38;
	[tilespmem:$0xAA10] =	vst v63  }
0x44: {  	_ =	swait.ge [sflag:s20], $0x400  }
0x45: {  	[sflag:s20] =	ssyncset.done $0x0  }
0x46: {  	[sflag:s20] =	ssyncadd.s32 $0xFFFFFC00  }
0x47: {  	[spmem:s16] =	stream.linear.scatter [tilespmem:s24], [sflag:$0x2], $0x400, $0x38;
	[tilespmem:$0xAA10] =	vst v63  }
0x48: {  	_ =	swait.ge [sflag:s20], $0x400  }
0x49: {  	[sflag:s20] =	ssyncset.done $0x0  }
0x4a: {  	[sflag:s20] =	ssyncadd.s32 $0xFFFFFC00  }
0x4b: {  	[spmem:s17] =	stream.linear.scatter [tilespmem:s24], [sflag:$0x2], $0x400, $0x38;
	[tilespmem:$0xAA10] =	vst v63  }
0x4c: {  	_ =	swait.ge [sflag:s20], $0x400  }
0x4d: {  	[sflag:s20] =	ssyncset.done $0x0  }
0x4e: {  	[sflag:s20] =	ssyncadd.s32 $0xFFFFFC00  }
0x4f: {  	s30 =	simm.s32 $0x0;
	[bflag:$0x0] =	sbarrier.arrive $0xFFFF  }
0x50: {  	[tilespmem:s26], [sflag:$0x1] =	stream.indirect.gather [spmem:s2], $0x10, s30, s25, $0xb8;
	[tilespmem:$0xAA10] =	vst v63  }
0x51: {  	_ =	swait.ge [sflag:s28], $0x800  }
0x52: {  	[sflag:s28] =	ssyncset.done $0x0  }
0x53: {  	s30 =	simm.s32 $0x2780;
	[sflag:s28] =	ssyncadd.s32 $0xFFFFF800  }
0x54: {  	[spmem:s3] =	stream.indirect.scatter.add.bf16 [tilespmem:s26], [sflag:$0x2], $0x10, s30, s25, $0xb8;
	[tilespmem:$0xAA10] =	vst v63  }
0x55: {  	_ =	swait.ge [sflag:s20], $0x800  }
0x56: {  	s31 =	simm.s32 $0x400;
	s30 =	simm.s32 $0x200;
	[sflag:s20] =	ssyncset.done $0x0  }
.LBB2_4:
0x57: {  	s1 =	sshra.s32 s30, $0x2  }
0x58: {  	[sflag:s20] =	ssyncadd.s32 $0xFFFFF800;
	s30 =	smov.u32 s31;
	s0 =	sadd.s32 $0x200, s31  }
0x59: {  	[tilespmem:s26], [sflag:$0x1] =	stream.indirect.gather [spmem:s2], $0x10, s1, s25, $0xb8;
	[tilespmem:$0xAA10] =	vst v63  }
0x5a: {  	p0 =	sne.s32 s31, $0x9C00;
	_ =	swait.ge [sflag:s28], $0x800  }
.Ltmp1:
0x5b: {  	[sflag:s28] =	ssyncset.done $0x0;
	(pc) =	sbr.rel @p0 .LBB2_4-.Ltmp1, $4  }
0x5c: {  	s1 =	sadd.s32 $0x2780, s1;
	[sflag:s28] =	ssyncadd.s32 $0xFFFFF800  }
0x5d: {  	[spmem:s3] =	stream.indirect.scatter.add.bf16 [tilespmem:s26], [sflag:$0x2], $0x10, s1, s25, $0xb8;
	[tilespmem:$0xAA10] =	vst v63  }
0x5e: {  	_ =	swait.ge [sflag:s20], $0x800  }
0x5f: {  	s31 =	smov.u32 s0;
	[sflag:s20] =	ssyncset.done $0x0  }
0x60: {  	s0 =	sshra.s32 s30, $0x2;
	[sflag:s20] =	ssyncadd.s32 $0xFFFFF800  }
0x61: {  	[tilespmem:s26], [sflag:$0x1] =	stream.indirect.gather [spmem:s2], $0x10, s0, s25, $0xb8;
	[tilespmem:$0xAA10] =	vst v63  }
0x62: {  	_ =	swait.ge [sflag:s28], $0x800  }
0x63: {  	[sflag:s28] =	ssyncset.done $0x0  }
0x64: {  	s0 =	sadd.s32 $0x2780, s0;
	[sflag:s28] =	ssyncadd.s32 $0xFFFFF800  }
0x65: {  	[spmem:s3] =	stream.indirect.scatter.add.bf16 [tilespmem:s26], [sflag:$0x2], $0x10, s0, s25, $0xb8;
	[tilespmem:$0xAA10] =	vst v63  }
0x66: {  	_ =	swait.ge [sflag:s20], $0x800  }
0x67: {  	s29 =	sadd.s32 $0x1, s29;
	[sflag:s20] =	ssyncset.done $0x0  }
0x68: {  	p0 =	sne.s32 s29, s19;
	[sflag:s20] =	ssyncadd.s32 $0xFFFFF800  }
.Ltmp2:
0x69: {  	s31 =	sshrl.u32 s8, $0x3;
	[bflag:$0x0] =	sbarrier.arrive $0xFFFF;
	(pc) =	sbr.rel @p0 .LBB2_1-.Ltmp2, $4  }
0x6a: {  	[hbm:s18], [sflag:s22] =	dma.local [spmem:s31], $0x500  }
0x6b: {  	_ =	swait.ge [sflag:s20], $0x500  }
0x6c: {  	[sflag:s20] =	ssyncset.done $0x0  }
0x6d: {  	[sflag:s20] =	ssyncadd.s32 $0xFFFFFB00  }
0x6e: {  	_ =	sfence.sel $0x180000  }
0x6f: {  	[bflag:$0x0] =	sbarrier.arrive $0xFFFF  }
0x70: {  	_ =	strace $0x90000050  }
0x71: {  	s0 =	stileid.u32;
	[bflag:$0x2] =	sbarrier.arrive $0xFFFF  }
0x72: {  	p0 =	sne.s32 s0, $0x0;
	s0 =	rddreg [dreg:$0x4]  }
0x73: {  	s0 =	sadd.s32 @!p0 $0x100000, s0  }
0x74: {  	[sflag:s0] =	ssyncadd.tile.s32 @!p0 $0x1;
	_ =	shalt  }
.Lfunc_end2:
_tile_overlayer_lowered:
.L_overlay_start_2:
0x75: {  	(tag) =	ssettag $0x2  }
0x76: {  	s0 =	rddreg [dreg:$0x0];
	s2 =	stileid.u32  }
0x77: {  	s1 =	rddreg [dreg:$0x1];
	p0 =	sne.s32 s2, $0x0  }
0x78: {  	s3 =	rddreg [dreg:$0x2];
	[bflag:$0x3] =	sbarrier.arrive $0xFFFF;
	s2 =	simm.s32 @!p0 $0x1C02  }
0x79: {  	[timem:s3], [sflag:s2] =	dma.local @!p0 [hbm:s0], s1  }
0x7a: {  	s0 =	simm.s32 @!p0 $0x2  }
0x7b: {  	_ =	swait.ge @!p0 [sflag:s0], s1  }
0x7c: {  	s1 =	ssub.s32 @!p0 $0x0, s1;
	[sflag:s0] =	ssyncset.done @!p0 $0x0  }
0x7d: {  	[sflag:s0] =	ssyncadd.s32 @!p0 s1  }
0x7e: {  	[bflag:$0x3] =	sbarrier.arrive $0xFFFF  }
0x7f: {  	_ =	shalt  }

</sc_bundles>
